<compile_context>
chip_gen: v7x
topology: tpu7x:2x2x1
jax: 0.10.2.dev20260603
libtpu: 0.0.44.dev20260713+nightly
codegen_flags: <defaults>
</compile_context>

<pallas_src>
import functools

import jax
import jax.numpy as jnp
import numpy as np
from jax import lax
from jax.experimental import pallas as pl
from jax.experimental.pallas import tpu as pltpu
from jax.experimental.pallas import tpu_sc as plsc

_N = 512
_NF = 128
_E = 16384
_NTRI = _N * (_N + 1) // 2
_NC = 2
_NS = 16
_NW = _NC * _NS

_AROWS = _N // _NW
_ASLAB = _AROWS * _N
_NCOPY = 8
_MSLAB = _NTRI // 16

_SWEEPS = 6


def _fixed_eps():
    with jax.default_device(jax.devices("cpu")[0]):
        k1, k2 = jax.random.split(jax.random.key(42))
        e1 = np.asarray(jax.random.normal(k1, (_N, 16), jnp.float32))
        e2 = np.asarray(jax.random.normal(k2, (_N, 16), jnp.float32))
    return e1, e2


_EPS_S_NP, _EPS_Y_NP = _fixed_eps()


def _sc_body(ei_hbm, a_out, m_out, src_v, dst_v, acc_v, msk_v):
    wid = lax.axis_index("s") * _NC + lax.axis_index("c")
    pltpu.sync_copy(ei_hbm.at[0], src_v)
    pltpu.sync_copy(ei_hbm.at[1], dst_v)

    zf = jnp.zeros((16,), jnp.float32)

    def zero_acc(i, c):
        for u in range(8):
            acc_v[pl.ds(i * 128 + u * 16, 16)] = zf
        return c

    lax.fori_loop(0, (_NCOPY * _ASLAB) // 128, zero_acc, 0)

    is_mw = wid < 16

    @pl.when(is_mw)
    def _():
        def zero_m(i, c):
            for u in range(9):
                msk_v[pl.ds(i * 144 + u * 16, 16)] = zf
            return c

        lax.fori_loop(0, _MSLAB // 144, zero_m, 0)

    lane = lax.iota(jnp.int32, 16)
    low8 = lane < 8
    copy_off = jnp.where(low8, lane, lane - 8) * _ASLAB
    ones_f = jnp.ones((16,), jnp.float32)
    lo = wid * _AROWS
    mlo = wid * _MSLAB
    mhi = mlo + _MSLAB

    def step(i, c):
        for u in range(4):
            s = src_v[pl.ds(i * 64 + u * 16, 16)]
            d = dst_v[pl.ds(i * 64 + u * 16, 16)]
            r = d - lo
            inr = (r >= 0) & (r < _AROWS)
            flat = jnp.where(inr, copy_off + r * _N + s, 0)
            plsc.addupdate_scatter(acc_v, [flat], ones_f, mask=inr & low8)
            plsc.addupdate_scatter(acc_v, [flat], ones_f, mask=inr & (~low8))
            lin = s * _N - lax.shift_right_arithmetic(s * (s - 1), 1) + (d - s)
            minr = (s <= d) & (lin >= mlo) & (lin < mhi)
            lidx = jnp.where(minr, lin - mlo, 0)
            plsc.store_scatter(msk_v, [lidx], ones_f, mask=minr)
        return c

    lax.fori_loop(0, _E // 64, step, 0)

    def red(j, c):
        for u in range(2):
            sl = pl.ds(j * 32 + u * 16, 16)
            t = acc_v[sl]
            for cc in range(1, _NCOPY):
                t = t + acc_v[pl.ds(j * 32 + u * 16 + cc * _ASLAB, 16)]
            acc_v[sl] = t
        return c

    lax.fori_loop(0, _ASLAB // 32, red, 0)
    pltpu.sync_copy(acc_v.at[pl.ds(0, _ASLAB)], a_out.at[pl.ds(wid * _ASLAB, _ASLAB)])

    @pl.when(is_mw)
    def _():
        pltpu.sync_copy(msk_v, m_out.at[pl.ds(mlo, _MSLAB)])


def _sc_build(edge_index):
    mesh = plsc.VectorSubcoreMesh(core_axis_name="c", subcore_axis_name="s")
    f = pl.kernel(
        _sc_body,
        mesh=mesh,
        compiler_params=pltpu.CompilerParams(needs_layout_passes=False),
        out_type=[
            jax.ShapeDtypeStruct((_N * _N,), jnp.float32),
            jax.ShapeDtypeStruct((_NTRI,), jnp.float32),
        ],
        scratch_types=[
            pltpu.VMEM((_E,), jnp.int32),
            pltpu.VMEM((_E,), jnp.int32),
            pltpu.VMEM((_NCOPY * _ASLAB,), jnp.float32),
            pltpu.VMEM((_MSLAB,), jnp.float32),
        ],
    )
    return f(edge_index)


def _dot(a, b):
    return jnp.dot(a, b, preferred_element_type=jnp.float32)


def _tcT(a, b):
    return lax.dot_general(a, b, (((0,), (0,)), ((), ())),
                           preferred_element_type=jnp.float32)


def _xorperm(x, m, axis):
    idx = lax.broadcasted_iota(jnp.int32, x.shape, axis)
    for b in (1, 2, 4, 8):
        swapped = jnp.where((idx & b) == 0,
                            pltpu.roll(x, 16 - b, axis), pltpu.roll(x, b, axis))
        x = jnp.where((m & b) != 0, swapped, x)
    return x


def _eye_xor16():
    r16 = lax.broadcasted_iota(jnp.int32, (16, 16), 0)
    c16 = lax.broadcasted_iota(jnp.int32, (16, 16), 1)
    eye16 = jnp.where(r16 == c16, 1.0, 0.0).astype(jnp.float32)
    return eye16, lax.bitwise_xor(r16, c16)


def _jac_angles(app, aqq, apq):
    ok = jnp.abs(apq) > 1e-12
    sapq = jnp.where(ok, apq, 1.0)
    tau = (aqq - app) / (2.0 * sapq)
    sgn = jnp.where(tau >= 0.0, 1.0, -1.0)
    t = sgn / (jnp.abs(tau) + jnp.sqrt(1.0 + tau * tau))
    c = lax.rsqrt(1.0 + t * t)
    s = t * c
    return jnp.where(ok, c, 1.0), jnp.where(ok, s, 0.0)


def _jac_round(G, m, eye16, xorrc):
    Pi = jnp.where(xorrc == m, 1.0, 0.0).astype(jnp.float32)
    Geye = G * eye16
    diag_c = jnp.sum(Geye, axis=1, keepdims=True)
    diag_r = jnp.sum(Geye, axis=0, keepdims=True)
    apq_c = jnp.sum(G * Pi, axis=1, keepdims=True)
    aqq_c = jnp.sum(Pi * diag_r, axis=1, keepdims=True)
    c_c, s_c = _jac_angles(diag_c, aqq_c, apq_c)
    c_r = jnp.sum(eye16 * c_c, axis=0, keepdims=True)
    s_r = jnp.sum(eye16 * s_c, axis=0, keepdims=True)
    svp_c = jnp.sum(Pi * s_r, axis=1, keepdims=True)
    svp_r = jnp.sum(Pi * s_c, axis=0, keepdims=True)
    Gp = _xorperm(G, m, 1)
    Gq = _xorperm(G, m, 0)
    Gpq = _xorperm(Gp, m, 0)
    return (c_c * G * c_r + c_c * Gp * svp_r
            + svp_c * Gq * c_r + svp_c * Gpq * svp_r)


def _dense_body(a_ref, x_ref, y_ref, epss_ref, epsy_ref,
                usw1_ref, usb1_ref, uswmu_ref, usbmu_ref, uswls_ref, usbls_ref,
                uyw1_ref, uyb1_ref, uywmu_ref, uybmu_ref, uywls_ref, uybls_ref,
                xdw1_ref, xdb1_ref, xdw2_ref, xdb2_ref,
                ydw1_ref, ydb1_ref, ydw2_ref, ydb2_ref,
                ynew_ref, us_ref, uy_ref, part_ref, g_ref, sxy_ref):
    f32 = jnp.float32
    A = a_ref[...]
    X = x_ref[...]
    Yv = y_ref[...]

    ri = lax.broadcasted_iota(jnp.int32, (_N, _N), 0)
    ci = lax.broadcasted_iota(jnp.int32, (_N, _N), 1)
    A = A + jnp.where(ri == ci, 1.0, 0.0).astype(f32)
    deg = jnp.sum(A, axis=1, keepdims=True)
    dinv = lax.rsqrt(deg)

    def sg(v):
        return dinv * _dot(A, dinv * v)

    aggX = sg(X)
    aggY = sg(Yv)

    h = jnp.maximum(_dot(aggX, usw1_ref[...]) + usb1_ref[...], 0.0)
    mu_S = sg(_dot(h, uswmu_ref[...])) + usbmu_ref[...]
    lv_S = sg(_dot(h, uswls_ref[...])) + usbls_ref[...]

    h2 = jnp.maximum(
        _dot(aggX, uyw1_ref[0:128, :])
        + aggY * uyw1_ref[128:129, :] + uyb1_ref[...], 0.0)
    mu_Y = sg(_dot(h2, uywmu_ref[...])) + uybmu_ref[...]
    lv_Y = sg(_dot(h2, uywls_ref[...])) + uybls_ref[...]

    u_S = epss_ref[...] * jnp.exp(0.5 * lv_S) + mu_S
    u_Y = epsy_ref[...] * jnp.exp(0.5 * lv_Y) + mu_Y
    us_ref[...] = u_S
    uy_ref[...] = u_Y

    rsum = dinv * _dot(A, dinv)

    w12x = _dot(xdw1_ref[...], xdw2_ref[...])
    b1w2x = _dot(xdb1_ref[...], xdw2_ref[...])
    t2s = sg(sg(u_S))
    t2y = sg(sg(u_Y))
    X_new = (_dot(t2s, w12x[0:16, :])
             + _dot(t2y, w12x[16:32, :])
             + rsum * b1w2x + xdb2_ref[...])
    x_recon = jnp.sum((X_new - X) ** 2) / float(_N * _NF)

    w12y = _dot(ydw1_ref[...], ydw2_ref[...])
    b1w2y = _dot(ydb1_ref[...], ydw2_ref[...])
    p = (_dot(u_Y, w12y[0:16, :])
         + _dot(X, w12y[16:144, :]))
    y2 = sg(sg(p)) + rsum * b1w2y + ydb2_ref[...]
    mx = jnp.max(y2, axis=1, keepdims=True)
    e = jnp.exp(y2 - mx)
    ynew_ref[...] = e / jnp.sum(e, axis=1, keepdims=True)

    kl_y = -0.5 * jnp.sum(1.0 + lv_Y - mu_Y ** 2 - jnp.exp(lv_Y))
    kl_s = -0.5 * jnp.sum(1.0 + lv_S - mu_S ** 2 - jnp.exp(lv_S))

    Xc = u_S - jnp.mean(u_S)
    Yc = u_Y - jnp.mean(u_Y)
    XcC = Xc - jnp.mean(Xc, axis=1, keepdims=True)
    YcC = Yc - jnp.mean(Yc, axis=1, keepdims=True)
    G = (_tcT(XcC, XcC) + _tcT(YcC, YcC)) * (1.0 / 15.0)
    g_ref[...] = G
    std_x = jnp.sqrt(jnp.mean(Xc ** 2))
    std_y = jnp.sqrt(jnp.mean(Yc ** 2))
    sxy_ref[...] = jnp.reshape(std_x * std_y, (1, 1))

    part_ref[...] = jnp.reshape(x_recon + kl_y + kl_s, (1, 1))


def _tc_dense(A, X, Yv, eps_s, eps_y, P):
    out_shape = [
        jax.ShapeDtypeStruct((_N, 8), jnp.float32),
        jax.ShapeDtypeStruct((_N, 16), jnp.float32),
        jax.ShapeDtypeStruct((_N, 16), jnp.float32),
        jax.ShapeDtypeStruct((1, 1), jnp.float32),
        jax.ShapeDtypeStruct((16, 16), jnp.float32),
        jax.ShapeDtypeStruct((1, 1), jnp.float32),
    ]
    return pl.pallas_call(_dense_body, out_shape=out_shape)(
        A, X, Yv, eps_s, eps_y,
        P["uS_W1"], P["uS_b1"], P["uS_Wmu"], P["uS_bmu"], P["uS_Wls"], P["uS_bls"],
        P["uY_W1"], P["uY_b1"], P["uY_Wmu"], P["uY_bmu"], P["uY_Wls"], P["uY_bls"],
        P["Xd_W1"], P["Xd_b1"], P["Xd_W2"], P["Xd_b2"],
        P["Yd_W1"], P["Yd_b1"], P["Yd_W2"], P["Yd_b2"],
    )


_K1T = 2048


def _l1_body(feat_ref, w1_ref, b1_ref, out_ref):
    i = pl.program_id(0)

    @pl.when(i == 0)
    def _():
        out_ref[...] = b1_ref[...]

    out_ref[...] += jnp.dot(feat_ref[...], w1_ref[...],
                            preferred_element_type=jnp.float32)


def _tc_l1(feat, w1, b1):
    grid = (_N * 32 // _K1T,)
    return pl.pallas_call(
        _l1_body,
        grid=grid,
        in_specs=[
            pl.BlockSpec((1, _K1T), lambda i: (0, i)),
            pl.BlockSpec((_K1T, 512), lambda i: (i, 0)),
            pl.BlockSpec((1, 512), lambda i: (0, 0)),
        ],
        out_specs=pl.BlockSpec((1, 512), lambda i: (0, 0)),
        out_shape=jax.ShapeDtypeStruct((1, 512), jnp.float32),
    )(feat, w1, b1)


_K2T = 6912
_K2G = _NTRI // _K2T
_K2R = 4


def _adec_body(l1_ref, w2_ref, b2_ref, msk_ref, part_ref, g0_ref, sxy_ref,
               out_ref, g_scr):
    i = pl.program_id(0)
    l = jnp.dot(l1_ref[...], w2_ref[...],
                preferred_element_type=jnp.float32) + b2_ref[...]
    term = (jnp.maximum(l, 0.0) - l * msk_ref[...]
            + jnp.log(1.0 + jnp.exp(-jnp.abs(l))))
    s = jnp.sum(term)

    @pl.when(i == 0)
    def _():
        out_ref[...] = jnp.zeros((1, 1), jnp.float32)
        g_scr[...] = g0_ref[...]

    out_ref[...] += jnp.reshape(s, (1, 1))

    eye16, xorrc = _eye_xor16()
    G = g_scr[...]
    for u in range(_K2R):
        m = lax.rem(i * _K2R + u, 15) + 1
        G = _jac_round(G, m, eye16, xorrc)
    g_scr[...] = G

    @pl.when(i == _K2G - 1)
    def _():
        ev = jnp.sum(G * eye16, axis=0, keepdims=True)
        lanei = lax.broadcasted_iota(jnp.int32, (1, 16), 1)
        top = jnp.float32(0.0)
        v = ev
        for _u in range(10):
            mx = jnp.max(v)
            top = top + mx
            pos = jnp.min(jnp.where(v == mx, lanei, 1000))
            v = jnp.where(lanei == pos, -1e30, v)
        hgr = top / sxy_ref[0, 0]
        out_ref[...] = (out_ref[...] / float(_NTRI) + part_ref[...]
                        + jnp.reshape(hgr, (1, 1)))


def _tc_adec(l1, w2, b2, msk, part, g0, sxy):
    return pl.pallas_call(
        _adec_body,
        grid=(_K2G,),
        in_specs=[
            pl.BlockSpec((1, 512), lambda i: (0, 0)),
            pl.BlockSpec((512, _K2T), lambda i: (0, i)),
            pl.BlockSpec((1, _K2T), lambda i: (0, i)),
            pl.BlockSpec((1, _K2T), lambda i: (0, i)),
            pl.BlockSpec((1, 1), lambda i: (0, 0)),
            pl.BlockSpec((16, 16), lambda i: (0, 0)),
            pl.BlockSpec((1, 1), lambda i: (0, 0)),
        ],
        out_specs=pl.BlockSpec((1, 1), lambda i: (0, 0)),
        out_shape=jax.ShapeDtypeStruct((1, 1), jnp.float32),
        scratch_shapes=[pltpu.VMEM((16, 16), jnp.float32)],
    )(l1, w2, b2, msk, part, g0, sxy)


def kernel(X, edge_index, Y,
           uS_W1, uS_b1, uS_Wmu, uS_bmu, uS_Wls, uS_bls,
           uY_W1, uY_b1, uY_Wmu, uY_bmu, uY_Wls, uY_bls,
           Xd_W1, Xd_b1, Xd_W2, Xd_b2,
           Ad_W1, Ad_b1, Ad_W2, Ad_b2,
           Yd_W1, Yd_b1, Yd_W2, Yd_b2):
    a_flat, m_flat = _sc_build(edge_index)
    A = a_flat.reshape(_N, _N)
    maskv = m_flat.reshape(1, _NTRI)

    eps_s = jnp.asarray(_EPS_S_NP)
    eps_y = jnp.asarray(_EPS_Y_NP)

    P = {
        "uS_W1": uS_W1, "uS_b1": uS_b1.reshape(1, -1),
        "uS_Wmu": uS_Wmu, "uS_bmu": uS_bmu.reshape(1, -1),
        "uS_Wls": uS_Wls, "uS_bls": uS_bls.reshape(1, -1),
        "uY_W1": uY_W1, "uY_b1": uY_b1.reshape(1, -1),
        "uY_Wmu": uY_Wmu, "uY_bmu": uY_bmu.reshape(1, -1),
        "uY_Wls": uY_Wls, "uY_bls": uY_bls.reshape(1, -1),
        "Xd_W1": Xd_W1, "Xd_b1": Xd_b1.reshape(1, -1),
        "Xd_W2": Xd_W2, "Xd_b2": Xd_b2.reshape(1, -1),
        "Yd_W1": Yd_W1, "Yd_b1": Yd_b1.reshape(1, -1),
        "Yd_W2": Yd_W2, "Yd_b2": Yd_b2.reshape(1, -1),
    }
    y_new, u_s, u_y, part, g0, sxy = _tc_dense(A, X, Y, eps_s, eps_y, P)
    feat = jnp.concatenate([u_s, u_y], axis=1).reshape(1, _N * 32)
    l1 = _tc_l1(feat, Ad_W1, Ad_b1.reshape(1, -1))
    elbo = _tc_adec(l1, Ad_W2, Ad_b2.reshape(1, -1), maskv, part, g0, sxy)
    return elbo[0, 0], y_new

# --- scband reference (transcript-rebuilt; emitter-appended) ---
"""Pipeline reference for scband-graph-vae-37718402793682 (READ-ONLY COPY).

The authoritative reference and input builder live on the scoring server;
editing this copy changes nothing except your own understanding.
"""

import jax, jax.numpy as jnp
import numpy as np

N = 512
NF = 128
H = 256
LS = 16
LY = 16
NL = 8
E = 16384
NTRI = N * (N + 1) // 2
LAMBDA_HGR = 1.0


def _lin(key, fi, fo):
    return jax.random.normal(key, (fi, fo), dtype=jnp.float32) / np.sqrt(fi)


def _bias(key, fo):
    return jax.random.normal(key, (fo,), dtype=jnp.float32) * 0.01


PARAM_SHAPES = [
    ("uS_W1", NF, H), ("uS_b1", None, H),
    ("uS_Wmu", H, LS), ("uS_bmu", None, LS),
    ("uS_Wls", H, LS), ("uS_bls", None, LS),
    ("uY_W1", NF + 1, H), ("uY_b1", None, H),
    ("uY_Wmu", H, LY), ("uY_bmu", None, LY),
    ("uY_Wls", H, LY), ("uY_bls", None, LY),
    ("Xd_W1", LS + LY, H), ("Xd_b1", None, H),
    ("Xd_W2", H, NF), ("Xd_b2", None, NF),
    ("Ad_W1", N * (LS + LY), 512), ("Ad_b1", None, 512),
    ("Ad_W2", 512, NTRI), ("Ad_b2", None, NTRI),
    ("Yd_W1", NF + LY, 512), ("Yd_b1", None, 512),
    ("Yd_W2", 512, NL), ("Yd_b2", None, NL),
]


def setup_inputs(seed: int = 0) -> dict:
    key = jax.random.key(seed)
    ks = jax.random.split(key, 3 + len(PARAM_SHAPES))
    inp = {}
    inp["X"] = jax.random.normal(ks[0], (N, NF), dtype=jnp.float32)
    inp["edge_index"] = jax.random.randint(ks[1], (2, E), 0, N, dtype=jnp.int32)
    inp["Y"] = jax.random.uniform(ks[2], (N, 1), dtype=jnp.float32)
    for i, (name, fi, fo) in enumerate(PARAM_SHAPES):
        k = ks[3 + i]
        inp[name] = _bias(k, fo) if fi is None else _lin(k, fi, fo)
    return inp


def _with_loops(ei, n):
    loops = jnp.arange(n, dtype=ei.dtype)
    return jnp.concatenate([ei[0], loops]), jnp.concatenate([ei[1], loops])


def _gcn(x, src, dst, n, W, b):
    deg = jnp.zeros((n,), x.dtype).at[dst].add(1.0)
    dinv = jnp.where(deg > 0, deg, 1.0) ** -0.5
    norm = dinv[src] * dinv[dst]
    agg = jnp.zeros((n, x.shape[1]), x.dtype).at[dst].add(x[src] * norm[:, None])
    return agg @ W + b


def _forward(X, Y, edge_index, P):
    src, dst = _with_loops(edge_index, N)
    # U_S encoder
    h = jax.nn.relu(_gcn(X, src, dst, N, P["uS_W1"], P["uS_b1"]))
    mu_S = _gcn(h, src, dst, N, P["uS_Wmu"], P["uS_bmu"])
    logvar_S = _gcn(h, src, dst, N, P["uS_Wls"], P["uS_bls"])
    # U_Y encoder
    XY = jnp.concatenate([X, Y], axis=1)
    h2 = jax.nn.relu(_gcn(XY, src, dst, N, P["uY_W1"], P["uY_b1"]))
    mu_Y = _gcn(h2, src, dst, N, P["uY_Wmu"], P["uY_bmu"])
    logvar_Y = _gcn(h2, src, dst, N, P["uY_Wls"], P["uY_bls"])
    # reparameterize (fixed eps keys, matching torch.randn_like semantics)
    k1, k2 = jax.random.split(jax.random.key(42))
    u_S = jax.random.normal(k1, mu_S.shape, mu_S.dtype) * jnp.exp(0.5 * logvar_S) + mu_S
    u_Y = jax.random.normal(k2, mu_Y.shape, mu_Y.dtype) * jnp.exp(0.5 * logvar_Y) + mu_Y
    # A decoder
    feat = jnp.concatenate([u_S, u_Y], axis=1).reshape(-1)
    l = feat @ P["Ad_W1"] + P["Ad_b1"]
    l = l @ P["Ad_W2"] + P["Ad_b2"]
    rows, cols = jnp.triu_indices(N)
    adj = jnp.zeros((N, N), l.dtype).at[rows, cols].set(l)
    A_new = adj + adj.T - jnp.diag(jnp.diag(adj))
    # X decoder
    latent = jnp.concatenate([u_S, u_Y], axis=1)
    X1 = _gcn(latent, src, dst, N, P["Xd_W1"], P["Xd_b1"])
    X_new = _gcn(X1, src, dst, N, P["Xd_W2"], P["Xd_b2"])
    # Y decoder (note: called as Y_decoder(edge_index, u_Y, X) in the original forward)
    lat_y = jnp.concatenate([u_Y, X], axis=1)
    Y1 = _gcn(lat_y, src, dst, N, P["Yd_W1"], P["Yd_b1"])
    Y2 = _gcn(Y1, src, dst, N, P["Yd_W2"], P["Yd_b2"])
    Y_new = jax.nn.softmax(Y2, axis=1)
    # loss_function
    labels = (Y_new > 0.5).astype(jnp.float32)
    yp = jnp.argmax(labels, axis=1)[:, None].astype(jnp.float32)
    ls = jax.nn.log_softmax(yp, axis=1)  # size-1 class dim -> zeros, matches torch
    Y_recon = -jnp.mean(jnp.sum(Y * ls, axis=1))
    X_recon = jnp.mean((X_new - X) ** 2)
    Aadj = jnp.zeros((N, N), jnp.float32).at[edge_index[0], edge_index[1]].set(1.0)
    l_orig = Aadj[rows, cols]
    A_recon = jnp.mean(jnp.maximum(l, 0.0) - l * l_orig + jnp.log1p(jnp.exp(-jnp.abs(l))))
    kl_u_y = -0.5 * jnp.sum(1.0 + logvar_Y - mu_Y ** 2 - jnp.exp(logvar_Y))
    kl_u_s = -0.5 * jnp.sum(1.0 + logvar_S - mu_S ** 2 - jnp.exp(logvar_S))
    # HGR correlation (detached in torch via .detach().numpy())
    uS_ = jax.lax.stop_gradient(u_S)
    uY_ = jax.lax.stop_gradient(u_Y)
    Xc = (uS_ - jnp.mean(uS_))[:1000]
    Yc = (uY_ - jnp.mean(uY_))[:1000]
    m = jnp.concatenate([Xc, Yc], axis=0)
    mc = m - jnp.mean(m, axis=1, keepdims=True)
    C = mc @ mc.T / (m.shape[1] - 1)
    evals = jnp.linalg.eigh(C)[0]
    hgr = jnp.sum(evals[-10:]) / (jnp.std(Xc) * jnp.std(Yc))
    elbo = Y_recon + X_recon + A_recon + kl_u_y + kl_u_s + LAMBDA_HGR * hgr
    return elbo, Y_new


def reference(X, edge_index, Y,
              uS_W1, uS_b1, uS_Wmu, uS_bmu, uS_Wls, uS_bls,
              uY_W1, uY_b1, uY_Wmu, uY_bmu, uY_Wls, uY_bls,
              Xd_W1, Xd_b1, Xd_W2, Xd_b2,
              Ad_W1, Ad_b1, Ad_W2, Ad_b2,
              Yd_W1, Yd_b1, Yd_W2, Yd_b2):
    params = {
        "uS_W1": uS_W1, "uS_b1": uS_b1,
        "uS_Wmu": uS_Wmu, "uS_bmu": uS_bmu,
        "uS_Wls": uS_Wls, "uS_bls": uS_bls,
        "uY_W1": uY_W1, "uY_b1": uY_b1,
        "uY_Wmu": uY_Wmu, "uY_bmu": uY_bmu,
        "uY_Wls": uY_Wls, "uY_bls": uY_bls,
        "Xd_W1": Xd_W1, "Xd_b1": Xd_b1,
        "Xd_W2": Xd_W2, "Xd_b2": Xd_b2,
        "Ad_W1": Ad_W1, "Ad_b1": Ad_b1,
        "Ad_W2": Ad_W2, "Ad_b2": Ad_b2,
        "Yd_W1": Yd_W1, "Yd_b1": Yd_b1,
        "Yd_W2": Yd_W2, "Yd_b2": Yd_b2,
    }
    return _forward(X, Y, edge_index, params)

if __name__ == "__main__":
    import jax
    _d = setup_inputs()
    print(jax.jit(kernel)(*tuple(_d.values())))

</pallas_src>

<mosaic_0001>
#map = affine_map<(d0, d1) -> (0, 0)>
#map1 = affine_map<(d0, d1) -> (0)>
module attributes {stable_mosaic.version = 14 : i64} {
  func.func @_sc_body(%arg0: i32, %arg1: i32, %arg2: memref<2x16384xi32, #tpu.memory_space<hbm>>, %arg3: memref<262144xf32, #tpu.memory_space<hbm>>, %arg4: memref<131328xf32, #tpu.memory_space<hbm>>, %arg5: memref<16384xi32, #tpu.memory_space<vmem>>, %arg6: memref<16384xi32, #tpu.memory_space<vmem>>, %arg7: memref<65536xf32, #tpu.memory_space<vmem>>, %arg8: memref<8208xf32, #tpu.memory_space<vmem>>) attributes {dimension_semantics = [#tpu.dimension_semantics<core_parallel>, #tpu.dimension_semantics<subcore_parallel>], iteration_bounds = array<i64: 2, 16>, scalar_prefetch = 0 : i64, scratch_operands = 4 : i64, tpu.core_type = #tpu.core_type<sc_vector_subcore>, window_params = [{transform_indices = #map}, {transform_indices = #map1}, {transform_indices = #map1}]} {
    %mul3A = arith.constant 2 : i32
    %mul3A_0 = arith.muli %arg1, %mul3A : i32
    %add3A = arith.addi %mul3A_0, %arg0 : i32
    %run_scoped3A = arith.constant 0 : i32
    "tpu.region"() ({
      %run_scoped3A_43 = tpu.sem_alloc : memref<!tpu.dma_semaphore, #tpu.memory_space<semaphore_mem>>
      %dma_start3A = arith.constant 0 : i32
      %dma_start3A_44 = tpu.memref_slice %arg2[%run_scoped3A, %dma_start3A] : memref<2x16384xi32, #tpu.memory_space<hbm>> -> memref<1x16384xi32, #tpu.memory_space<hbm>>
      %dma_start3A_45 = tpu.memref_squeeze %dma_start3A_44 : memref<1x16384xi32, #tpu.memory_space<hbm>> -> memref<16384xi32, #tpu.memory_space<hbm>>
      %dma_start3A_46 = arith.constant 0 : i32
      %dma_start3A_47 = tpu.memref_slice %arg2[%run_scoped3A, %dma_start3A_46] : memref<2x16384xi32, #tpu.memory_space<hbm>> -> memref<1x16384xi32, #tpu.memory_space<hbm>>
      %dma_start3A_48 = tpu.memref_squeeze %dma_start3A_47 : memref<1x16384xi32, #tpu.memory_space<hbm>> -> memref<16384xi32, #tpu.memory_space<hbm>>
      tpu.enqueue_dma source(%dma_start3A_48 : memref<16384xi32, #tpu.memory_space<hbm>>) target(%arg5 : memref<16384xi32, #tpu.memory_space<vmem>>) target_semaphore(%run_scoped3A_43 : memref<!tpu.dma_semaphore, #tpu.memory_space<semaphore_mem>>)
      %dma_wait3A = arith.constant 0 : i32
      %dma_wait3A_49 = tpu.memref_slice %arg2[%run_scoped3A, %dma_wait3A] : memref<2x16384xi32, #tpu.memory_space<hbm>> -> memref<1x16384xi32, #tpu.memory_space<hbm>>
      %dma_wait3A_50 = tpu.memref_squeeze %dma_wait3A_49 : memref<1x16384xi32, #tpu.memory_space<hbm>> -> memref<16384xi32, #tpu.memory_space<hbm>>
      %dma_wait3A_51 = arith.constant 0 : i32
      %dma_wait3A_52 = tpu.memref_slice %arg2[%run_scoped3A, %dma_wait3A_51] : memref<2x16384xi32, #tpu.memory_space<hbm>> -> memref<1x16384xi32, #tpu.memory_space<hbm>>
      %dma_wait3A_53 = tpu.memref_squeeze %dma_wait3A_52 : memref<1x16384xi32, #tpu.memory_space<hbm>> -> memref<16384xi32, #tpu.memory_space<hbm>>
      tpu.wait_dma2 semaphore(%run_scoped3A_43 : memref<!tpu.dma_semaphore, #tpu.memory_space<semaphore_mem>>) src(%dma_wait3A_53 : memref<16384xi32, #tpu.memory_space<hbm>>) dst(%arg5 : memref<16384xi32, #tpu.memory_space<vmem>>)
      tpu.yield
    }) : () -> ()
    %run_scoped3A_1 = arith.constant 1 : i32
    "tpu.region"() ({
      %run_scoped3A_43 = tpu.sem_alloc : memref<!tpu.dma_semaphore, #tpu.memory_space<semaphore_mem>>
      %dma_start3A = arith.constant 0 : i32
      %dma_start3A_44 = tpu.memref_slice %arg2[%run_scoped3A_1, %dma_start3A] : memref<2x16384xi32, #tpu.memory_space<hbm>> -> memref<1x16384xi32, #tpu.memory_space<hbm>>
      %dma_start3A_45 = tpu.memref_squeeze %dma_start3A_44 : memref<1x16384xi32, #tpu.memory_space<hbm>> -> memref<16384xi32, #tpu.memory_space<hbm>>
      %dma_start3A_46 = arith.constant 0 : i32
      %dma_start3A_47 = tpu.memref_slice %arg2[%run_scoped3A_1, %dma_start3A_46] : memref<2x16384xi32, #tpu.memory_space<hbm>> -> memref<1x16384xi32, #tpu.memory_space<hbm>>
      %dma_start3A_48 = tpu.memref_squeeze %dma_start3A_47 : memref<1x16384xi32, #tpu.memory_space<hbm>> -> memref<16384xi32, #tpu.memory_space<hbm>>
      tpu.enqueue_dma source(%dma_start3A_48 : memref<16384xi32, #tpu.memory_space<hbm>>) target(%arg6 : memref<16384xi32, #tpu.memory_space<vmem>>) target_semaphore(%run_scoped3A_43 : memref<!tpu.dma_semaphore, #tpu.memory_space<semaphore_mem>>)
      %dma_wait3A = arith.constant 0 : i32
      %dma_wait3A_49 = tpu.memref_slice %arg2[%run_scoped3A_1, %dma_wait3A] : memref<2x16384xi32, #tpu.memory_space<hbm>> -> memref<1x16384xi32, #tpu.memory_space<hbm>>
      %dma_wait3A_50 = tpu.memref_squeeze %dma_wait3A_49 : memref<1x16384xi32, #tpu.memory_space<hbm>> -> memref<16384xi32, #tpu.memory_space<hbm>>
      %dma_wait3A_51 = arith.constant 0 : i32
      %dma_wait3A_52 = tpu.memref_slice %arg2[%run_scoped3A_1, %dma_wait3A_51] : memref<2x16384xi32, #tpu.memory_space<hbm>> -> memref<1x16384xi32, #tpu.memory_space<hbm>>
      %dma_wait3A_53 = tpu.memref_squeeze %dma_wait3A_52 : memref<1x16384xi32, #tpu.memory_space<hbm>> -> memref<16384xi32, #tpu.memory_space<hbm>>
      tpu.wait_dma2 semaphore(%run_scoped3A_43 : memref<!tpu.dma_semaphore, #tpu.memory_space<semaphore_mem>>) src(%dma_wait3A_53 : memref<16384xi32, #tpu.memory_space<hbm>>) dst(%arg6 : memref<16384xi32, #tpu.memory_space<vmem>>)
      tpu.yield
    }) : () -> ()
    %broadcast_in_dim3A = arith.constant 0.000000e+00 : f32
    %broadcast_in_dim3A_2 = vector.broadcast %broadcast_in_dim3A : f32 to vector<16xf32>
    %scan3A = arith.constant 0 : i32
    %scan3A_3 = arith.constant 0 : i32
    %scan3A_4 = arith.constant 512 : i32
    %scan3A_5 = arith.addi %scan3A_3, %scan3A_4 : i32
    %scan3A_6 = arith.constant 1 : i32
    scf.for %scan3A_43 = %scan3A_3 to %scan3A_5 step %scan3A_6  : i32 {
      %mul3A_44 = arith.constant 128 : i32
      %mul3A_45 = arith.muli %scan3A_43, %mul3A_44 : i32
      %add3A_46 = arith.constant 0 : i32
      %add3A_47 = arith.addi %mul3A_45, %add3A_46 : i32
      %swap3A = arith.index_cast %add3A_47 : i32 to index
      %swap3A_48 = tpu.vector_load %arg7[%swap3A] {strides = array<i32>} : memref<65536xf32, #tpu.memory_space<vmem>>, vector<16xf32>,
      tpu.vector_store %arg7[%swap3A], %broadcast_in_dim3A_2 {strides = array<i32>} : memref<65536xf32, #tpu.memory_space<vmem>>, vector<16xf32>,
      %mul3A_49 = arith.constant 128 : i32
      %mul3A_50 = arith.muli %scan3A_43, %mul3A_49 : i32
      %add3A_51 = arith.constant 16 : i32
      %add3A_52 = arith.addi %mul3A_50, %add3A_51 : i32
      %swap3A_53 = arith.index_cast %add3A_52 : i32 to index
      %swap3A_54 = tpu.vector_load %arg7[%swap3A_53] {strides = array<i32>} : memref<65536xf32, #tpu.memory_space<vmem>>, vector<16xf32>,
      tpu.vector_store %arg7[%swap3A_53], %broadcast_in_dim3A_2 {strides = array<i32>} : memref<65536xf32, #tpu.memory_space<vmem>>, vector<16xf32>,
      %mul3A_55 = arith.constant 128 : i32
      %mul3A_56 = arith.muli %scan3A_43, %mul3A_55 : i32
      %add3A_57 = arith.constant 32 : i32
      %add3A_58 = arith.addi %mul3A_56, %add3A_57 : i32
      %swap3A_59 = arith.index_cast %add3A_58 : i32 to index
      %swap3A_60 = tpu.vector_load %arg7[%swap3A_59] {strides = array<i32>} : memref<65536xf32, #tpu.memory_space<vmem>>, vector<16xf32>,
      tpu.vector_store %arg7[%swap3A_59], %broadcast_in_dim3A_2 {strides = array<i32>} : memref<65536xf32, #tpu.memory_space<vmem>>, vector<16xf32>,
      %mul3A_61 = arith.constant 128 : i32
      %mul3A_62 = arith.muli %scan3A_43, %mul3A_61 : i32
      %add3A_63 = arith.constant 48 : i32
      %add3A_64 = arith.addi %mul3A_62, %add3A_63 : i32
      %swap3A_65 = arith.index_cast %add3A_64 : i32 to index
      %swap3A_66 = tpu.vector_load %arg7[%swap3A_65] {strides = array<i32>} : memref<65536xf32, #tpu.memory_space<vmem>>, vector<16xf32>,
      tpu.vector_store %arg7[%swap3A_65], %broadcast_in_dim3A_2 {strides = array<i32>} : memref<65536xf32, #tpu.memory_space<vmem>>, vector<16xf32>,
      %mul3A_67 = arith.constant 128 : i32
      %mul3A_68 = arith.muli %scan3A_43, %mul3A_67 : i32
      %add3A_69 = arith.constant 64 : i32
      %add3A_70 = arith.addi %mul3A_68, %add3A_69 : i32
      %swap3A_71 = arith.index_cast %add3A_70 : i32 to index
      %swap3A_72 = tpu.vector_load %arg7[%swap3A_71] {strides = array<i32>} : memref<65536xf32, #tpu.memory_space<vmem>>, vector<16xf32>,
      tpu.vector_store %arg7[%swap3A_71], %broadcast_in_dim3A_2 {strides = array<i32>} : memref<65536xf32, #tpu.memory_space<vmem>>, vector<16xf32>,
      %mul3A_73 = arith.constant 128 : i32
      %mul3A_74 = arith.muli %scan3A_43, %mul3A_73 : i32
      %add3A_75 = arith.constant 80 : i32
      %add3A_76 = arith.addi %mul3A_74, %add3A_75 : i32
      %swap3A_77 = arith.index_cast %add3A_76 : i32 to index
      %swap3A_78 = tpu.vector_load %arg7[%swap3A_77] {strides = array<i32>} : memref<65536xf32, #tpu.memory_space<vmem>>, vector<16xf32>,
      tpu.vector_store %arg7[%swap3A_77], %broadcast_in_dim3A_2 {strides = array<i32>} : memref<65536xf32, #tpu.memory_space<vmem>>, vector<16xf32>,
      %mul3A_79 = arith.constant 128 : i32
      %mul3A_80 = arith.muli %scan3A_43, %mul3A_79 : i32
      %add3A_81 = arith.constant 96 : i32
      %add3A_82 = arith.addi %mul3A_80, %add3A_81 : i32
      %swap3A_83 = arith.index_cast %add3A_82 : i32 to index
      %swap3A_84 = tpu.vector_load %arg7[%swap3A_83] {strides = array<i32>} : memref<65536xf32, #tpu.memory_space<vmem>>, vector<16xf32>,
      tpu.vector_store %arg7[%swap3A_83], %broadcast_in_dim3A_2 {strides = array<i32>} : memref<65536xf32, #tpu.memory_space<vmem>>, vector<16xf32>,
      %mul3A_85 = arith.constant 128 : i32
      %mul3A_86 = arith.muli %scan3A_43, %mul3A_85 : i32
      %add3A_87 = arith.constant 112 : i32
      %add3A_88 = arith.addi %mul3A_86, %add3A_87 : i32
      %swap3A_89 = arith.index_cast %add3A_88 : i32 to index
      %swap3A_90 = tpu.vector_load %arg7[%swap3A_89] {strides = array<i32>} : memref<65536xf32, #tpu.memory_space<vmem>>, vector<16xf32>,
      tpu.vector_store %arg7[%swap3A_89], %broadcast_in_dim3A_2 {strides = array<i32>} : memref<65536xf32, #tpu.memory_space<vmem>>, vector<16xf32>,
    }
    %scan3A_7 = arith.constant 512 : i32
    %lt3A = arith.constant 16 : i32
    %lt3A_8 = arith.cmpi slt, %add3A, %lt3A : i32
    %convert_element_type3A = arith.extui %lt3A_8 : i1 to i32
    %cond3A = arith.constant 0 : i32
    %cond3A_9 = arith.cmpi ne, %convert_element_type3A, %cond3A : i32
    scf.if %cond3A_9 {
      %scan3A_43 = arith.constant 0 : i32
      %scan3A_44 = arith.constant 0 : i32
      %scan3A_45 = arith.constant 57 : i32
      %scan3A_46 = arith.addi %scan3A_44, %scan3A_45 : i32
      %scan3A_47 = arith.constant 1 : i32
      scf.for %scan3A_49 = %scan3A_44 to %scan3A_46 step %scan3A_47  : i32 {
        %mul3A_50 = arith.constant 144 : i32
        %mul3A_51 = arith.muli %scan3A_49, %mul3A_50 : i32
        %add3A_52 = arith.constant 0 : i32
        %add3A_53 = arith.addi %mul3A_51, %add3A_52 : i32
        %swap3A = arith.index_cast %add3A_53 : i32 to index
        %swap3A_54 = tpu.vector_load %arg8[%swap3A] {strides = array<i32>} : memref<8208xf32, #tpu.memory_space<vmem>>, vector<16xf32>,
        tpu.vector_store %arg8[%swap3A], %broadcast_in_dim3A_2 {strides = array<i32>} : memref<8208xf32, #tpu.memory_space<vmem>>, vector<16xf32>,
        %mul3A_55 = arith.constant 144 : i32
        %mul3A_56 = arith.muli %scan3A_49, %mul3A_55 : i32
        %add3A_57 = arith.constant 16 : i32
        %add3A_58 = arith.addi %mul3A_56, %add3A_57 : i32
        %swap3A_59 = arith.index_cast %add3A_58 : i32 to index
        %swap3A_60 = tpu.vector_load %arg8[%swap3A_59] {strides = array<i32>} : memref<8208xf32, #tpu.memory_space<vmem>>, vector<16xf32>,
        tpu.vector_store %arg8[%swap3A_59], %broadcast_in_dim3A_2 {strides = array<i32>} : memref<8208xf32, #tpu.memory_space<vmem>>, vector<16xf32>,
        %mul3A_61 = arith.constant 144 : i32
        %mul3A_62 = arith.muli %scan3A_49, %mul3A_61 : i32
        %add3A_63 = arith.constant 32 : i32
        %add3A_64 = arith.addi %mul3A_62, %add3A_63 : i32
        %swap3A_65 = arith.index_cast %add3A_64 : i32 to index
        %swap3A_66 = tpu.vector_load %arg8[%swap3A_65] {strides = array<i32>} : memref<8208xf32, #tpu.memory_space<vmem>>, vector<16xf32>,
        tpu.vector_store %arg8[%swap3A_65], %broadcast_in_dim3A_2 {strides = array<i32>} : memref<8208xf32, #tpu.memory_space<vmem>>, vector<16xf32>,
        %mul3A_67 = arith.constant 144 : i32
        %mul3A_68 = arith.muli %scan3A_49, %mul3A_67 : i32
        %add3A_69 = arith.constant 48 : i32
        %add3A_70 = arith.addi %mul3A_68, %add3A_69 : i32
        %swap3A_71 = arith.index_cast %add3A_70 : i32 to index
        %swap3A_72 = tpu.vector_load %arg8[%swap3A_71] {strides = array<i32>} : memref<8208xf32, #tpu.memory_space<vmem>>, vector<16xf32>,
        tpu.vector_store %arg8[%swap3A_71], %broadcast_in_dim3A_2 {strides = array<i32>} : memref<8208xf32, #tpu.memory_space<vmem>>, vector<16xf32>,
        %mul3A_73 = arith.constant 144 : i32
        %mul3A_74 = arith.muli %scan3A_49, %mul3A_73 : i32
        %add3A_75 = arith.constant 64 : i32
        %add3A_76 = arith.addi %mul3A_74, %add3A_75 : i32
        %swap3A_77 = arith.index_cast %add3A_76 : i32 to index
        %swap3A_78 = tpu.vector_load %arg8[%swap3A_77] {strides = array<i32>} : memref<8208xf32, #tpu.memory_space<vmem>>, vector<16xf32>,
        tpu.vector_store %arg8[%swap3A_77], %broadcast_in_dim3A_2 {strides = array<i32>} : memref<8208xf32, #tpu.memory_space<vmem>>, vector<16xf32>,
        %mul3A_79 = arith.constant 144 : i32
        %mul3A_80 = arith.muli %scan3A_49, %mul3A_79 : i32
        %add3A_81 = arith.constant 80 : i32
        %add3A_82 = arith.addi %mul3A_80, %add3A_81 : i32
        %swap3A_83 = arith.index_cast %add3A_82 : i32 to index
        %swap3A_84 = tpu.vector_load %arg8[%swap3A_83] {strides = array<i32>} : memref<8208xf32, #tpu.memory_space<vmem>>, vector<16xf32>,
        tpu.vector_store %arg8[%swap3A_83], %broadcast_in_dim3A_2 {strides = array<i32>} : memref<8208xf32, #tpu.memory_space<vmem>>, vector<16xf32>,
        %mul3A_85 = arith.constant 144 : i32
        %mul3A_86 = arith.muli %scan3A_49, %mul3A_85 : i32
        %add3A_87 = arith.constant 96 : i32
        %add3A_88 = arith.addi %mul3A_86, %add3A_87 : i32
        %swap3A_89 = arith.index_cast %add3A_88 : i32 to index
        %swap3A_90 = tpu.vector_load %arg8[%swap3A_89] {strides = array<i32>} : memref<8208xf32, #tpu.memory_space<vmem>>, vector<16xf32>,
        tpu.vector_store %arg8[%swap3A_89], %broadcast_in_dim3A_2 {strides = array<i32>} : memref<8208xf32, #tpu.memory_space<vmem>>, vector<16xf32>,
        %mul3A_91 = arith.constant 144 : i32
        %mul3A_92 = arith.muli %scan3A_49, %mul3A_91 : i32
        %add3A_93 = arith.constant 112 : i32
        %add3A_94 = arith.addi %mul3A_92, %add3A_93 : i32
        %swap3A_95 = arith.index_cast %add3A_94 : i32 to index
        %swap3A_96 = tpu.vector_load %arg8[%swap3A_95] {strides = array<i32>} : memref<8208xf32, #tpu.memory_space<vmem>>, vector<16xf32>,
        tpu.vector_store %arg8[%swap3A_95], %broadcast_in_dim3A_2 {strides = array<i32>} : memref<8208xf32, #tpu.memory_space<vmem>>, vector<16xf32>,
        %mul3A_97 = arith.constant 144 : i32
        %mul3A_98 = arith.muli %scan3A_49, %mul3A_97 : i32
        %add3A_99 = arith.constant 128 : i32
        %add3A_100 = arith.addi %mul3A_98, %add3A_99 : i32
        %swap3A_101 = arith.index_cast %add3A_100 : i32 to index
        %swap3A_102 = tpu.vector_load %arg8[%swap3A_101] {strides = array<i32>} : memref<8208xf32, #tpu.memory_space<vmem>>, vector<16xf32>,
        tpu.vector_store %arg8[%swap3A_101], %broadcast_in_dim3A_2 {strides = array<i32>} : memref<8208xf32, #tpu.memory_space<vmem>>, vector<16xf32>,
      }
      %scan3A_48 = arith.constant 57 : i32
    } else {
    }
    %iota3A = tpu.iota {dimensions = array<i32: 0>} : vector<16xi32>
    %lt3A_10 = arith.constant 8 : i32
    %lt3A_11 = vector.broadcast %lt3A_10 : i32 to vector<16xi32>
    %lt3A_12 = arith.cmpi slt, %iota3A, %lt3A_11 : vector<16xi32>
    %sub3A = arith.constant 8 : i32
    %sub3A_13 = vector.broadcast %sub3A : i32 to vector<16xi32>
    %sub3A_14 = arith.subi %iota3A, %sub3A_13 : vector<16xi32>
    %select_n3A = arith.select %lt3A_12, %iota3A, %sub3A_14 : vector<16xi1>, vector<16xi32>
    %mul3A_15 = arith.constant 8192 : i32
    %mul3A_16 = vector.broadcast %mul3A_15 : i32 to vector<16xi32>
    %mul3A_17 = arith.muli %select_n3A, %mul3A_16 : vector<16xi32>
    %broadcast_in_dim3A_18 = arith.constant 1.000000e+00 : f32
    %broadcast_in_dim3A_19 = vector.broadcast %broadcast_in_dim3A_18 : f32 to vector<16xf32>
    %mul3A_20 = arith.constant 16 : i32
    %mul3A_21 = arith.muli %add3A, %mul3A_20 : i32
    %mul3A_22 = arith.constant 8208 : i32
    %mul3A_23 = arith.muli %add3A, %mul3A_22 : i32
    %add3A_24 = arith.constant 8208 : i32
    %add3A_25 = arith.addi %mul3A_23, %add3A_24 : i32
    %scan3A_26 = arith.constant 0 : i32
    %scan3A_27 = arith.constant 0 : i32
    %scan3A_28 = arith.constant 256 : i32
    %scan3A_29 = arith.addi %scan3A_27, %scan3A_28 : i32
    %scan3A_30 = arith.constant 1 : i32
    scf.for %scan3A_43 = %scan3A_27 to %scan3A_29 step %scan3A_30  : i32 {
      %mul3A_44 = arith.constant 64 : i32
      %mul3A_45 = arith.muli %scan3A_43, %mul3A_44 : i32
      %add3A_46 = arith.constant 0 : i32
      %add3A_47 = arith.addi %mul3A_45, %add3A_46 : i32
      %get3A = arith.index_cast %add3A_47 : i32 to index
      %get3A_48 = tpu.vector_load %arg5[%get3A] {strides = array<i32>} : memref<16384xi32, #tpu.memory_space<vmem>>, vector<16xi32>,
      %mul3A_49 = arith.constant 64 : i32
      %mul3A_50 = arith.muli %scan3A_43, %mul3A_49 : i32
      %add3A_51 = arith.constant 0 : i32
      %add3A_52 = arith.addi %mul3A_50, %add3A_51 : i32
      %get3A_53 = arith.index_cast %add3A_52 : i32 to index
      %get3A_54 = tpu.vector_load %arg6[%get3A_53] {strides = array<i32>} : memref<16384xi32, #tpu.memory_space<vmem>>, vector<16xi32>,
      %sub3A_55 = vector.broadcast %mul3A_21 : i32 to vector<16xi32>
      %sub3A_56 = arith.subi %get3A_54, %sub3A_55 : vector<16xi32>
      %ge3A = arith.constant 0 : i32
      %ge3A_57 = vector.broadcast %ge3A : i32 to vector<16xi32>
      %ge3A_58 = arith.cmpi sge, %sub3A_56, %ge3A_57 : vector<16xi32>
      %lt3A_59 = arith.constant 16 : i32
      %lt3A_60 = vector.broadcast %lt3A_59 : i32 to vector<16xi32>
      %lt3A_61 = arith.cmpi slt, %sub3A_56, %lt3A_60 : vector<16xi32>
      %and3A = arith.andi %ge3A_58, %lt3A_61 : vector<16xi1>
      %mul3A_62 = arith.constant 512 : i32
      %mul3A_63 = vector.broadcast %mul3A_62 : i32 to vector<16xi32>
      %mul3A_64 = arith.muli %sub3A_56, %mul3A_63 : vector<16xi32>
      %add3A_65 = arith.addi %mul3A_17, %mul3A_64 : vector<16xi32>
      %add3A_66 = arith.addi %add3A_65, %get3A_48 : vector<16xi32>
      %jit3A = arith.constant 0 : i32
      %broadcast_in_dim3A_67 = vector.broadcast %jit3A : i32 to vector<16xi32>
      %select_n3A_68 = arith.select %and3A, %add3A_66, %broadcast_in_dim3A_67 : vector<16xi1>, vector<16xi32>
      %and3A_69 = arith.andi %and3A, %lt3A_12 : vector<16xi1>
      tpu.vector_store_idx %arg7[%select_n3A_68], %broadcast_in_dim3A_19 masked %and3A_69 {add = true} : memref<65536xf32, #tpu.memory_space<vmem>>[vector<16xi32>], vector<16xf32>, vector<16xi1>
      %not3A = arith.constant dense<true> : vector<16xi1>
      %not3A_70 = arith.xori %lt3A_12, %not3A : vector<16xi1>
      %and3A_71 = arith.andi %and3A, %not3A_70 : vector<16xi1>
      tpu.vector_store_idx %arg7[%select_n3A_68], %broadcast_in_dim3A_19 masked %and3A_71 {add = true} : memref<65536xf32, #tpu.memory_space<vmem>>[vector<16xi32>], vector<16xf32>, vector<16xi1>
      %mul3A_72 = arith.constant 512 : i32
      %mul3A_73 = vector.broadcast %mul3A_72 : i32 to vector<16xi32>
      %mul3A_74 = arith.muli %get3A_48, %mul3A_73 : vector<16xi32>
      %sub3A_75 = arith.constant 1 : i32
      %sub3A_76 = vector.broadcast %sub3A_75 : i32 to vector<16xi32>
      %sub3A_77 = arith.subi %get3A_48, %sub3A_76 : vector<16xi32>
      %mul3A_78 = arith.muli %get3A_48, %sub3A_77 : vector<16xi32>
      %shift_right_arithmetic3A = arith.constant 1 : i32
      %shift_right_arithmetic3A_79 = vector.broadcast %shift_right_arithmetic3A : i32 to vector<16xi32>
      %shift_right_arithmetic3A_80 = arith.shrsi %mul3A_78, %shift_right_arithmetic3A_79 : vector<16xi32>
      %sub3A_81 = arith.subi %mul3A_74, %shift_right_arithmetic3A_80 : vector<16xi32>
      %sub3A_82 = arith.subi %get3A_54, %get3A_48 : vector<16xi32>
      %add3A_83 = arith.addi %sub3A_81, %sub3A_82 : vector<16xi32>
      %le3A = arith.cmpi sle, %get3A_48, %get3A_54 : vector<16xi32>
      %ge3A_84 = vector.broadcast %mul3A_23 : i32 to vector<16xi32>
      %ge3A_85 = arith.cmpi sge, %add3A_83, %ge3A_84 : vector<16xi32>
      %and3A_86 = arith.andi %le3A, %ge3A_85 : vector<16xi1>
      %lt3A_87 = vector.broadcast %add3A_25 : i32 to vector<16xi32>
      %lt3A_88 = arith.cmpi slt, %add3A_83, %lt3A_87 : vector<16xi32>
      %and3A_89 = arith.andi %and3A_86, %lt3A_88 : vector<16xi1>
      %sub3A_90 = vector.broadcast %mul3A_23 : i32 to vector<16xi32>
      %sub3A_91 = arith.subi %add3A_83, %sub3A_90 : vector<16xi32>
      %jit3A_92 = arith.constant 0 : i32
      %broadcast_in_dim3A_93 = vector.broadcast %jit3A_92 : i32 to vector<16xi32>
      %select_n3A_94 = arith.select %and3A_89, %sub3A_91, %broadcast_in_dim3A_93 : vector<16xi1>, vector<16xi32>
      tpu.vector_store_idx %arg8[%select_n3A_94], %broadcast_in_dim3A_19 masked %and3A_89 : memref<8208xf32, #tpu.memory_space<vmem>>[vector<16xi32>], vector<16xf32>, vector<16xi1>
      %mul3A_95 = arith.constant 64 : i32
      %mul3A_96 = arith.muli %scan3A_43, %mul3A_95 : i32
      %add3A_97 = arith.constant 16 : i32
      %add3A_98 = arith.addi %mul3A_96, %add3A_97 : i32
      %get3A_99 = arith.index_cast %add3A_98 : i32 to index
      %get3A_100 = tpu.vector_load %arg5[%get3A_99] {strides = array<i32>} : memref<16384xi32, #tpu.memory_space<vmem>>, vector<16xi32>,
      %mul3A_101 = arith.constant 64 : i32
      %mul3A_102 = arith.muli %scan3A_43, %mul3A_101 : i32
      %add3A_103 = arith.constant 16 : i32
      %add3A_104 = arith.addi %mul3A_102, %add3A_103 : i32
      %get3A_105 = arith.index_cast %add3A_104 : i32 to index
      %get3A_106 = tpu.vector_load %arg6[%get3A_105] {strides = array<i32>} : memref<16384xi32, #tpu.memory_space<vmem>>, vector<16xi32>,
      %sub3A_107 = vector.broadcast %mul3A_21 : i32 to vector<16xi32>
      %sub3A_108 = arith.subi %get3A_106, %sub3A_107 : vector<16xi32>
      %ge3A_109 = arith.constant 0 : i32
      %ge3A_110 = vector.broadcast %ge3A_109 : i32 to vector<16xi32>
      %ge3A_111 = arith.cmpi sge, %sub3A_108, %ge3A_110 : vector<16xi32>
      %lt3A_112 = arith.constant 16 : i32
      %lt3A_113 = vector.broadcast %lt3A_112 : i32 to vector<16xi32>
      %lt3A_114 = arith.cmpi slt, %sub3A_108, %lt3A_113 : vector<16xi32>
      %and3A_115 = arith.andi %ge3A_111, %lt3A_114 : vector<16xi1>
      %mul3A_116 = arith.constant 512 : i32
      %mul3A_117 = vector.broadcast %mul3A_116 : i32 to vector<16xi32>
      %mul3A_118 = arith.muli %sub3A_108, %mul3A_117 : vector<16xi32>
      %add3A_119 = arith.addi %mul3A_17, %mul3A_118 : vector<16xi32>
      %add3A_120 = arith.addi %add3A_119, %get3A_100 : vector<16xi32>
      %jit3A_121 = arith.constant 0 : i32
      %broadcast_in_dim3A_122 = vector.broadcast %jit3A_121 : i32 to vector<16xi32>
      %select_n3A_123 = arith.select %and3A_115, %add3A_120, %broadcast_in_dim3A_122 : vector<16xi1>, vector<16xi32>
      %and3A_124 = arith.andi %and3A_115, %lt3A_12 : vector<16xi1>
      tpu.vector_store_idx %arg7[%select_n3A_123], %broadcast_in_dim3A_19 masked %and3A_124 {add = true} : memref<65536xf32, #tpu.memory_space<vmem>>[vector<16xi32>], vector<16xf32>, vector<16xi1>
      %not3A_125 = arith.constant dense<true> : vector<16xi1>
      %not3A_126 = arith.xori %lt3A_12, %not3A_125 : vector<16xi1>
      %and3A_127 = arith.andi %and3A_115, %not3A_126 : vector<16xi1>
      tpu.vector_store_idx %arg7[%select_n3A_123], %broadcast_in_dim3A_19 masked %and3A_127 {add = true} : memref<65536xf32, #tpu.memory_space<vmem>>[vector<16xi32>], vector<16xf32>, vector<16xi1>
      %mul3A_128 = arith.constant 512 : i32
      %mul3A_129 = vector.broadcast %mul3A_128 : i32 to vector<16xi32>
      %mul3A_130 = arith.muli %get3A_100, %mul3A_129 : vector<16xi32>
      %sub3A_131 = arith.constant 1 : i32
      %sub3A_132 = vector.broadcast %sub3A_131 : i32 to vector<16xi32>
      %sub3A_133 = arith.subi %get3A_100, %sub3A_132 : vector<16xi32>
      %mul3A_134 = arith.muli %get3A_100, %sub3A_133 : vector<16xi32>
      %shift_right_arithmetic3A_135 = arith.constant 1 : i32
      %shift_right_arithmetic3A_136 = vector.broadcast %shift_right_arithmetic3A_135 : i32 to vector<16xi32>
      %shift_right_arithmetic3A_137 = arith.shrsi %mul3A_134, %shift_right_arithmetic3A_136 : vector<16xi32>
      %sub3A_138 = arith.subi %mul3A_130, %shift_right_arithmetic3A_137 : vector<16xi32>
      %sub3A_139 = arith.subi %get3A_106, %get3A_100 : vector<16xi32>
      %add3A_140 = arith.addi %sub3A_138, %sub3A_139 : vector<16xi32>
      %le3A_141 = arith.cmpi sle, %get3A_100, %get3A_106 : vector<16xi32>
      %ge3A_142 = vector.broadcast %mul3A_23 : i32 to vector<16xi32>
      %ge3A_143 = arith.cmpi sge, %add3A_140, %ge3A_142 : vector<16xi32>
      %and3A_144 = arith.andi %le3A_141, %ge3A_143 : vector<16xi1>
      %lt3A_145 = vector.broadcast %add3A_25 : i32 to vector<16xi32>
      %lt3A_146 = arith.cmpi slt, %add3A_140, %lt3A_145 : vector<16xi32>
      %and3A_147 = arith.andi %and3A_144, %lt3A_146 : vector<16xi1>
      %sub3A_148 = vector.broadcast %mul3A_23 : i32 to vector<16xi32>
      %sub3A_149 = arith.subi %add3A_140, %sub3A_148 : vector<16xi32>
      %jit3A_150 = arith.constant 0 : i32
      %broadcast_in_dim3A_151 = vector.broadcast %jit3A_150 : i32 to vector<16xi32>
      %select_n3A_152 = arith.select %and3A_147, %sub3A_149, %broadcast_in_dim3A_151 : vector<16xi1>, vector<16xi32>
      tpu.vector_store_idx %arg8[%select_n3A_152], %broadcast_in_dim3A_19 masked %and3A_147 : memref<8208xf32, #tpu.memory_space<vmem>>[vector<16xi32>], vector<16xf32>, vector<16xi1>
      %mul3A_153 = arith.constant 64 : i32
      %mul3A_154 = arith.muli %scan3A_43, %mul3A_153 : i32
      %add3A_155 = arith.constant 32 : i32
      %add3A_156 = arith.addi %mul3A_154, %add3A_155 : i32
      %get3A_157 = arith.index_cast %add3A_156 : i32 to index
      %get3A_158 = tpu.vector_load %arg5[%get3A_157] {strides = array<i32>} : memref<16384xi32, #tpu.memory_space<vmem>>, vector<16xi32>,
      %mul3A_159 = arith.constant 64 : i32
      %mul3A_160 = arith.muli %scan3A_43, %mul3A_159 : i32
      %add3A_161 = arith.constant 32 : i32
      %add3A_162 = arith.addi %mul3A_160, %add3A_161 : i32
      %get3A_163 = arith.index_cast %add3A_162 : i32 to index
      %get3A_164 = tpu.vector_load %arg6[%get3A_163] {strides = array<i32>} : memref<16384xi32, #tpu.memory_space<vmem>>, vector<16xi32>,
      %sub3A_165 = vector.broadcast %mul3A_21 : i32 to vector<16xi32>
      %sub3A_166 = arith.subi %get3A_164, %sub3A_165 : vector<16xi32>
      %ge3A_167 = arith.constant 0 : i32
      %ge3A_168 = vector.broadcast %ge3A_167 : i32 to vector<16xi32>
      %ge3A_169 = arith.cmpi sge, %sub3A_166, %ge3A_168 : vector<16xi32>
      %lt3A_170 = arith.constant 16 : i32
      %lt3A_171 = vector.broadcast %lt3A_170 : i32 to vector<16xi32>
      %lt3A_172 = arith.cmpi slt, %sub3A_166, %lt3A_171 : vector<16xi32>
      %and3A_173 = arith.andi %ge3A_169, %lt3A_172 : vector<16xi1>
      %mul3A_174 = arith.constant 512 : i32
      %mul3A_175 = vector.broadcast %mul3A_174 : i32 to vector<16xi32>
      %mul3A_176 = arith.muli %sub3A_166, %mul3A_175 : vector<16xi32>
      %add3A_177 = arith.addi %mul3A_17, %mul3A_176 : vector<16xi32>
      %add3A_178 = arith.addi %add3A_177, %get3A_158 : vector<16xi32>
      %jit3A_179 = arith.constant 0 : i32
      %broadcast_in_dim3A_180 = vector.broadcast %jit3A_179 : i32 to vector<16xi32>
      %select_n3A_181 = arith.select %and3A_173, %add3A_178, %broadcast_in_dim3A_180 : vector<16xi1>, vector<16xi32>
      %and3A_182 = arith.andi %and3A_173, %lt3A_12 : vector<16xi1>
      tpu.vector_store_idx %arg7[%select_n3A_181], %broadcast_in_dim3A_19 masked %and3A_182 {add = true} : memref<65536xf32, #tpu.memory_space<vmem>>[vector<16xi32>], vector<16xf32>, vector<16xi1>
      %not3A_183 = arith.constant dense<true> : vector<16xi1>
      %not3A_184 = arith.xori %lt3A_12, %not3A_183 : vector<16xi1>
      %and3A_185 = arith.andi %and3A_173, %not3A_184 : vector<16xi1>
      tpu.vector_store_idx %arg7[%select_n3A_181], %broadcast_in_dim3A_19 masked %and3A_185 {add = true} : memref<65536xf32, #tpu.memory_space<vmem>>[vector<16xi32>], vector<16xf32>, vector<16xi1>
      %mul3A_186 = arith.constant 512 : i32
      %mul3A_187 = vector.broadcast %mul3A_186 : i32 to vector<16xi32>
      %mul3A_188 = arith.muli %get3A_158, %mul3A_187 : vector<16xi32>
      %sub3A_189 = arith.constant 1 : i32
      %sub3A_190 = vector.broadcast %sub3A_189 : i32 to vector<16xi32>
      %sub3A_191 = arith.subi %get3A_158, %sub3A_190 : vector<16xi32>
      %mul3A_192 = arith.muli %get3A_158, %sub3A_191 : vector<16xi32>
      %shift_right_arithmetic3A_193 = arith.constant 1 : i32
      %shift_right_arithmetic3A_194 = vector.broadcast %shift_right_arithmetic3A_193 : i32 to vector<16xi32>
      %shift_right_arithmetic3A_195 = arith.shrsi %mul3A_192, %shift_right_arithmetic3A_194 : vector<16xi32>
      %sub3A_196 = arith.subi %mul3A_188, %shift_right_arithmetic3A_195 : vector<16xi32>
      %sub3A_197 = arith.subi %get3A_164, %get3A_158 : vector<16xi32>
      %add3A_198 = arith.addi %sub3A_196, %sub3A_197 : vector<16xi32>
      %le3A_199 = arith.cmpi sle, %get3A_158, %get3A_164 : vector<16xi32>
      %ge3A_200 = vector.broadcast %mul3A_23 : i32 to vector<16xi32>
      %ge3A_201 = arith.cmpi sge, %add3A_198, %ge3A_200 : vector<16xi32>
      %and3A_202 = arith.andi %le3A_199, %ge3A_201 : vector<16xi1>
      %lt3A_203 = vector.broadcast %add3A_25 : i32 to vector<16xi32>
      %lt3A_204 = arith.cmpi slt, %add3A_198, %lt3A_203 : vector<16xi32>
      %and3A_205 = arith.andi %and3A_202, %lt3A_204 : vector<16xi1>
      %sub3A_206 = vector.broadcast %mul3A_23 : i32 to vector<16xi32>
      %sub3A_207 = arith.subi %add3A_198, %sub3A_206 : vector<16xi32>
      %jit3A_208 = arith.constant 0 : i32
      %broadcast_in_dim3A_209 = vector.broadcast %jit3A_208 : i32 to vector<16xi32>
      %select_n3A_210 = arith.select %and3A_205, %sub3A_207, %broadcast_in_dim3A_209 : vector<16xi1>, vector<16xi32>
      tpu.vector_store_idx %arg8[%select_n3A_210], %broadcast_in_dim3A_19 masked %and3A_205 : memref<8208xf32, #tpu.memory_space<vmem>>[vector<16xi32>], vector<16xf32>, vector<16xi1>
      %mul3A_211 = arith.constant 64 : i32
      %mul3A_212 = arith.muli %scan3A_43, %mul3A_211 : i32
      %add3A_213 = arith.constant 48 : i32
      %add3A_214 = arith.addi %mul3A_212, %add3A_213 : i32
      %get3A_215 = arith.index_cast %add3A_214 : i32 to index
      %get3A_216 = tpu.vector_load %arg5[%get3A_215] {strides = array<i32>} : memref<16384xi32, #tpu.memory_space<vmem>>, vector<16xi32>,
      %mul3A_217 = arith.constant 64 : i32
      %mul3A_218 = arith.muli %scan3A_43, %mul3A_217 : i32
      %add3A_219 = arith.constant 48 : i32
      %add3A_220 = arith.addi %mul3A_218, %add3A_219 : i32
      %get3A_221 = arith.index_cast %add3A_220 : i32 to index
      %get3A_222 = tpu.vector_load %arg6[%get3A_221] {strides = array<i32>} : memref<16384xi32, #tpu.memory_space<vmem>>, vector<16xi32>,
      %sub3A_223 = vector.broadcast %mul3A_21 : i32 to vector<16xi32>
      %sub3A_224 = arith.subi %get3A_222, %sub3A_223 : vector<16xi32>
      %ge3A_225 = arith.constant 0 : i32
      %ge3A_226 = vector.broadcast %ge3A_225 : i32 to vector<16xi32>
      %ge3A_227 = arith.cmpi sge, %sub3A_224, %ge3A_226 : vector<16xi32>
      %lt3A_228 = arith.constant 16 : i32
      %lt3A_229 = vector.broadcast %lt3A_228 : i32 to vector<16xi32>
      %lt3A_230 = arith.cmpi slt, %sub3A_224, %lt3A_229 : vector<16xi32>
      %and3A_231 = arith.andi %ge3A_227, %lt3A_230 : vector<16xi1>
      %mul3A_232 = arith.constant 512 : i32
      %mul3A_233 = vector.broadcast %mul3A_232 : i32 to vector<16xi32>
      %mul3A_234 = arith.muli %sub3A_224, %mul3A_233 : vector<16xi32>
      %add3A_235 = arith.addi %mul3A_17, %mul3A_234 : vector<16xi32>
      %add3A_236 = arith.addi %add3A_235, %get3A_216 : vector<16xi32>
      %jit3A_237 = arith.constant 0 : i32
      %broadcast_in_dim3A_238 = vector.broadcast %jit3A_237 : i32 to vector<16xi32>
      %select_n3A_239 = arith.select %and3A_231, %add3A_236, %broadcast_in_dim3A_238 : vector<16xi1>, vector<16xi32>
      %and3A_240 = arith.andi %and3A_231, %lt3A_12 : vector<16xi1>
      tpu.vector_store_idx %arg7[%select_n3A_239], %broadcast_in_dim3A_19 masked %and3A_240 {add = true} : memref<65536xf32, #tpu.memory_space<vmem>>[vector<16xi32>], vector<16xf32>, vector<16xi1>
      %not3A_241 = arith.constant dense<true> : vector<16xi1>
      %not3A_242 = arith.xori %lt3A_12, %not3A_241 : vector<16xi1>
      %and3A_243 = arith.andi %and3A_231, %not3A_242 : vector<16xi1>
      tpu.vector_store_idx %arg7[%select_n3A_239], %broadcast_in_dim3A_19 masked %and3A_243 {add = true} : memref<65536xf32, #tpu.memory_space<vmem>>[vector<16xi32>], vector<16xf32>, vector<16xi1>
      %mul3A_244 = arith.constant 512 : i32
      %mul3A_245 = vector.broadcast %mul3A_244 : i32 to vector<16xi32>
      %mul3A_246 = arith.muli %get3A_216, %mul3A_245 : vector<16xi32>
      %sub3A_247 = arith.constant 1 : i32
      %sub3A_248 = vector.broadcast %sub3A_247 : i32 to vector<16xi32>
      %sub3A_249 = arith.subi %get3A_216, %sub3A_248 : vector<16xi32>
      %mul3A_250 = arith.muli %get3A_216, %sub3A_249 : vector<16xi32>
      %shift_right_arithmetic3A_251 = arith.constant 1 : i32
      %shift_right_arithmetic3A_252 = vector.broadcast %shift_right_arithmetic3A_251 : i32 to vector<16xi32>
      %shift_right_arithmetic3A_253 = arith.shrsi %mul3A_250, %shift_right_arithmetic3A_252 : vector<16xi32>
      %sub3A_254 = arith.subi %mul3A_246, %shift_right_arithmetic3A_253 : vector<16xi32>
      %sub3A_255 = arith.subi %get3A_222, %get3A_216 : vector<16xi32>
      %add3A_256 = arith.addi %sub3A_254, %sub3A_255 : vector<16xi32>
      %le3A_257 = arith.cmpi sle, %get3A_216, %get3A_222 : vector<16xi32>
      %ge3A_258 = vector.broadcast %mul3A_23 : i32 to vector<16xi32>
      %ge3A_259 = arith.cmpi sge, %add3A_256, %ge3A_258 : vector<16xi32>
      %and3A_260 = arith.andi %le3A_257, %ge3A_259 : vector<16xi1>
      %lt3A_261 = vector.broadcast %add3A_25 : i32 to vector<16xi32>
      %lt3A_262 = arith.cmpi slt, %add3A_256, %lt3A_261 : vector<16xi32>
      %and3A_263 = arith.andi %and3A_260, %lt3A_262 : vector<16xi1>
      %sub3A_264 = vector.broadcast %mul3A_23 : i32 to vector<16xi32>
      %sub3A_265 = arith.subi %add3A_256, %sub3A_264 : vector<16xi32>
      %jit3A_266 = arith.constant 0 : i32
      %broadcast_in_dim3A_267 = vector.broadcast %jit3A_266 : i32 to vector<16xi32>
      %select_n3A_268 = arith.select %and3A_263, %sub3A_265, %broadcast_in_dim3A_267 : vector<16xi1>, vector<16xi32>
      tpu.vector_store_idx %arg8[%select_n3A_268], %broadcast_in_dim3A_19 masked %and3A_263 : memref<8208xf32, #tpu.memory_space<vmem>>[vector<16xi32>], vector<16xf32>, vector<16xi1>
    }
    %scan3A_31 = arith.constant 256 : i32
    %scan3A_32 = arith.constant 0 : i32
    %scan3A_33 = arith.constant 0 : i32
    %scan3A_34 = arith.constant 256 : i32
    %scan3A_35 = arith.addi %scan3A_33, %scan3A_34 : i32
    %scan3A_36 = arith.constant 1 : i32
    scf.for %scan3A_43 = %scan3A_33 to %scan3A_35 step %scan3A_36  : i32 {
      %mul3A_44 = arith.constant 32 : i32
      %mul3A_45 = arith.muli %scan3A_43, %mul3A_44 : i32
      %add3A_46 = arith.constant 0 : i32
      %add3A_47 = arith.addi %mul3A_45, %add3A_46 : i32
      %get3A = arith.index_cast %add3A_47 : i32 to index
      %get3A_48 = tpu.vector_load %arg7[%get3A] {strides = array<i32>} : memref<65536xf32, #tpu.memory_space<vmem>>, vector<16xf32>,
      %mul3A_49 = arith.constant 32 : i32
      %mul3A_50 = arith.muli %scan3A_43, %mul3A_49 : i32
      %add3A_51 = arith.constant 0 : i32
      %add3A_52 = arith.addi %mul3A_50, %add3A_51 : i32
      %add3A_53 = arith.constant 8192 : i32
      %add3A_54 = arith.addi %add3A_52, %add3A_53 : i32
      %get3A_55 = arith.index_cast %add3A_54 : i32 to index
      %get3A_56 = tpu.vector_load %arg7[%get3A_55] {strides = array<i32>} : memref<65536xf32, #tpu.memory_space<vmem>>, vector<16xf32>,
      %add3A_57 = arith.addf %get3A_48, %get3A_56 : vector<16xf32>
      %mul3A_58 = arith.constant 32 : i32
      %mul3A_59 = arith.muli %scan3A_43, %mul3A_58 : i32
      %add3A_60 = arith.constant 0 : i32
      %add3A_61 = arith.addi %mul3A_59, %add3A_60 : i32
      %add3A_62 = arith.constant 16384 : i32
      %add3A_63 = arith.addi %add3A_61, %add3A_62 : i32
      %get3A_64 = arith.index_cast %add3A_63 : i32 to index
      %get3A_65 = tpu.vector_load %arg7[%get3A_64] {strides = array<i32>} : memref<65536xf32, #tpu.memory_space<vmem>>, vector<16xf32>,
      %add3A_66 = arith.addf %add3A_57, %get3A_65 : vector<16xf32>
      %mul3A_67 = arith.constant 32 : i32
      %mul3A_68 = arith.muli %scan3A_43, %mul3A_67 : i32
      %add3A_69 = arith.constant 0 : i32
      %add3A_70 = arith.addi %mul3A_68, %add3A_69 : i32
      %add3A_71 = arith.constant 24576 : i32
      %add3A_72 = arith.addi %add3A_70, %add3A_71 : i32
      %get3A_73 = arith.index_cast %add3A_72 : i32 to index
      %get3A_74 = tpu.vector_load %arg7[%get3A_73] {strides = array<i32>} : memref<65536xf32, #tpu.memory_space<vmem>>, vector<16xf32>,
      %add3A_75 = arith.addf %add3A_66, %get3A_74 : vector<16xf32>
      %mul3A_76 = arith.constant 32 : i32
      %mul3A_77 = arith.muli %scan3A_43, %mul3A_76 : i32
      %add3A_78 = arith.constant 0 : i32
      %add3A_79 = arith.addi %mul3A_77, %add3A_78 : i32
      %add3A_80 = arith.constant 32768 : i32
      %add3A_81 = arith.addi %add3A_79, %add3A_80 : i32
      %get3A_82 = arith.index_cast %add3A_81 : i32 to index
      %get3A_83 = tpu.vector_load %arg7[%get3A_82] {strides = array<i32>} : memref<65536xf32, #tpu.memory_space<vmem>>, vector<16xf32>,
      %add3A_84 = arith.addf %add3A_75, %get3A_83 : vector<16xf32>
      %mul3A_85 = arith.constant 32 : i32
      %mul3A_86 = arith.muli %scan3A_43, %mul3A_85 : i32
      %add3A_87 = arith.constant 0 : i32
      %add3A_88 = arith.addi %mul3A_86, %add3A_87 : i32
      %add3A_89 = arith.constant 40960 : i32
      %add3A_90 = arith.addi %add3A_88, %add3A_89 : i32
      %get3A_91 = arith.index_cast %add3A_90 : i32 to index
      %get3A_92 = tpu.vector_load %arg7[%get3A_91] {strides = array<i32>} : memref<65536xf32, #tpu.memory_space<vmem>>, vector<16xf32>,
      %add3A_93 = arith.addf %add3A_84, %get3A_92 : vector<16xf32>
      %mul3A_94 = arith.constant 32 : i32
      %mul3A_95 = arith.muli %scan3A_43, %mul3A_94 : i32
      %add3A_96 = arith.constant 0 : i32
      %add3A_97 = arith.addi %mul3A_95, %add3A_96 : i32
      %add3A_98 = arith.constant 49152 : i32
      %add3A_99 = arith.addi %add3A_97, %add3A_98 : i32
      %get3A_100 = arith.index_cast %add3A_99 : i32 to index
      %get3A_101 = tpu.vector_load %arg7[%get3A_100] {strides = array<i32>} : memref<65536xf32, #tpu.memory_space<vmem>>, vector<16xf32>,
      %add3A_102 = arith.addf %add3A_93, %get3A_101 : vector<16xf32>
      %mul3A_103 = arith.constant 32 : i32
      %mul3A_104 = arith.muli %scan3A_43, %mul3A_103 : i32
      %add3A_105 = arith.constant 0 : i32
      %add3A_106 = arith.addi %mul3A_104, %add3A_105 : i32
      %add3A_107 = arith.constant 57344 : i32
      %add3A_108 = arith.addi %add3A_106, %add3A_107 : i32
      %get3A_109 = arith.index_cast %add3A_108 : i32 to index
      %get3A_110 = tpu.vector_load %arg7[%get3A_109] {strides = array<i32>} : memref<65536xf32, #tpu.memory_space<vmem>>, vector<16xf32>,
      %add3A_111 = arith.addf %add3A_102, %get3A_110 : vector<16xf32>
      %swap3A = arith.index_cast %add3A_47 : i32 to index
      %swap3A_112 = tpu.vector_load %arg7[%swap3A] {strides = array<i32>} : memref<65536xf32, #tpu.memory_space<vmem>>, vector<16xf32>,
      tpu.vector_store %arg7[%swap3A], %add3A_111 {strides = array<i32>} : memref<65536xf32, #tpu.memory_space<vmem>>, vector<16xf32>,
      %mul3A_113 = arith.constant 32 : i32
      %mul3A_114 = arith.muli %scan3A_43, %mul3A_113 : i32
      %add3A_115 = arith.constant 16 : i32
      %add3A_116 = arith.addi %mul3A_114, %add3A_115 : i32
      %get3A_117 = arith.index_cast %add3A_116 : i32 to index
      %get3A_118 = tpu.vector_load %arg7[%get3A_117] {strides = array<i32>} : memref<65536xf32, #tpu.memory_space<vmem>>, vector<16xf32>,
      %mul3A_119 = arith.constant 32 : i32
      %mul3A_120 = arith.muli %scan3A_43, %mul3A_119 : i32
      %add3A_121 = arith.constant 16 : i32
      %add3A_122 = arith.addi %mul3A_120, %add3A_121 : i32
      %add3A_123 = arith.constant 8192 : i32
      %add3A_124 = arith.addi %add3A_122, %add3A_123 : i32
      %get3A_125 = arith.index_cast %add3A_124 : i32 to index
      %get3A_126 = tpu.vector_load %arg7[%get3A_125] {strides = array<i32>} : memref<65536xf32, #tpu.memory_space<vmem>>, vector<16xf32>,
      %add3A_127 = arith.addf %get3A_118, %get3A_126 : vector<16xf32>
      %mul3A_128 = arith.constant 32 : i32
      %mul3A_129 = arith.muli %scan3A_43, %mul3A_128 : i32
      %add3A_130 = arith.constant 16 : i32
      %add3A_131 = arith.addi %mul3A_129, %add3A_130 : i32
      %add3A_132 = arith.constant 16384 : i32
      %add3A_133 = arith.addi %add3A_131, %add3A_132 : i32
      %get3A_134 = arith.index_cast %add3A_133 : i32 to index
      %get3A_135 = tpu.vector_load %arg7[%get3A_134] {strides = array<i32>} : memref<65536xf32, #tpu.memory_space<vmem>>, vector<16xf32>,
      %add3A_136 = arith.addf %add3A_127, %get3A_135 : vector<16xf32>
      %mul3A_137 = arith.constant 32 : i32
      %mul3A_138 = arith.muli %scan3A_43, %mul3A_137 : i32
      %add3A_139 = arith.constant 16 : i32
      %add3A_140 = arith.addi %mul3A_138, %add3A_139 : i32
      %add3A_141 = arith.constant 24576 : i32
      %add3A_142 = arith.addi %add3A_140, %add3A_141 : i32
      %get3A_143 = arith.index_cast %add3A_142 : i32 to index
      %get3A_144 = tpu.vector_load %arg7[%get3A_143] {strides = array<i32>} : memref<65536xf32, #tpu.memory_space<vmem>>, vector<16xf32>,
      %add3A_145 = arith.addf %add3A_136, %get3A_144 : vector<16xf32>
      %mul3A_146 = arith.constant 32 : i32
      %mul3A_147 = arith.muli %scan3A_43, %mul3A_146 : i32
      %add3A_148 = arith.constant 16 : i32
      %add3A_149 = arith.addi %mul3A_147, %add3A_148 : i32
      %add3A_150 = arith.constant 32768 : i32
      %add3A_151 = arith.addi %add3A_149, %add3A_150 : i32
      %get3A_152 = arith.index_cast %add3A_151 : i32 to index
      %get3A_153 = tpu.vector_load %arg7[%get3A_152] {strides = array<i32>} : memref<65536xf32, #tpu.memory_space<vmem>>, vector<16xf32>,
      %add3A_154 = arith.addf %add3A_145, %get3A_153 : vector<16xf32>
      %mul3A_155 = arith.constant 32 : i32
      %mul3A_156 = arith.muli %scan3A_43, %mul3A_155 : i32
      %add3A_157 = arith.constant 16 : i32
      %add3A_158 = arith.addi %mul3A_156, %add3A_157 : i32
      %add3A_159 = arith.constant 40960 : i32
      %add3A_160 = arith.addi %add3A_158, %add3A_159 : i32
      %get3A_161 = arith.index_cast %add3A_160 : i32 to index
      %get3A_162 = tpu.vector_load %arg7[%get3A_161] {strides = array<i32>} : memref<65536xf32, #tpu.memory_space<vmem>>, vector<16xf32>,
      %add3A_163 = arith.addf %add3A_154, %get3A_162 : vector<16xf32>
      %mul3A_164 = arith.constant 32 : i32
      %mul3A_165 = arith.muli %scan3A_43, %mul3A_164 : i32
      %add3A_166 = arith.constant 16 : i32
      %add3A_167 = arith.addi %mul3A_165, %add3A_166 : i32
      %add3A_168 = arith.constant 49152 : i32
      %add3A_169 = arith.addi %add3A_167, %add3A_168 : i32
      %get3A_170 = arith.index_cast %add3A_169 : i32 to index
      %get3A_171 = tpu.vector_load %arg7[%get3A_170] {strides = array<i32>} : memref<65536xf32, #tpu.memory_space<vmem>>, vector<16xf32>,
      %add3A_172 = arith.addf %add3A_163, %get3A_171 : vector<16xf32>
      %mul3A_173 = arith.constant 32 : i32
      %mul3A_174 = arith.muli %scan3A_43, %mul3A_173 : i32
      %add3A_175 = arith.constant 16 : i32
      %add3A_176 = arith.addi %mul3A_174, %add3A_175 : i32
      %add3A_177 = arith.constant 57344 : i32
      %add3A_178 = arith.addi %add3A_176, %add3A_177 : i32
      %get3A_179 = arith.index_cast %add3A_178 : i32 to index
      %get3A_180 = tpu.vector_load %arg7[%get3A_179] {strides = array<i32>} : memref<65536xf32, #tpu.memory_space<vmem>>, vector<16xf32>,
      %add3A_181 = arith.addf %add3A_172, %get3A_180 : vector<16xf32>
      %swap3A_182 = arith.index_cast %add3A_116 : i32 to index
      %swap3A_183 = tpu.vector_load %arg7[%swap3A_182] {strides = array<i32>} : memref<65536xf32, #tpu.memory_space<vmem>>, vector<16xf32>,
      tpu.vector_store %arg7[%swap3A_182], %add3A_181 {strides = array<i32>} : memref<65536xf32, #tpu.memory_space<vmem>>, vector<16xf32>,
    }
    %scan3A_37 = arith.constant 256 : i32
    %mul3A_38 = arith.constant 8192 : i32
    %mul3A_39 = arith.muli %add3A, %mul3A_38 : i32
    "tpu.region"() ({
      %run_scoped3A_43 = tpu.sem_alloc : memref<!tpu.dma_semaphore, #tpu.memory_space<semaphore_mem>>
      %dma_start3A = arith.constant 0 : i32
      %dma_start3A_44 = tpu.memref_slice %arg7[%dma_start3A] : memref<65536xf32, #tpu.memory_space<vmem>> -> memref<8192xf32, #tpu.memory_space<vmem>>
      %dma_start3A_45 = tpu.memref_slice %arg3[%mul3A_39] : memref<262144xf32, #tpu.memory_space<hbm>> -> memref<8192xf32, #tpu.memory_space<hbm>>
      %dma_start3A_46 = tpu.memref_slice %arg3[%mul3A_39] : memref<262144xf32, #tpu.memory_space<hbm>> -> memref<8192xf32, #tpu.memory_space<hbm>>
      %dma_start3A_47 = arith.constant 0 : i32
      %dma_start3A_48 = tpu.memref_slice %arg7[%dma_start3A_47] : memref<65536xf32, #tpu.memory_space<vmem>> -> memref<8192xf32, #tpu.memory_space<vmem>>
      tpu.enqueue_dma source(%dma_start3A_48 : memref<8192xf32, #tpu.memory_space<vmem>>) target(%dma_start3A_46 : memref<8192xf32, #tpu.memory_space<hbm>>) target_semaphore(%run_scoped3A_43 : memref<!tpu.dma_semaphore, #tpu.memory_space<semaphore_mem>>)
      %dma_wait3A = arith.constant 0 : i32
      %dma_wait3A_49 = tpu.memref_slice %arg7[%dma_wait3A] : memref<65536xf32, #tpu.memory_space<vmem>> -> memref<8192xf32, #tpu.memory_space<vmem>>
      %dma_wait3A_50 = tpu.memref_slice %arg3[%mul3A_39] : memref<262144xf32, #tpu.memory_space<hbm>> -> memref<8192xf32, #tpu.memory_space<hbm>>
      %dma_wait3A_51 = tpu.memref_slice %arg3[%mul3A_39] : memref<262144xf32, #tpu.memory_space<hbm>> -> memref<8192xf32, #tpu.memory_space<hbm>>
      %dma_wait3A_52 = arith.constant 0 : i32
      %dma_wait3A_53 = tpu.memref_slice %arg7[%dma_wait3A_52] : memref<65536xf32, #tpu.memory_space<vmem>> -> memref<8192xf32, #tpu.memory_space<vmem>>
      tpu.wait_dma2 semaphore(%run_scoped3A_43 : memref<!tpu.dma_semaphore, #tpu.memory_space<semaphore_mem>>) src(%dma_wait3A_53 : memref<8192xf32, #tpu.memory_space<vmem>>) dst(%dma_wait3A_51 : memref<8192xf32, #tpu.memory_space<hbm>>)
      tpu.yield
    }) : () -> ()
    %convert_element_type3A_40 = arith.extui %lt3A_8 : i1 to i32
    %cond3A_41 = arith.constant 0 : i32
    %cond3A_42 = arith.cmpi ne, %convert_element_type3A_40, %cond3A_41 : i32
    scf.if %cond3A_42 {
      "tpu.region"() ({
        %run_scoped3A_43 = tpu.sem_alloc : memref<!tpu.dma_semaphore, #tpu.memory_space<semaphore_mem>>
        %dma_start3A = tpu.memref_slice %arg4[%mul3A_23] : memref<131328xf32, #tpu.memory_space<hbm>> -> memref<8208xf32, #tpu.memory_space<hbm>>
        %dma_start3A_44 = tpu.memref_slice %arg4[%mul3A_23] : memref<131328xf32, #tpu.memory_space<hbm>> -> memref<8208xf32, #tpu.memory_space<hbm>>
        tpu.enqueue_dma source(%arg8 : memref<8208xf32, #tpu.memory_space<vmem>>) target(%dma_start3A_44 : memref<8208xf32, #tpu.memory_space<hbm>>) target_semaphore(%run_scoped3A_43 : memref<!tpu.dma_semaphore, #tpu.memory_space<semaphore_mem>>)
        %dma_wait3A = tpu.memref_slice %arg4[%mul3A_23] : memref<131328xf32, #tpu.memory_space<hbm>> -> memref<8208xf32, #tpu.memory_space<hbm>>
        %dma_wait3A_45 = tpu.memref_slice %arg4[%mul3A_23] : memref<131328xf32, #tpu.memory_space<hbm>> -> memref<8208xf32, #tpu.memory_space<hbm>>
        tpu.wait_dma2 semaphore(%run_scoped3A_43 : memref<!tpu.dma_semaphore, #tpu.memory_space<semaphore_mem>>) src(%arg8 : memref<8208xf32, #tpu.memory_space<vmem>>) dst(%dma_wait3A_45 : memref<8208xf32, #tpu.memory_space<hbm>>)
        tpu.yield
      }) : () -> ()
    } else {
    }
    return
  }
}

module attributes {stable_mosaic.version = 14 : i64} {
  func.func @_dense_body(%arg0: memref<512x512xf32, #tpu.memory_space<vmem>>, %arg1: memref<512x128xf32, #tpu.memory_space<vmem>>, %arg2: memref<512x1xf32, #tpu.memory_space<vmem>>, %arg3: memref<512x16xf32, #tpu.memory_space<vmem>>, %arg4: memref<512x16xf32, #tpu.memory_space<vmem>>, %arg5: memref<128x256xf32, #tpu.memory_space<vmem>>, %arg6: memref<1x256xf32, #tpu.memory_space<vmem>>, %arg7: memref<256x16xf32, #tpu.memory_space<vmem>>, %arg8: memref<1x16xf32, #tpu.memory_space<vmem>>, %arg9: memref<256x16xf32, #tpu.memory_space<vmem>>, %arg10: memref<1x16xf32, #tpu.memory_space<vmem>>, %arg11: memref<129x256xf32, #tpu.memory_space<vmem>>, %arg12: memref<1x256xf32, #tpu.memory_space<vmem>>, %arg13: memref<256x16xf32, #tpu.memory_space<vmem>>, %arg14: memref<1x16xf32, #tpu.memory_space<vmem>>, %arg15: memref<256x16xf32, #tpu.memory_space<vmem>>, %arg16: memref<1x16xf32, #tpu.memory_space<vmem>>, %arg17: memref<32x256xf32, #tpu.memory_space<vmem>>, %arg18: memref<1x256xf32, #tpu.memory_space<vmem>>, %arg19: memref<256x128xf32, #tpu.memory_space<vmem>>, %arg20: memref<1x128xf32, #tpu.memory_space<vmem>>, %arg21: memref<144x512xf32, #tpu.memory_space<vmem>>, %arg22: memref<1x512xf32, #tpu.memory_space<vmem>>, %arg23: memref<512x8xf32, #tpu.memory_space<vmem>>, %arg24: memref<1x8xf32, #tpu.memory_space<vmem>>, %arg25: memref<512x8xf32, #tpu.memory_space<vmem>>, %arg26: memref<512x16xf32, #tpu.memory_space<vmem>>, %arg27: memref<512x16xf32, #tpu.memory_space<vmem>>, %arg28: memref<1x1xf32, #tpu.memory_space<vmem>>, %arg29: memref<16x16xf32, #tpu.memory_space<vmem>>, %arg30: memref<1x1xf32, #tpu.memory_space<vmem>>) attributes {dimension_semantics = [], scalar_prefetch = 0 : i64, scratch_operands = 0 : i64, tpu.core_type = #tpu.core_type<tc>} {
    %get3A = arith.constant 0 : index
    %get3A_0 = arith.constant 0 : index
    %get3A_1 = vector.load %arg0[%get3A, %get3A_0] : memref<512x512xf32, #tpu.memory_space<vmem>>, vector<512x512xf32>
    %get3A_2 = arith.constant 0 : index
    %get3A_3 = arith.constant 0 : index
    %get3A_4 = vector.load %arg1[%get3A_2, %get3A_3] : memref<512x128xf32, #tpu.memory_space<vmem>>, vector<512x128xf32>
    %get3A_5 = arith.constant 0 : index
    %get3A_6 = arith.constant 0 : index
    %get3A_7 = vector.load %arg2[%get3A_5, %get3A_6] : memref<512x1xf32, #tpu.memory_space<vmem>>, vector<512x1xf32>
    %iota3A = tpu.iota {dimensions = array<i32: 0>} : vector<512x512xi32>
    %iota3A_8 = tpu.iota {dimensions = array<i32: 1>} : vector<512x512xi32>
    %eq3A = arith.cmpi eq, %iota3A, %iota3A_8 : vector<512x512xi32>
    %jit3A = arith.constant 1.000000e+00 : f32
    %jit3A_9 = arith.constant 0.000000e+00 : f32
    %broadcast_in_dim3A = vector.broadcast %jit3A : f32 to vector<512x512xf32>
    %broadcast_in_dim3A_10 = vector.broadcast %jit3A_9 : f32 to vector<512x512xf32>
    %select_n3A = arith.select %eq3A, %broadcast_in_dim3A, %broadcast_in_dim3A_10 : vector<512x512xi1>, vector<512x512xf32>
    %add3A = arith.addf %get3A_1, %select_n3A : vector<512x512xf32>
    %reduce_sum3A = arith.constant dense<0.000000e+00> : vector<512xf32>
    %reduce_sum3A_11 = vector.multi_reduction <add>, %add3A, %reduce_sum3A [1] : vector<512x512xf32> to vector<512xf32>
    %broadcast_in_dim3A_12 = vector.shape_cast %reduce_sum3A_11 : vector<512xf32> to vector<512x1xf32>
    %rsqrt3A = math.rsqrt %broadcast_in_dim3A_12 : vector<512x1xf32>
    %mul3A = vector.broadcast %rsqrt3A : vector<512x1xf32> to vector<512x128xf32>
    %mul3A_13 = arith.mulf %mul3A, %get3A_4 : vector<512x128xf32>
    %dot_general3A = arith.constant dense<0.000000e+00> : vector<512x128xf32>
    %dot_general3A_14 = tpu.matmul %add3A, %mul3A_13, %dot_general3A {dimension_numbers = #tpu.dot_dimension_numbers<[1], [0], [0], [1], [0, 0, 1, 1], [], []>, transpose_lhs_hint = false} : vector<512x512xf32>, vector<512x128xf32>, vector<512x128xf32> -> vector<512x128xf32>
    %mul3A_15 = vector.broadcast %rsqrt3A : vector<512x1xf32> to vector<512x128xf32>
    %mul3A_16 = arith.mulf %mul3A_15, %dot_general3A_14 : vector<512x128xf32>
    %mul3A_17 = arith.mulf %rsqrt3A, %get3A_7 : vector<512x1xf32>
    %dot_general3A_18 = arith.constant dense<0.000000e+00> : vector<512x1xf32>
    %dot_general3A_19 = tpu.matmul %add3A, %mul3A_17, %dot_general3A_18 {dimension_numbers = #tpu.dot_dimension_numbers<[1], [0], [0], [1], [0, 0, 1, 1], [], []>, transpose_lhs_hint = false} : vector<512x512xf32>, vector<512x1xf32>, vector<512x1xf32> -> vector<512x1xf32>
    %mul3A_20 = arith.mulf %rsqrt3A, %dot_general3A_19 : vector<512x1xf32>
    %get3A_21 = arith.constant 0 : index
    %get3A_22 = arith.constant 0 : index
    %get3A_23 = vector.load %arg5[%get3A_21, %get3A_22] : memref<128x256xf32, #tpu.memory_space<vmem>>, vector<128x256xf32>
    %dot_general3A_24 = arith.constant dense<0.000000e+00> : vector<512x256xf32>
    %dot_general3A_25 = tpu.matmul %mul3A_16, %get3A_23, %dot_general3A_24 {dimension_numbers = #tpu.dot_dimension_numbers<[1], [0], [0], [1], [0, 0, 1, 1], [], []>, transpose_lhs_hint = false} : vector<512x128xf32>, vector<128x256xf32>, vector<512x256xf32> -> vector<512x256xf32>
    %get3A_26 = arith.constant 0 : index
    %get3A_27 = arith.constant 0 : index
    %get3A_28 = vector.load %arg6[%get3A_26, %get3A_27] : memref<1x256xf32, #tpu.memory_space<vmem>>, vector<1x256xf32>
    %add3A_29 = vector.broadcast %get3A_28 : vector<1x256xf32> to vector<512x256xf32>
    %add3A_30 = arith.addf %dot_general3A_25, %add3A_29 : vector<512x256xf32>
    %max3A = arith.constant 0.000000e+00 : f32
    %max3A_31 = vector.broadcast %max3A : f32 to vector<512x256xf32>
    %max3A_32 = arith.maximumf %add3A_30, %max3A_31 : vector<512x256xf32>
    %get3A_33 = arith.constant 0 : index
    %get3A_34 = arith.constant 0 : index
    %get3A_35 = vector.load %arg7[%get3A_33, %get3A_34] : memref<256x16xf32, #tpu.memory_space<vmem>>, vector<256x16xf32>
    %dot_general3A_36 = arith.constant dense<0.000000e+00> : vector<512x16xf32>
    %dot_general3A_37 = tpu.matmul %max3A_32, %get3A_35, %dot_general3A_36 {dimension_numbers = #tpu.dot_dimension_numbers<[1], [0], [0], [1], [0, 0, 1, 1], [], []>, transpose_lhs_hint = false} : vector<512x256xf32>, vector<256x16xf32>, vector<512x16xf32> -> vector<512x16xf32>
    %mul3A_38 = vector.broadcast %rsqrt3A : vector<512x1xf32> to vector<512x16xf32>
    %mul3A_39 = arith.mulf %mul3A_38, %dot_general3A_37 : vector<512x16xf32>
    %dot_general3A_40 = arith.constant dense<0.000000e+00> : vector<512x16xf32>
    %dot_general3A_41 = tpu.matmul %add3A, %mul3A_39, %dot_general3A_40 {dimension_numbers = #tpu.dot_dimension_numbers<[1], [0], [0], [1], [0, 0, 1, 1], [], []>, transpose_lhs_hint = false} : vector<512x512xf32>, vector<512x16xf32>, vector<512x16xf32> -> vector<512x16xf32>
    %mul3A_42 = vector.broadcast %rsqrt3A : vector<512x1xf32> to vector<512x16xf32>
    %mul3A_43 = arith.mulf %mul3A_42, %dot_general3A_41 : vector<512x16xf32>
    %get3A_44 = arith.constant 0 : index
    %get3A_45 = arith.constant 0 : index
    %get3A_46 = vector.load %arg8[%get3A_44, %get3A_45] : memref<1x16xf32, #tpu.memory_space<vmem>>, vector<1x16xf32>
    %add3A_47 = vector.broadcast %get3A_46 : vector<1x16xf32> to vector<512x16xf32>
    %add3A_48 = arith.addf %mul3A_43, %add3A_47 : vector<512x16xf32>
    %get3A_49 = arith.constant 0 : index
    %get3A_50 = arith.constant 0 : index
    %get3A_51 = vector.load %arg9[%get3A_49, %get3A_50] : memref<256x16xf32, #tpu.memory_space<vmem>>, vector<256x16xf32>
    %dot_general3A_52 = arith.constant dense<0.000000e+00> : vector<512x16xf32>
    %dot_general3A_53 = tpu.matmul %max3A_32, %get3A_51, %dot_general3A_52 {dimension_numbers = #tpu.dot_dimension_numbers<[1], [0], [0], [1], [0, 0, 1, 1], [], []>, transpose_lhs_hint = false} : vector<512x256xf32>, vector<256x16xf32>, vector<512x16xf32> -> vector<512x16xf32>
    %mul3A_54 = vector.broadcast %rsqrt3A : vector<512x1xf32> to vector<512x16xf32>
    %mul3A_55 = arith.mulf %mul3A_54, %dot_general3A_53 : vector<512x16xf32>
    %dot_general3A_56 = arith.constant dense<0.000000e+00> : vector<512x16xf32>
    %dot_general3A_57 = tpu.matmul %add3A, %mul3A_55, %dot_general3A_56 {dimension_numbers = #tpu.dot_dimension_numbers<[1], [0], [0], [1], [0, 0, 1, 1], [], []>, transpose_lhs_hint = false} : vector<512x512xf32>, vector<512x16xf32>, vector<512x16xf32> -> vector<512x16xf32>
    %mul3A_58 = vector.broadcast %rsqrt3A : vector<512x1xf32> to vector<512x16xf32>
    %mul3A_59 = arith.mulf %mul3A_58, %dot_general3A_57 : vector<512x16xf32>
    %get3A_60 = arith.constant 0 : index
    %get3A_61 = arith.constant 0 : index
    %get3A_62 = vector.load %arg10[%get3A_60, %get3A_61] : memref<1x16xf32, #tpu.memory_space<vmem>>, vector<1x16xf32>
    %add3A_63 = vector.broadcast %get3A_62 : vector<1x16xf32> to vector<512x16xf32>
    %add3A_64 = arith.addf %mul3A_59, %add3A_63 : vector<512x16xf32>
    %get3A_65 = arith.constant 0 : index
    %get3A_66 = arith.constant 0 : index
    %get3A_67 = vector.load %arg11[%get3A_65, %get3A_66] : memref<129x256xf32, #tpu.memory_space<vmem>>, vector<128x256xf32>
    %dot_general3A_68 = arith.constant dense<0.000000e+00> : vector<512x256xf32>
    %dot_general3A_69 = tpu.matmul %mul3A_16, %get3A_67, %dot_general3A_68 {dimension_numbers = #tpu.dot_dimension_numbers<[1], [0], [0], [1], [0, 0, 1, 1], [], []>, transpose_lhs_hint = false} : vector<512x128xf32>, vector<128x256xf32>, vector<512x256xf32> -> vector<512x256xf32>
    %get3A_70 = arith.constant 128 : index
    %get3A_71 = arith.constant 0 : index
    %get3A_72 = vector.load %arg11[%get3A_70, %get3A_71] : memref<129x256xf32, #tpu.memory_space<vmem>>, vector<1x256xf32>
    %mul3A_73 = vector.broadcast %mul3A_20 : vector<512x1xf32> to vector<512x256xf32>
    %mul3A_74 = vector.broadcast %get3A_72 : vector<1x256xf32> to vector<512x256xf32>
    %mul3A_75 = arith.mulf %mul3A_73, %mul3A_74 : vector<512x256xf32>
    %add3A_76 = arith.addf %dot_general3A_69, %mul3A_75 : vector<512x256xf32>
    %get3A_77 = arith.constant 0 : index
    %get3A_78 = arith.constant 0 : index
    %get3A_79 = vector.load %arg12[%get3A_77, %get3A_78] : memref<1x256xf32, #tpu.memory_space<vmem>>, vector<1x256xf32>
    %add3A_80 = vector.broadcast %get3A_79 : vector<1x256xf32> to vector<512x256xf32>
    %add3A_81 = arith.addf %add3A_76, %add3A_80 : vector<512x256xf32>
    %max3A_82 = arith.constant 0.000000e+00 : f32
    %max3A_83 = vector.broadcast %max3A_82 : f32 to vector<512x256xf32>
    %max3A_84 = arith.maximumf %add3A_81, %max3A_83 : vector<512x256xf32>
    %get3A_85 = arith.constant 0 : index
    %get3A_86 = arith.constant 0 : index
    %get3A_87 = vector.load %arg13[%get3A_85, %get3A_86] : memref<256x16xf32, #tpu.memory_space<vmem>>, vector<256x16xf32>
    %dot_general3A_88 = arith.constant dense<0.000000e+00> : vector<512x16xf32>
    %dot_general3A_89 = tpu.matmul %max3A_84, %get3A_87, %dot_general3A_88 {dimension_numbers = #tpu.dot_dimension_numbers<[1], [0], [0], [1], [0, 0, 1, 1], [], []>, transpose_lhs_hint = false} : vector<512x256xf32>, vector<256x16xf32>, vector<512x16xf32> -> vector<512x16xf32>
    %mul3A_90 = vector.broadcast %rsqrt3A : vector<512x1xf32> to vector<512x16xf32>
    %mul3A_91 = arith.mulf %mul3A_90, %dot_general3A_89 : vector<512x16xf32>
    %dot_general3A_92 = arith.constant dense<0.000000e+00> : vector<512x16xf32>
    %dot_general3A_93 = tpu.matmul %add3A, %mul3A_91, %dot_general3A_92 {dimension_numbers = #tpu.dot_dimension_numbers<[1], [0], [0], [1], [0, 0, 1, 1], [], []>, transpose_lhs_hint = false} : vector<512x512xf32>, vector<512x16xf32>, vector<512x16xf32> -> vector<512x16xf32>
    %mul3A_94 = vector.broadcast %rsqrt3A : vector<512x1xf32> to vector<512x16xf32>
    %mul3A_95 = arith.mulf %mul3A_94, %dot_general3A_93 : vector<512x16xf32>
    %get3A_96 = arith.constant 0 : index
    %get3A_97 = arith.constant 0 : index
    %get3A_98 = vector.load %arg14[%get3A_96, %get3A_97] : memref<1x16xf32, #tpu.memory_space<vmem>>, vector<1x16xf32>
    %add3A_99 = vector.broadcast %get3A_98 : vector<1x16xf32> to vector<512x16xf32>
    %add3A_100 = arith.addf %mul3A_95, %add3A_99 : vector<512x16xf32>
    %get3A_101 = arith.constant 0 : index
    %get3A_102 = arith.constant 0 : index
    %get3A_103 = vector.load %arg15[%get3A_101, %get3A_102] : memref<256x16xf32, #tpu.memory_space<vmem>>, vector<256x16xf32>
    %dot_general3A_104 = arith.constant dense<0.000000e+00> : vector<512x16xf32>
    %dot_general3A_105 = tpu.matmul %max3A_84, %get3A_103, %dot_general3A_104 {dimension_numbers = #tpu.dot_dimension_numbers<[1], [0], [0], [1], [0, 0, 1, 1], [], []>, transpose_lhs_hint = false} : vector<512x256xf32>, vector<256x16xf32>, vector<512x16xf32> -> vector<512x16xf32>
    %mul3A_106 = vector.broadcast %rsqrt3A : vector<512x1xf32> to vector<512x16xf32>
    %mul3A_107 = arith.mulf %mul3A_106, %dot_general3A_105 : vector<512x16xf32>
    %dot_general3A_108 = arith.constant dense<0.000000e+00> : vector<512x16xf32>
    %dot_general3A_109 = tpu.matmul %add3A, %mul3A_107, %dot_general3A_108 {dimension_numbers = #tpu.dot_dimension_numbers<[1], [0], [0], [1], [0, 0, 1, 1], [], []>, transpose_lhs_hint = false} : vector<512x512xf32>, vector<512x16xf32>, vector<512x16xf32> -> vector<512x16xf32>
    %mul3A_110 = vector.broadcast %rsqrt3A : vector<512x1xf32> to vector<512x16xf32>
    %mul3A_111 = arith.mulf %mul3A_110, %dot_general3A_109 : vector<512x16xf32>
    %get3A_112 = arith.constant 0 : index
    %get3A_113 = arith.constant 0 : index
    %get3A_114 = vector.load %arg16[%get3A_112, %get3A_113] : memref<1x16xf32, #tpu.memory_space<vmem>>, vector<1x16xf32>
    %add3A_115 = vector.broadcast %get3A_114 : vector<1x16xf32> to vector<512x16xf32>
    %add3A_116 = arith.addf %mul3A_111, %add3A_115 : vector<512x16xf32>
    %get3A_117 = arith.constant 0 : index
    %get3A_118 = arith.constant 0 : index
    %get3A_119 = vector.load %arg3[%get3A_117, %get3A_118] : memref<512x16xf32, #tpu.memory_space<vmem>>, vector<512x16xf32>
    %mul3A_120 = arith.constant 5.000000e-01 : f32
    %mul3A_121 = vector.broadcast %mul3A_120 : f32 to vector<512x16xf32>
    %mul3A_122 = arith.mulf %mul3A_121, %add3A_64 : vector<512x16xf32>
    %exp3A = math.exp %mul3A_122 : vector<512x16xf32>
    %mul3A_123 = arith.mulf %get3A_119, %exp3A : vector<512x16xf32>
    %add3A_124 = arith.addf %mul3A_123, %add3A_48 : vector<512x16xf32>
    %get3A_125 = arith.constant 0 : index
    %get3A_126 = arith.constant 0 : index
    %get3A_127 = vector.load %arg4[%get3A_125, %get3A_126] : memref<512x16xf32, #tpu.memory_space<vmem>>, vector<512x16xf32>
    %mul3A_128 = arith.constant 5.000000e-01 : f32
    %mul3A_129 = vector.broadcast %mul3A_128 : f32 to vector<512x16xf32>
    %mul3A_130 = arith.mulf %mul3A_129, %add3A_116 : vector<512x16xf32>
    %exp3A_131 = math.exp %mul3A_130 : vector<512x16xf32>
    %mul3A_132 = arith.mulf %get3A_127, %exp3A_131 : vector<512x16xf32>
    %add3A_133 = arith.addf %mul3A_132, %add3A_100 : vector<512x16xf32>
    %swap3A = arith.constant 0 : index
    %swap3A_134 = arith.constant 0 : index
    %swap3A_135 = vector.load %arg26[%swap3A, %swap3A_134] : memref<512x16xf32, #tpu.memory_space<vmem>>, vector<512x16xf32>
    tpu.vector_store %arg26[%swap3A, %swap3A_134], %add3A_124 {strides = array<i32>} : memref<512x16xf32, #tpu.memory_space<vmem>>, vector<512x16xf32>,
    %swap3A_136 = arith.constant 0 : index
    %swap3A_137 = arith.constant 0 : index
    %swap3A_138 = vector.load %arg27[%swap3A_136, %swap3A_137] : memref<512x16xf32, #tpu.memory_space<vmem>>, vector<512x16xf32>
    tpu.vector_store %arg27[%swap3A_136, %swap3A_137], %add3A_133 {strides = array<i32>} : memref<512x16xf32, #tpu.memory_space<vmem>>, vector<512x16xf32>,
    %dot_general3A_139 = arith.constant dense<0.000000e+00> : vector<512x1xf32>
    %dot_general3A_140 = tpu.matmul %add3A, %rsqrt3A, %dot_general3A_139 {dimension_numbers = #tpu.dot_dimension_numbers<[1], [0], [0], [1], [0, 0, 1, 1], [], []>, transpose_lhs_hint = false} : vector<512x512xf32>, vector<512x1xf32>, vector<512x1xf32> -> vector<512x1xf32>
    %mul3A_141 = arith.mulf %rsqrt3A, %dot_general3A_140 : vector<512x1xf32>
    %get3A_142 = arith.constant 0 : index
    %get3A_143 = arith.constant 0 : index
    %get3A_144 = vector.load %arg17[%get3A_142, %get3A_143] : memref<32x256xf32, #tpu.memory_space<vmem>>, vector<32x256xf32>
    %get3A_145 = arith.constant 0 : index
    %get3A_146 = arith.constant 0 : index
    %get3A_147 = vector.load %arg19[%get3A_145, %get3A_146] : memref<256x128xf32, #tpu.memory_space<vmem>>, vector<256x128xf32>
    %dot_general3A_148 = arith.constant dense<0.000000e+00> : vector<32x128xf32>
    %dot_general3A_149 = tpu.matmul %get3A_144, %get3A_147, %dot_general3A_148 {dimension_numbers = #tpu.dot_dimension_numbers<[1], [0], [0], [1], [0, 0, 1, 1], [], []>, transpose_lhs_hint = false} : vector<32x256xf32>, vector<256x128xf32>, vector<32x128xf32> -> vector<32x128xf32>
    %get3A_150 = arith.constant 0 : index
    %get3A_151 = arith.constant 0 : index
    %get3A_152 = vector.load %arg18[%get3A_150, %get3A_151] : memref<1x256xf32, #tpu.memory_space<vmem>>, vector<1x256xf32>
    %get3A_153 = arith.constant 0 : index
    %get3A_154 = arith.constant 0 : index
    %get3A_155 = vector.load %arg19[%get3A_153, %get3A_154] : memref<256x128xf32, #tpu.memory_space<vmem>>, vector<256x128xf32>
    %dot_general3A_156 = arith.constant dense<0.000000e+00> : vector<1x128xf32>
    %dot_general3A_157 = tpu.matmul %get3A_152, %get3A_155, %dot_general3A_156 {dimension_numbers = #tpu.dot_dimension_numbers<[1], [0], [0], [1], [0, 0, 1, 1], [], []>, transpose_lhs_hint = false} : vector<1x256xf32>, vector<256x128xf32>, vector<1x128xf32> -> vector<1x128xf32>
    %mul3A_158 = vector.broadcast %rsqrt3A : vector<512x1xf32> to vector<512x16xf32>
    %mul3A_159 = arith.mulf %mul3A_158, %add3A_124 : vector<512x16xf32>
    %dot_general3A_160 = arith.constant dense<0.000000e+00> : vector<512x16xf32>
    %dot_general3A_161 = tpu.matmul %add3A, %mul3A_159, %dot_general3A_160 {dimension_numbers = #tpu.dot_dimension_numbers<[1], [0], [0], [1], [0, 0, 1, 1], [], []>, transpose_lhs_hint = false} : vector<512x512xf32>, vector<512x16xf32>, vector<512x16xf32> -> vector<512x16xf32>
    %mul3A_162 = vector.broadcast %rsqrt3A : vector<512x1xf32> to vector<512x16xf32>
    %mul3A_163 = arith.mulf %mul3A_162, %dot_general3A_161 : vector<512x16xf32>
    %mul3A_164 = vector.broadcast %rsqrt3A : vector<512x1xf32> to vector<512x16xf32>
    %mul3A_165 = arith.mulf %mul3A_164, %mul3A_163 : vector<512x16xf32>
    %dot_general3A_166 = arith.constant dense<0.000000e+00> : vector<512x16xf32>
    %dot_general3A_167 = tpu.matmul %add3A, %mul3A_165, %dot_general3A_166 {dimension_numbers = #tpu.dot_dimension_numbers<[1], [0], [0], [1], [0, 0, 1, 1], [], []>, transpose_lhs_hint = false} : vector<512x512xf32>, vector<512x16xf32>, vector<512x16xf32> -> vector<512x16xf32>
    %mul3A_168 = vector.broadcast %rsqrt3A : vector<512x1xf32> to vector<512x16xf32>
    %mul3A_169 = arith.mulf %mul3A_168, %dot_general3A_167 : vector<512x16xf32>
    %mul3A_170 = vector.broadcast %rsqrt3A : vector<512x1xf32> to vector<512x16xf32>
    %mul3A_171 = arith.mulf %mul3A_170, %add3A_133 : vector<512x16xf32>
    %dot_general3A_172 = arith.constant dense<0.000000e+00> : vector<512x16xf32>
    %dot_general3A_173 = tpu.matmul %add3A, %mul3A_171, %dot_general3A_172 {dimension_numbers = #tpu.dot_dimension_numbers<[1], [0], [0], [1], [0, 0, 1, 1], [], []>, transpose_lhs_hint = false} : vector<512x512xf32>, vector<512x16xf32>, vector<512x16xf32> -> vector<512x16xf32>
    %mul3A_174 = vector.broadcast %rsqrt3A : vector<512x1xf32> to vector<512x16xf32>
    %mul3A_175 = arith.mulf %mul3A_174, %dot_general3A_173 : vector<512x16xf32>
    %mul3A_176 = vector.broadcast %rsqrt3A : vector<512x1xf32> to vector<512x16xf32>
    %mul3A_177 = arith.mulf %mul3A_176, %mul3A_175 : vector<512x16xf32>
    %dot_general3A_178 = arith.constant dense<0.000000e+00> : vector<512x16xf32>
    %dot_general3A_179 = tpu.matmul %add3A, %mul3A_177, %dot_general3A_178 {dimension_numbers = #tpu.dot_dimension_numbers<[1], [0], [0], [1], [0, 0, 1, 1], [], []>, transpose_lhs_hint = false} : vector<512x512xf32>, vector<512x16xf32>, vector<512x16xf32> -> vector<512x16xf32>
    %mul3A_180 = vector.broadcast %rsqrt3A : vector<512x1xf32> to vector<512x16xf32>
    %mul3A_181 = arith.mulf %mul3A_180, %dot_general3A_179 : vector<512x16xf32>
    %slice3A = vector.extract_strided_slice %dot_general3A_149 {offsets = [0, 0], sizes = [16, 128], strides = [1, 1]} : vector<32x128xf32> to vector<16x128xf32>
    %dot_general3A_182 = arith.constant dense<0.000000e+00> : vector<512x128xf32>
    %dot_general3A_183 = tpu.matmul %mul3A_169, %slice3A, %dot_general3A_182 {dimension_numbers = #tpu.dot_dimension_numbers<[1], [0], [0], [1], [0, 0, 1, 1], [], []>, transpose_lhs_hint = false} : vector<512x16xf32>, vector<16x128xf32>, vector<512x128xf32> -> vector<512x128xf32>
    %slice3A_184 = vector.extract_strided_slice %dot_general3A_149 {offsets = [16, 0], sizes = [16, 128], strides = [1, 1]} : vector<32x128xf32> to vector<16x128xf32>
    %dot_general3A_185 = arith.constant dense<0.000000e+00> : vector<512x128xf32>
    %dot_general3A_186 = tpu.matmul %mul3A_181, %slice3A_184, %dot_general3A_185 {dimension_numbers = #tpu.dot_dimension_numbers<[1], [0], [0], [1], [0, 0, 1, 1], [], []>, transpose_lhs_hint = false} : vector<512x16xf32>, vector<16x128xf32>, vector<512x128xf32> -> vector<512x128xf32>
    %add3A_187 = arith.addf %dot_general3A_183, %dot_general3A_186 : vector<512x128xf32>
    %mul3A_188 = vector.broadcast %mul3A_141 : vector<512x1xf32> to vector<512x128xf32>
    %mul3A_189 = vector.broadcast %dot_general3A_157 : vector<1x128xf32> to vector<512x128xf32>
    %mul3A_190 = arith.mulf %mul3A_188, %mul3A_189 : vector<512x128xf32>
    %add3A_191 = arith.addf %add3A_187, %mul3A_190 : vector<512x128xf32>
    %get3A_192 = arith.constant 0 : index
    %get3A_193 = arith.constant 0 : index
    %get3A_194 = vector.load %arg20[%get3A_192, %get3A_193] : memref<1x128xf32, #tpu.memory_space<vmem>>, vector<1x128xf32>
    %add3A_195 = vector.broadcast %get3A_194 : vector<1x128xf32> to vector<512x128xf32>
    %add3A_196 = arith.addf %add3A_191, %add3A_195 : vector<512x128xf32>
    %sub3A = arith.subf %add3A_196, %get3A_4 : vector<512x128xf32>
    %integer_pow3A = arith.mulf %sub3A, %sub3A : vector<512x128xf32>
    %reduce_sum3A_197 = vector.shape_cast %integer_pow3A : vector<512x128xf32> to vector<1x512x128xf32>
    %reduce_sum3A_198 = arith.constant dense<0.000000e+00> : vector<1xf32>
    %reduce_sum3A_199 = vector.multi_reduction <add>, %reduce_sum3A_197, %reduce_sum3A_198 [1, 2] : vector<1x512x128xf32> to vector<1xf32>
    %reduce_sum3A_200 = vector.shape_cast %reduce_sum3A_199 : vector<1xf32> to vector<1x1x1xf32>
    %reduce_sum3A_201 = vector.extract %reduce_sum3A_200[0, 0, 0] : f32 from vector<1x1x1xf32>
    %div3A = arith.constant 6.553600e+04 : f32
    %div3A_202 = arith.divf %reduce_sum3A_201, %div3A : f32
    %get3A_203 = arith.constant 0 : index
    %get3A_204 = arith.constant 0 : index
    %get3A_205 = vector.load %arg21[%get3A_203, %get3A_204] : memref<144x512xf32, #tpu.memory_space<vmem>>, vector<144x512xf32>
    %get3A_206 = arith.constant 0 : index
    %get3A_207 = arith.constant 0 : index
    %get3A_208 = vector.load %arg23[%get3A_206, %get3A_207] : memref<512x8xf32, #tpu.memory_space<vmem>>, vector<512x8xf32>
    %dot_general3A_209 = arith.constant dense<0.000000e+00> : vector<144x8xf32>
    %dot_general3A_210 = tpu.matmul %get3A_205, %get3A_208, %dot_general3A_209 {dimension_numbers = #tpu.dot_dimension_numbers<[1], [0], [0], [1], [0, 0, 1, 1], [], []>, transpose_lhs_hint = false} : vector<144x512xf32>, vector<512x8xf32>, vector<144x8xf32> -> vector<144x8xf32>
    %get3A_211 = arith.constant 0 : index
    %get3A_212 = arith.constant 0 : index
    %get3A_213 = vector.load %arg22[%get3A_211, %get3A_212] : memref<1x512xf32, #tpu.memory_space<vmem>>, vector<1x512xf32>
    %get3A_214 = arith.constant 0 : index
    %get3A_215 = arith.constant 0 : index
    %get3A_216 = vector.load %arg23[%get3A_214, %get3A_215] : memref<512x8xf32, #tpu.memory_space<vmem>>, vector<512x8xf32>
    %dot_general3A_217 = arith.constant dense<0.000000e+00> : vector<1x8xf32>
    %dot_general3A_218 = tpu.matmul %get3A_213, %get3A_216, %dot_general3A_217 {dimension_numbers = #tpu.dot_dimension_numbers<[1], [0], [0], [1], [0, 0, 1, 1], [], []>, transpose_lhs_hint = false} : vector<1x512xf32>, vector<512x8xf32>, vector<1x8xf32> -> vector<1x8xf32>
    %slice3A_219 = vector.extract_strided_slice %dot_general3A_210 {offsets = [0, 0], sizes = [16, 8], strides = [1, 1]} : vector<144x8xf32> to vector<16x8xf32>
    %dot_general3A_220 = arith.constant dense<0.000000e+00> : vector<512x8xf32>
    %dot_general3A_221 = tpu.matmul %add3A_133, %slice3A_219, %dot_general3A_220 {dimension_numbers = #tpu.dot_dimension_numbers<[1], [0], [0], [1], [0, 0, 1, 1], [], []>, transpose_lhs_hint = false} : vector<512x16xf32>, vector<16x8xf32>, vector<512x8xf32> -> vector<512x8xf32>
    %slice3A_222 = vector.extract_strided_slice %dot_general3A_210 {offsets = [16, 0], sizes = [128, 8], strides = [1, 1]} : vector<144x8xf32> to vector<128x8xf32>
    %dot_general3A_223 = arith.constant dense<0.000000e+00> : vector<512x8xf32>
    %dot_general3A_224 = tpu.matmul %get3A_4, %slice3A_222, %dot_general3A_223 {dimension_numbers = #tpu.dot_dimension_numbers<[1], [0], [0], [1], [0, 0, 1, 1], [], []>, transpose_lhs_hint = false} : vector<512x128xf32>, vector<128x8xf32>, vector<512x8xf32> -> vector<512x8xf32>
    %add3A_225 = arith.addf %dot_general3A_221, %dot_general3A_224 : vector<512x8xf32>
    %mul3A_226 = vector.broadcast %rsqrt3A : vector<512x1xf32> to vector<512x8xf32>
    %mul3A_227 = arith.mulf %mul3A_226, %add3A_225 : vector<512x8xf32>
    %dot_general3A_228 = arith.constant dense<0.000000e+00> : vector<512x8xf32>
    %dot_general3A_229 = tpu.matmul %add3A, %mul3A_227, %dot_general3A_228 {dimension_numbers = #tpu.dot_dimension_numbers<[1], [0], [0], [1], [0, 0, 1, 1], [], []>, transpose_lhs_hint = false} : vector<512x512xf32>, vector<512x8xf32>, vector<512x8xf32> -> vector<512x8xf32>
    %mul3A_230 = vector.broadcast %rsqrt3A : vector<512x1xf32> to vector<512x8xf32>
    %mul3A_231 = arith.mulf %mul3A_230, %dot_general3A_229 : vector<512x8xf32>
    %mul3A_232 = vector.broadcast %rsqrt3A : vector<512x1xf32> to vector<512x8xf32>
    %mul3A_233 = arith.mulf %mul3A_232, %mul3A_231 : vector<512x8xf32>
    %dot_general3A_234 = arith.constant dense<0.000000e+00> : vector<512x8xf32>
    %dot_general3A_235 = tpu.matmul %add3A, %mul3A_233, %dot_general3A_234 {dimension_numbers = #tpu.dot_dimension_numbers<[1], [0], [0], [1], [0, 0, 1, 1], [], []>, transpose_lhs_hint = false} : vector<512x512xf32>, vector<512x8xf32>, vector<512x8xf32> -> vector<512x8xf32>
    %mul3A_236 = vector.broadcast %rsqrt3A : vector<512x1xf32> to vector<512x8xf32>
    %mul3A_237 = arith.mulf %mul3A_236, %dot_general3A_235 : vector<512x8xf32>
    %mul3A_238 = vector.broadcast %mul3A_141 : vector<512x1xf32> to vector<512x8xf32>
    %mul3A_239 = vector.broadcast %dot_general3A_218 : vector<1x8xf32> to vector<512x8xf32>
    %mul3A_240 = arith.mulf %mul3A_238, %mul3A_239 : vector<512x8xf32>
    %add3A_241 = arith.addf %mul3A_237, %mul3A_240 : vector<512x8xf32>
    %get3A_242 = arith.constant 0 : index
    %get3A_243 = arith.constant 0 : index
    %get3A_244 = vector.load %arg24[%get3A_242, %get3A_243] : memref<1x8xf32, #tpu.memory_space<vmem>>, vector<1x8xf32>
    %add3A_245 = vector.broadcast %get3A_244 : vector<1x8xf32> to vector<512x8xf32>
    %add3A_246 = arith.addf %add3A_241, %add3A_245 : vector<512x8xf32>
    %reduce_max3A = arith.constant dense<0xFF800000> : vector<512xf32>
    %reduce_max3A_247 = vector.multi_reduction <maximumf>, %add3A_246, %reduce_max3A [1] : vector<512x8xf32> to vector<512xf32>
    %broadcast_in_dim3A_248 = vector.shape_cast %reduce_max3A_247 : vector<512xf32> to vector<512x1xf32>
    %sub3A_249 = vector.broadcast %broadcast_in_dim3A_248 : vector<512x1xf32> to vector<512x8xf32>
    %sub3A_250 = arith.subf %add3A_246, %sub3A_249 : vector<512x8xf32>
    %exp3A_251 = math.exp %sub3A_250 : vector<512x8xf32>
    %reduce_sum3A_252 = arith.constant dense<0.000000e+00> : vector<512xf32>
    %reduce_sum3A_253 = vector.multi_reduction <add>, %exp3A_251, %reduce_sum3A_252 [1] : vector<512x8xf32> to vector<512xf32>
    %broadcast_in_dim3A_254 = vector.shape_cast %reduce_sum3A_253 : vector<512xf32> to vector<512x1xf32>
    %div3A_255 = vector.broadcast %broadcast_in_dim3A_254 : vector<512x1xf32> to vector<512x8xf32>
    %div3A_256 = arith.divf %exp3A_251, %div3A_255 : vector<512x8xf32>
    %swap3A_257 = arith.constant 0 : index
    %swap3A_258 = arith.constant 0 : index
    %swap3A_259 = vector.load %arg25[%swap3A_257, %swap3A_258] : memref<512x8xf32, #tpu.memory_space<vmem>>, vector<512x8xf32>
    tpu.vector_store %arg25[%swap3A_257, %swap3A_258], %div3A_256 {strides = array<i32>} : memref<512x8xf32, #tpu.memory_space<vmem>>, vector<512x8xf32>,
    %add3A_260 = arith.constant 1.000000e+00 : f32
    %add3A_261 = vector.broadcast %add3A_260 : f32 to vector<512x16xf32>
    %add3A_262 = arith.addf %add3A_261, %add3A_116 : vector<512x16xf32>
    %integer_pow3A_263 = arith.mulf %add3A_100, %add3A_100 : vector<512x16xf32>
    %sub3A_264 = arith.subf %add3A_262, %integer_pow3A_263 : vector<512x16xf32>
    %exp3A_265 = math.exp %add3A_116 : vector<512x16xf32>
    %sub3A_266 = arith.subf %sub3A_264, %exp3A_265 : vector<512x16xf32>
    %reduce_sum3A_267 = vector.shape_cast %sub3A_266 : vector<512x16xf32> to vector<1x512x16xf32>
    %reduce_sum3A_268 = arith.constant dense<0.000000e+00> : vector<1xf32>
    %reduce_sum3A_269 = vector.multi_reduction <add>, %reduce_sum3A_267, %reduce_sum3A_268 [1, 2] : vector<1x512x16xf32> to vector<1xf32>
    %reduce_sum3A_270 = vector.shape_cast %reduce_sum3A_269 : vector<1xf32> to vector<1x1x1xf32>
    %reduce_sum3A_271 = vector.extract %reduce_sum3A_270[0, 0, 0] : f32 from vector<1x1x1xf32>
    %mul3A_272 = arith.constant -5.000000e-01 : f32
    %mul3A_273 = arith.mulf %mul3A_272, %reduce_sum3A_271 : f32
    %add3A_274 = arith.constant 1.000000e+00 : f32
    %add3A_275 = vector.broadcast %add3A_274 : f32 to vector<512x16xf32>
    %add3A_276 = arith.addf %add3A_275, %add3A_64 : vector<512x16xf32>
    %integer_pow3A_277 = arith.mulf %add3A_48, %add3A_48 : vector<512x16xf32>
    %sub3A_278 = arith.subf %add3A_276, %integer_pow3A_277 : vector<512x16xf32>
    %exp3A_279 = math.exp %add3A_64 : vector<512x16xf32>
    %sub3A_280 = arith.subf %sub3A_278, %exp3A_279 : vector<512x16xf32>
    %reduce_sum3A_281 = vector.shape_cast %sub3A_280 : vector<512x16xf32> to vector<1x512x16xf32>
    %reduce_sum3A_282 = arith.constant dense<0.000000e+00> : vector<1xf32>
    %reduce_sum3A_283 = vector.multi_reduction <add>, %reduce_sum3A_281, %reduce_sum3A_282 [1, 2] : vector<1x512x16xf32> to vector<1xf32>
    %reduce_sum3A_284 = vector.shape_cast %reduce_sum3A_283 : vector<1xf32> to vector<1x1x1xf32>
    %reduce_sum3A_285 = vector.extract %reduce_sum3A_284[0, 0, 0] : f32 from vector<1x1x1xf32>
    %mul3A_286 = arith.constant -5.000000e-01 : f32
    %mul3A_287 = arith.mulf %mul3A_286, %reduce_sum3A_285 : f32
    %reduce_sum3A_288 = vector.shape_cast %add3A_124 : vector<512x16xf32> to vector<1x512x16xf32>
    %reduce_sum3A_289 = arith.constant dense<0.000000e+00> : vector<1xf32>
    %reduce_sum3A_290 = vector.multi_reduction <add>, %reduce_sum3A_288, %reduce_sum3A_289 [1, 2] : vector<1x512x16xf32> to vector<1xf32>
    %reduce_sum3A_291 = vector.shape_cast %reduce_sum3A_290 : vector<1xf32> to vector<1x1x1xf32>
    %reduce_sum3A_292 = vector.extract %reduce_sum3A_291[0, 0, 0] : f32 from vector<1x1x1xf32>
    %div3A_293 = arith.constant 8.192000e+03 : f32
    %div3A_294 = arith.divf %reduce_sum3A_292, %div3A_293 : f32
    %sub3A_295 = vector.broadcast %div3A_294 : f32 to vector<512x16xf32>
    %sub3A_296 = arith.subf %add3A_124, %sub3A_295 : vector<512x16xf32>
    %reduce_sum3A_297 = vector.shape_cast %add3A_133 : vector<512x16xf32> to vector<1x512x16xf32>
    %reduce_sum3A_298 = arith.constant dense<0.000000e+00> : vector<1xf32>
    %reduce_sum3A_299 = vector.multi_reduction <add>, %reduce_sum3A_297, %reduce_sum3A_298 [1, 2] : vector<1x512x16xf32> to vector<1xf32>
    %reduce_sum3A_300 = vector.shape_cast %reduce_sum3A_299 : vector<1xf32> to vector<1x1x1xf32>
    %reduce_sum3A_301 = vector.extract %reduce_sum3A_300[0, 0, 0] : f32 from vector<1x1x1xf32>
    %div3A_302 = arith.constant 8.192000e+03 : f32
    %div3A_303 = arith.divf %reduce_sum3A_301, %div3A_302 : f32
    %sub3A_304 = vector.broadcast %div3A_303 : f32 to vector<512x16xf32>
    %sub3A_305 = arith.subf %add3A_133, %sub3A_304 : vector<512x16xf32>
    %reduce_sum3A_306 = arith.constant dense<0.000000e+00> : vector<512xf32>
    %reduce_sum3A_307 = vector.multi_reduction <add>, %sub3A_296, %reduce_sum3A_306 [1] : vector<512x16xf32> to vector<512xf32>
    %broadcast_in_dim3A_308 = vector.shape_cast %reduce_sum3A_307 : vector<512xf32> to vector<512x1xf32>
    %div3A_309 = arith.constant 1.600000e+01 : f32
    %div3A_310 = vector.broadcast %div3A_309 : f32 to vector<512x1xf32>
    %div3A_311 = arith.divf %broadcast_in_dim3A_308, %div3A_310 : vector<512x1xf32>
    %sub3A_312 = vector.broadcast %div3A_311 : vector<512x1xf32> to vector<512x16xf32>
    %sub3A_313 = arith.subf %sub3A_296, %sub3A_312 : vector<512x16xf32>
    %reduce_sum3A_314 = arith.constant dense<0.000000e+00> : vector<512xf32>
    %reduce_sum3A_315 = vector.multi_reduction <add>, %sub3A_305, %reduce_sum3A_314 [1] : vector<512x16xf32> to vector<512xf32>
    %broadcast_in_dim3A_316 = vector.shape_cast %reduce_sum3A_315 : vector<512xf32> to vector<512x1xf32>
    %div3A_317 = arith.constant 1.600000e+01 : f32
    %div3A_318 = vector.broadcast %div3A_317 : f32 to vector<512x1xf32>
    %div3A_319 = arith.divf %broadcast_in_dim3A_316, %div3A_318 : vector<512x1xf32>
    %sub3A_320 = vector.broadcast %div3A_319 : vector<512x1xf32> to vector<512x16xf32>
    %sub3A_321 = arith.subf %sub3A_305, %sub3A_320 : vector<512x16xf32>
    %dot_general3A_322 = arith.constant dense<0.000000e+00> : vector<16x16xf32>
    %dot_general3A_323 = tpu.matmul %sub3A_313, %sub3A_313, %dot_general3A_322 {dimension_numbers = #tpu.dot_dimension_numbers<[0], [0], [1], [1], [0, 1, 1, 1], [], []>, transpose_lhs_hint = false} : vector<512x16xf32>, vector<512x16xf32>, vector<16x16xf32> -> vector<16x16xf32>
    %dot_general3A_324 = arith.constant dense<0.000000e+00> : vector<16x16xf32>
    %dot_general3A_325 = tpu.matmul %sub3A_321, %sub3A_321, %dot_general3A_324 {dimension_numbers = #tpu.dot_dimension_numbers<[0], [0], [1], [1], [0, 1, 1, 1], [], []>, transpose_lhs_hint = false} : vector<512x16xf32>, vector<512x16xf32>, vector<16x16xf32> -> vector<16x16xf32>
    %add3A_326 = arith.addf %dot_general3A_323, %dot_general3A_325 : vector<16x16xf32>
    %mul3A_327 = arith.constant 0.0666666701 : f32
    %mul3A_328 = vector.broadcast %mul3A_327 : f32 to vector<16x16xf32>
    %mul3A_329 = arith.mulf %add3A_326, %mul3A_328 : vector<16x16xf32>
    %swap3A_330 = arith.constant 0 : index
    %swap3A_331 = arith.constant 0 : index
    %swap3A_332 = vector.load %arg29[%swap3A_330, %swap3A_331] : memref<16x16xf32, #tpu.memory_space<vmem>>, vector<16x16xf32>
    tpu.vector_store %arg29[%swap3A_330, %swap3A_331], %mul3A_329 {strides = array<i32>} : memref<16x16xf32, #tpu.memory_space<vmem>>, vector<16x16xf32>,
    %integer_pow3A_333 = arith.mulf %sub3A_296, %sub3A_296 : vector<512x16xf32>
    %reduce_sum3A_334 = vector.shape_cast %integer_pow3A_333 : vector<512x16xf32> to vector<1x512x16xf32>
    %reduce_sum3A_335 = arith.constant dense<0.000000e+00> : vector<1xf32>
    %reduce_sum3A_336 = vector.multi_reduction <add>, %reduce_sum3A_334, %reduce_sum3A_335 [1, 2] : vector<1x512x16xf32> to vector<1xf32>
    %reduce_sum3A_337 = vector.shape_cast %reduce_sum3A_336 : vector<1xf32> to vector<1x1x1xf32>
    %reduce_sum3A_338 = vector.extract %reduce_sum3A_337[0, 0, 0] : f32 from vector<1x1x1xf32>
    %div3A_339 = arith.constant 8.192000e+03 : f32
    %div3A_340 = arith.divf %reduce_sum3A_338, %div3A_339 : f32
    %sqrt3A = math.sqrt %div3A_340 : f32
    %integer_pow3A_341 = arith.mulf %sub3A_305, %sub3A_305 : vector<512x16xf32>
    %reduce_sum3A_342 = vector.shape_cast %integer_pow3A_341 : vector<512x16xf32> to vector<1x512x16xf32>
    %reduce_sum3A_343 = arith.constant dense<0.000000e+00> : vector<1xf32>
    %reduce_sum3A_344 = vector.multi_reduction <add>, %reduce_sum3A_342, %reduce_sum3A_343 [1, 2] : vector<1x512x16xf32> to vector<1xf32>
    %reduce_sum3A_345 = vector.shape_cast %reduce_sum3A_344 : vector<1xf32> to vector<1x1x1xf32>
    %reduce_sum3A_346 = vector.extract %reduce_sum3A_345[0, 0, 0] : f32 from vector<1x1x1xf32>
    %div3A_347 = arith.constant 8.192000e+03 : f32
    %div3A_348 = arith.divf %reduce_sum3A_346, %div3A_347 : f32
    %sqrt3A_349 = math.sqrt %div3A_348 : f32
    %mul3A_350 = arith.mulf %sqrt3A, %sqrt3A_349 : f32
    %reshape3A = vector.broadcast %mul3A_350 : f32 to vector<1x1xf32>
    %swap3A_351 = arith.constant 0 : index
    %swap3A_352 = arith.constant 0 : index
    %swap3A_353 = vector.load %arg30[%swap3A_351, %swap3A_352] : memref<1x1xf32, #tpu.memory_space<vmem>>, vector<1x1xf32>
    tpu.vector_store %arg30[%swap3A_351, %swap3A_352], %reshape3A {strides = array<i32>} : memref<1x1xf32, #tpu.memory_space<vmem>>, vector<1x1xf32>,
    %add3A_354 = arith.addf %div3A_202, %mul3A_273 : f32
    %add3A_355 = arith.addf %add3A_354, %mul3A_287 : f32
    %reshape3A_356 = vector.broadcast %add3A_355 : f32 to vector<1x1xf32>
    %swap3A_357 = arith.constant 0 : index
    %swap3A_358 = arith.constant 0 : index
    %swap3A_359 = vector.load %arg28[%swap3A_357, %swap3A_358] : memref<1x1xf32, #tpu.memory_space<vmem>>, vector<1x1xf32>
    tpu.vector_store %arg28[%swap3A_357, %swap3A_358], %reshape3A_356 {strides = array<i32>} : memref<1x1xf32, #tpu.memory_space<vmem>>, vector<1x1xf32>,
    return
  }
}

module attributes {stable_mosaic.version = 14 : i64} {
  func.func @_l1_body(%arg0: i32, %arg1: memref<1x2048xf32, #tpu.memory_space<vmem>>, %arg2: memref<2048x512xf32, #tpu.memory_space<vmem>>, %arg3: memref<1x512xf32, #tpu.memory_space<vmem>>, %arg4: memref<1x512xf32, #tpu.memory_space<vmem>>) attributes {dimension_semantics = [#tpu.dimension_semantics<arbitrary>], iteration_bounds = array<i64: 8>, scalar_prefetch = 0 : i64, scratch_operands = 0 : i64, tpu.core_type = #tpu.core_type<tc>, window_params = [{transform_indices = @transform_0, window_bounds = array<i64: 1, 2048>}, {transform_indices = @transform_1, window_bounds = array<i64: 2048, 512>}, {pipeline_mode = #tpu.pipeline_mode<synchronous>, transform_indices = @transform_2, window_bounds = array<i64: 1, 512>}, {pipeline_mode = #tpu.pipeline_mode<synchronous>, transform_indices = @transform_3, window_bounds = array<i64: 1, 512>}]} {
    %eq3A = arith.constant 0 : i32
    %eq3A_0 = arith.cmpi eq, %arg0, %eq3A : i32
    %convert_element_type3A = arith.extui %eq3A_0 : i1 to i32
    %cond3A = arith.constant 0 : i32
    %cond3A_1 = arith.cmpi ne, %convert_element_type3A, %cond3A : i32
    scf.if %cond3A_1 {
      %get3A_13 = arith.constant 0 : index
      %get3A_14 = arith.constant 0 : index
      %get3A_15 = vector.load %arg3[%get3A_13, %get3A_14] : memref<1x512xf32, #tpu.memory_space<vmem>>, vector<1x512xf32>
      %swap3A_16 = arith.constant 0 : index
      %swap3A_17 = arith.constant 0 : index
      %swap3A_18 = vector.load %arg4[%swap3A_16, %swap3A_17] : memref<1x512xf32, #tpu.memory_space<vmem>>, vector<1x512xf32>
      tpu.vector_store %arg4[%swap3A_16, %swap3A_17], %get3A_15 {strides = array<i32>} : memref<1x512xf32, #tpu.memory_space<vmem>>, vector<1x512xf32>,
    } else {
    }
    %get3A = arith.constant 0 : index
    %get3A_2 = arith.constant 0 : index
    %get3A_3 = vector.load %arg4[%get3A, %get3A_2] : memref<1x512xf32, #tpu.memory_space<vmem>>, vector<1x512xf32>
    %get3A_4 = arith.constant 0 : index
    %get3A_5 = arith.constant 0 : index
    %get3A_6 = vector.load %arg1[%get3A_4, %get3A_5] : memref<1x2048xf32, #tpu.memory_space<vmem>>, vector<1x2048xf32>
    %get3A_7 = arith.constant 0 : index
    %get3A_8 = arith.constant 0 : index
    %get3A_9 = vector.load %arg2[%get3A_7, %get3A_8] : memref<2048x512xf32, #tpu.memory_space<vmem>>, vector<2048x512xf32>
    %dot_general3A = arith.constant dense<0.000000e+00> : vector<1x512xf32>
    %dot_general3A_10 = tpu.matmul %get3A_6, %get3A_9, %dot_general3A {dimension_numbers = #tpu.dot_dimension_numbers<[1], [0], [0], [1], [0, 0, 1, 1], [], []>, transpose_lhs_hint = false} : vector<1x2048xf32>, vector<2048x512xf32>, vector<1x512xf32> -> vector<1x512xf32>
    %add3A = arith.addf %get3A_3, %dot_general3A_10 : vector<1x512xf32>
    %swap3A = arith.constant 0 : index
    %swap3A_11 = arith.constant 0 : index
    %swap3A_12 = vector.load %arg4[%swap3A, %swap3A_11] : memref<1x512xf32, #tpu.memory_space<vmem>>, vector<1x512xf32>
    tpu.vector_store %arg4[%swap3A, %swap3A_11], %add3A {strides = array<i32>} : memref<1x512xf32, #tpu.memory_space<vmem>>, vector<1x512xf32>,
    return
  }
  func.func @transform_0(%arg0: i32) -> (i32, i32) {
    %c0_i32 = arith.constant 0 : i32
    %c0_i32_0 = arith.constant 0 : i32
    return %c0_i32, %arg0 : i32, i32
  }
  func.func @transform_1(%arg0: i32) -> (i32, i32) {
    %c0_i32 = arith.constant 0 : i32
    %c0_i32_0 = arith.constant 0 : i32
    return %arg0, %c0_i32 : i32, i32
  }
  func.func @transform_2(%arg0: i32) -> (i32, i32) {
    %c0_i32 = arith.constant 0 : i32
    %c0_i32_0 = arith.constant 0 : i32
    %c0_i32_1 = arith.constant 0 : i32
    return %c0_i32, %c0_i32_0 : i32, i32
  }
  func.func @transform_3(%arg0: i32) -> (i32, i32) {
    %c0_i32 = arith.constant 0 : i32
    %c0_i32_0 = arith.constant 0 : i32
    %c0_i32_1 = arith.constant 0 : i32
    return %c0_i32, %c0_i32_0 : i32, i32
  }
}

module attributes {stable_mosaic.version = 14 : i64} {
  func.func @_adec_body(%arg0: i32, %arg1: memref<1x512xf32, #tpu.memory_space<vmem>>, %arg2: memref<512x6912xf32, #tpu.memory_space<vmem>>, %arg3: memref<1x6912xf32, #tpu.memory_space<vmem>>, %arg4: memref<1x6912xf32, #tpu.memory_space<vmem>>, %arg5: memref<1x1xf32, #tpu.memory_space<vmem>>, %arg6: memref<16x16xf32, #tpu.memory_space<vmem>>, %arg7: memref<1x1xf32, #tpu.memory_space<vmem>>, %arg8: memref<1x1xf32, #tpu.memory_space<vmem>>, %arg9: memref<16x16xf32, #tpu.memory_space<vmem>>) attributes {dimension_semantics = [#tpu.dimension_semantics<arbitrary>], iteration_bounds = array<i64: 19>, scalar_prefetch = 0 : i64, scratch_operands = 1 : i64, tpu.core_type = #tpu.core_type<tc>, window_params = [{pipeline_mode = #tpu.pipeline_mode<synchronous>, transform_indices = @transform_0, window_bounds = array<i64: 1, 512>}, {transform_indices = @transform_1, window_bounds = array<i64: 512, 6912>}, {transform_indices = @transform_2, window_bounds = array<i64: 1, 6912>}, {transform_indices = @transform_3, window_bounds = array<i64: 1, 6912>}, {pipeline_mode = #tpu.pipeline_mode<synchronous>, transform_indices = @transform_4, window_bounds = array<i64: 1, 1>}, {pipeline_mode = #tpu.pipeline_mode<synchronous>, transform_indices = @transform_5, window_bounds = array<i64: 16, 16>}, {pipeline_mode = #tpu.pipeline_mode<synchronous>, transform_indices = @transform_6, window_bounds = array<i64: 1, 1>}, {pipeline_mode = #tpu.pipeline_mode<synchronous>, transform_indices = @transform_7, window_bounds = array<i64: 1, 1>}]} {
    %get3A = arith.constant 0 : index
    %get3A_0 = arith.constant 0 : index
    %get3A_1 = vector.load %arg1[%get3A, %get3A_0] : memref<1x512xf32, #tpu.memory_space<vmem>>, vector<1x512xf32>
    %get3A_2 = arith.constant 0 : index
    %get3A_3 = arith.constant 0 : index
    %get3A_4 = vector.load %arg2[%get3A_2, %get3A_3] : memref<512x6912xf32, #tpu.memory_space<vmem>>, vector<512x6912xf32>
    %dot_general3A = arith.constant dense<0.000000e+00> : vector<1x6912xf32>
    %dot_general3A_5 = tpu.matmul %get3A_1, %get3A_4, %dot_general3A {dimension_numbers = #tpu.dot_dimension_numbers<[1], [0], [0], [1], [0, 0, 1, 1], [], []>, transpose_lhs_hint = false} : vector<1x512xf32>, vector<512x6912xf32>, vector<1x6912xf32> -> vector<1x6912xf32>
    %get3A_6 = arith.constant 0 : index
    %get3A_7 = arith.constant 0 : index
    %get3A_8 = vector.load %arg3[%get3A_6, %get3A_7] : memref<1x6912xf32, #tpu.memory_space<vmem>>, vector<1x6912xf32>
    %add3A = arith.addf %dot_general3A_5, %get3A_8 : vector<1x6912xf32>
    %max3A = arith.constant 0.000000e+00 : f32
    %max3A_9 = vector.broadcast %max3A : f32 to vector<1x6912xf32>
    %max3A_10 = arith.maximumf %add3A, %max3A_9 : vector<1x6912xf32>
    %get3A_11 = arith.constant 0 : index
    %get3A_12 = arith.constant 0 : index
    %get3A_13 = vector.load %arg4[%get3A_11, %get3A_12] : memref<1x6912xf32, #tpu.memory_space<vmem>>, vector<1x6912xf32>
    %mul3A = arith.mulf %add3A, %get3A_13 : vector<1x6912xf32>
    %sub3A = arith.subf %max3A_10, %mul3A : vector<1x6912xf32>
    %abs3A = math.absf %add3A : vector<1x6912xf32>
    %neg3A = arith.constant 0.000000e+00 : f32
    %neg3A_14 = vector.broadcast %neg3A : f32 to vector<1x6912xf32>
    %neg3A_15 = arith.subf %neg3A_14, %abs3A : vector<1x6912xf32>
    %exp3A = math.exp %neg3A_15 : vector<1x6912xf32>
    %add3A_16 = arith.constant 1.000000e+00 : f32
    %add3A_17 = vector.broadcast %add3A_16 : f32 to vector<1x6912xf32>
    %add3A_18 = arith.addf %add3A_17, %exp3A : vector<1x6912xf32>
    %log3A = math.log %add3A_18 : vector<1x6912xf32>
    %add3A_19 = arith.addf %sub3A, %log3A : vector<1x6912xf32>
    %reduce_sum3A = vector.shape_cast %add3A_19 : vector<1x6912xf32> to vector<1x1x6912xf32>
    %reduce_sum3A_20 = arith.constant dense<0.000000e+00> : vector<1xf32>
    %reduce_sum3A_21 = vector.multi_reduction <add>, %reduce_sum3A, %reduce_sum3A_20 [1, 2] : vector<1x1x6912xf32> to vector<1xf32>
    %reduce_sum3A_22 = vector.shape_cast %reduce_sum3A_21 : vector<1xf32> to vector<1x1x1xf32>
    %reduce_sum3A_23 = vector.extract %reduce_sum3A_22[0, 0, 0] : f32 from vector<1x1x1xf32>
    %eq3A = arith.constant 0 : i32
    %eq3A_24 = arith.cmpi eq, %arg0, %eq3A : i32
    %convert_element_type3A = arith.extui %eq3A_24 : i1 to i32
    %cond3A = arith.constant 0 : i32
    %cond3A_25 = arith.cmpi ne, %convert_element_type3A, %cond3A : i32
    scf.if %cond3A_25 {
      %broadcast_in_dim3A_1258 = arith.constant 0.000000e+00 : f32
      %broadcast_in_dim3A_1259 = vector.broadcast %broadcast_in_dim3A_1258 : f32 to vector<1x1xf32>
      %swap3A_1260 = arith.constant 0 : index
      %swap3A_1261 = arith.constant 0 : index
      %swap3A_1262 = vector.load %arg8[%swap3A_1260, %swap3A_1261] : memref<1x1xf32, #tpu.memory_space<vmem>>, vector<1x1xf32>
      tpu.vector_store %arg8[%swap3A_1260, %swap3A_1261], %broadcast_in_dim3A_1259 {strides = array<i32>} : memref<1x1xf32, #tpu.memory_space<vmem>>, vector<1x1xf32>,
      %get3A_1263 = arith.constant 0 : index
      %get3A_1264 = arith.constant 0 : index
      %get3A_1265 = vector.load %arg6[%get3A_1263, %get3A_1264] : memref<16x16xf32, #tpu.memory_space<vmem>>, vector<16x16xf32>
      %swap3A_1266 = arith.constant 0 : index
      %swap3A_1267 = arith.constant 0 : index
      %swap3A_1268 = vector.load %arg9[%swap3A_1266, %swap3A_1267] : memref<16x16xf32, #tpu.memory_space<vmem>>, vector<16x16xf32>
      tpu.vector_store %arg9[%swap3A_1266, %swap3A_1267], %get3A_1265 {strides = array<i32>} : memref<16x16xf32, #tpu.memory_space<vmem>>, vector<16x16xf32>,
    } else {
    }
    %get3A_26 = arith.constant 0 : index
    %get3A_27 = arith.constant 0 : index
    %get3A_28 = vector.load %arg8[%get3A_26, %get3A_27] : memref<1x1xf32, #tpu.memory_space<vmem>>, vector<1x1xf32>
    %reshape3A = vector.broadcast %reduce_sum3A_23 : f32 to vector<1x1xf32>
    %add3A_29 = arith.addf %get3A_28, %reshape3A : vector<1x1xf32>
    %swap3A = arith.constant 0 : index
    %swap3A_30 = arith.constant 0 : index
    %swap3A_31 = vector.load %arg8[%swap3A, %swap3A_30] : memref<1x1xf32, #tpu.memory_space<vmem>>, vector<1x1xf32>
    tpu.vector_store %arg8[%swap3A, %swap3A_30], %add3A_29 {strides = array<i32>} : memref<1x1xf32, #tpu.memory_space<vmem>>, vector<1x1xf32>,
    %iota3A = tpu.iota {dimensions = array<i32: 0>} : vector<16x16xi32>
    %iota3A_32 = tpu.iota {dimensions = array<i32: 1>} : vector<16x16xi32>
    %eq3A_33 = arith.cmpi eq, %iota3A, %iota3A_32 : vector<16x16xi32>
    %jit3A = arith.constant 1.000000e+00 : f32
    %jit3A_34 = arith.constant 0.000000e+00 : f32
    %broadcast_in_dim3A = vector.broadcast %jit3A : f32 to vector<16x16xf32>
    %broadcast_in_dim3A_35 = vector.broadcast %jit3A_34 : f32 to vector<16x16xf32>
    %select_n3A = arith.select %eq3A_33, %broadcast_in_dim3A, %broadcast_in_dim3A_35 : vector<16x16xi1>, vector<16x16xf32>
    %xor3A = arith.xori %iota3A, %iota3A_32 : vector<16x16xi32>
    %get3A_36 = arith.constant 0 : index
    %get3A_37 = arith.constant 0 : index
    %get3A_38 = vector.load %arg9[%get3A_36, %get3A_37] : memref<16x16xf32, #tpu.memory_space<vmem>>, vector<16x16xf32>
    %mul3A_39 = arith.constant 4 : i32
    %mul3A_40 = arith.muli %arg0, %mul3A_39 : i32
    %add3A_41 = arith.constant 0 : i32
    %add3A_42 = arith.addi %mul3A_40, %add3A_41 : i32
    %rem3A = arith.constant 15 : i32
    %rem3A_43 = arith.remsi %add3A_42, %rem3A : i32
    %add3A_44 = arith.constant 1 : i32
    %add3A_45 = arith.addi %rem3A_43, %add3A_44 : i32
    %eq3A_46 = vector.broadcast %add3A_45 : i32 to vector<16x16xi32>
    %eq3A_47 = arith.cmpi eq, %xor3A, %eq3A_46 : vector<16x16xi32>
    %jit3A_48 = arith.constant 1.000000e+00 : f32
    %jit3A_49 = arith.constant 0.000000e+00 : f32
    %broadcast_in_dim3A_50 = vector.broadcast %jit3A_48 : f32 to vector<16x16xf32>
    %broadcast_in_dim3A_51 = vector.broadcast %jit3A_49 : f32 to vector<16x16xf32>
    %select_n3A_52 = arith.select %eq3A_47, %broadcast_in_dim3A_50, %broadcast_in_dim3A_51 : vector<16x16xi1>, vector<16x16xf32>
    %mul3A_53 = arith.mulf %get3A_38, %select_n3A : vector<16x16xf32>
    %reduce_sum3A_54 = arith.constant dense<0.000000e+00> : vector<16xf32>
    %reduce_sum3A_55 = vector.multi_reduction <add>, %mul3A_53, %reduce_sum3A_54 [1] : vector<16x16xf32> to vector<16xf32>
    %broadcast_in_dim3A_56 = vector.shape_cast %reduce_sum3A_55 : vector<16xf32> to vector<16x1xf32>
    %reduce_sum3A_57 = arith.constant dense<0.000000e+00> : vector<16xf32>
    %reduce_sum3A_58 = vector.multi_reduction <add>, %mul3A_53, %reduce_sum3A_57 [0] : vector<16x16xf32> to vector<16xf32>
    %broadcast_in_dim3A_59 = vector.shape_cast %reduce_sum3A_58 : vector<16xf32> to vector<1x16xf32>
    %mul3A_60 = arith.mulf %get3A_38, %select_n3A_52 : vector<16x16xf32>
    %reduce_sum3A_61 = arith.constant dense<0.000000e+00> : vector<16xf32>
    %reduce_sum3A_62 = vector.multi_reduction <add>, %mul3A_60, %reduce_sum3A_61 [1] : vector<16x16xf32> to vector<16xf32>
    %broadcast_in_dim3A_63 = vector.shape_cast %reduce_sum3A_62 : vector<16xf32> to vector<16x1xf32>
    %mul3A_64 = vector.broadcast %broadcast_in_dim3A_59 : vector<1x16xf32> to vector<16x16xf32>
    %mul3A_65 = arith.mulf %select_n3A_52, %mul3A_64 : vector<16x16xf32>
    %reduce_sum3A_66 = arith.constant dense<0.000000e+00> : vector<16xf32>
    %reduce_sum3A_67 = vector.multi_reduction <add>, %mul3A_65, %reduce_sum3A_66 [1] : vector<16x16xf32> to vector<16xf32>
    %broadcast_in_dim3A_68 = vector.shape_cast %reduce_sum3A_67 : vector<16xf32> to vector<16x1xf32>
    %abs3A_69 = math.absf %broadcast_in_dim3A_63 : vector<16x1xf32>
    %gt3A = arith.constant 9.99999996E-13 : f32
    %gt3A_70 = vector.broadcast %gt3A : f32 to vector<16x1xf32>
    %gt3A_71 = arith.cmpf ogt, %abs3A_69, %gt3A_70 : vector<16x1xf32>
    %jit3A_72 = arith.constant 1.000000e+00 : f32
    %broadcast_in_dim3A_73 = vector.broadcast %jit3A_72 : f32 to vector<16x1xf32>
    %select_n3A_74 = arith.select %gt3A_71, %broadcast_in_dim3A_63, %broadcast_in_dim3A_73 : vector<16x1xi1>, vector<16x1xf32>
    %sub3A_75 = arith.subf %broadcast_in_dim3A_68, %broadcast_in_dim3A_56 : vector<16x1xf32>
    %mul3A_76 = arith.constant 2.000000e+00 : f32
    %mul3A_77 = vector.broadcast %mul3A_76 : f32 to vector<16x1xf32>
    %mul3A_78 = arith.mulf %mul3A_77, %select_n3A_74 : vector<16x1xf32>
    %div3A = arith.divf %sub3A_75, %mul3A_78 : vector<16x1xf32>
    %ge3A = arith.constant 0.000000e+00 : f32
    %ge3A_79 = vector.broadcast %ge3A : f32 to vector<16x1xf32>
    %ge3A_80 = arith.cmpf oge, %div3A, %ge3A_79 : vector<16x1xf32>
    %jit3A_81 = arith.constant 1.000000e+00 : f32
    %jit3A_82 = arith.constant -1.000000e+00 : f32
    %broadcast_in_dim3A_83 = vector.broadcast %jit3A_81 : f32 to vector<16x1xf32>
    %broadcast_in_dim3A_84 = vector.broadcast %jit3A_82 : f32 to vector<16x1xf32>
    %select_n3A_85 = arith.select %ge3A_80, %broadcast_in_dim3A_83, %broadcast_in_dim3A_84 : vector<16x1xi1>, vector<16x1xf32>
    %abs3A_86 = math.absf %div3A : vector<16x1xf32>
    %mul3A_87 = arith.mulf %div3A, %div3A : vector<16x1xf32>
    %add3A_88 = arith.constant 1.000000e+00 : f32
    %add3A_89 = vector.broadcast %add3A_88 : f32 to vector<16x1xf32>
    %add3A_90 = arith.addf %add3A_89, %mul3A_87 : vector<16x1xf32>
    %sqrt3A = math.sqrt %add3A_90 : vector<16x1xf32>
    %add3A_91 = arith.addf %abs3A_86, %sqrt3A : vector<16x1xf32>
    %div3A_92 = arith.divf %select_n3A_85, %add3A_91 : vector<16x1xf32>
    %mul3A_93 = arith.mulf %div3A_92, %div3A_92 : vector<16x1xf32>
    %add3A_94 = arith.constant 1.000000e+00 : f32
    %add3A_95 = vector.broadcast %add3A_94 : f32 to vector<16x1xf32>
    %add3A_96 = arith.addf %add3A_95, %mul3A_93 : vector<16x1xf32>
    %rsqrt3A = math.rsqrt %add3A_96 : vector<16x1xf32>
    %mul3A_97 = arith.mulf %div3A_92, %rsqrt3A : vector<16x1xf32>
    %jit3A_98 = arith.constant 1.000000e+00 : f32
    %broadcast_in_dim3A_99 = vector.broadcast %jit3A_98 : f32 to vector<16x1xf32>
    %select_n3A_100 = arith.select %gt3A_71, %rsqrt3A, %broadcast_in_dim3A_99 : vector<16x1xi1>, vector<16x1xf32>
    %jit3A_101 = arith.constant 0.000000e+00 : f32
    %broadcast_in_dim3A_102 = vector.broadcast %jit3A_101 : f32 to vector<16x1xf32>
    %select_n3A_103 = arith.select %gt3A_71, %mul3A_97, %broadcast_in_dim3A_102 : vector<16x1xi1>, vector<16x1xf32>
    %mul3A_104 = vector.broadcast %select_n3A_100 : vector<16x1xf32> to vector<16x16xf32>
    %mul3A_105 = arith.mulf %select_n3A, %mul3A_104 : vector<16x16xf32>
    %reduce_sum3A_106 = arith.constant dense<0.000000e+00> : vector<16xf32>
    %reduce_sum3A_107 = vector.multi_reduction <add>, %mul3A_105, %reduce_sum3A_106 [0] : vector<16x16xf32> to vector<16xf32>
    %broadcast_in_dim3A_108 = vector.shape_cast %reduce_sum3A_107 : vector<16xf32> to vector<1x16xf32>
    %mul3A_109 = vector.broadcast %select_n3A_103 : vector<16x1xf32> to vector<16x16xf32>
    %mul3A_110 = arith.mulf %select_n3A, %mul3A_109 : vector<16x16xf32>
    %reduce_sum3A_111 = arith.constant dense<0.000000e+00> : vector<16xf32>
    %reduce_sum3A_112 = vector.multi_reduction <add>, %mul3A_110, %reduce_sum3A_111 [0] : vector<16x16xf32> to vector<16xf32>
    %broadcast_in_dim3A_113 = vector.shape_cast %reduce_sum3A_112 : vector<16xf32> to vector<1x16xf32>
    %mul3A_114 = vector.broadcast %broadcast_in_dim3A_113 : vector<1x16xf32> to vector<16x16xf32>
    %mul3A_115 = arith.mulf %select_n3A_52, %mul3A_114 : vector<16x16xf32>
    %reduce_sum3A_116 = arith.constant dense<0.000000e+00> : vector<16xf32>
    %reduce_sum3A_117 = vector.multi_reduction <add>, %mul3A_115, %reduce_sum3A_116 [1] : vector<16x16xf32> to vector<16xf32>
    %broadcast_in_dim3A_118 = vector.shape_cast %reduce_sum3A_117 : vector<16xf32> to vector<16x1xf32>
    %mul3A_119 = vector.broadcast %select_n3A_103 : vector<16x1xf32> to vector<16x16xf32>
    %mul3A_120 = arith.mulf %select_n3A_52, %mul3A_119 : vector<16x16xf32>
    %reduce_sum3A_121 = arith.constant dense<0.000000e+00> : vector<16xf32>
    %reduce_sum3A_122 = vector.multi_reduction <add>, %mul3A_120, %reduce_sum3A_121 [0] : vector<16x16xf32> to vector<16xf32>
    %broadcast_in_dim3A_123 = vector.shape_cast %reduce_sum3A_122 : vector<16xf32> to vector<1x16xf32>
    %iota3A_124 = tpu.iota {dimensions = array<i32: 1>} : vector<16x16xi32>
    %and3A = arith.constant 1 : i32
    %and3A_125 = vector.broadcast %and3A : i32 to vector<16x16xi32>
    %and3A_126 = arith.andi %iota3A_124, %and3A_125 : vector<16x16xi32>
    %eq3A_127 = arith.constant 0 : i32
    %eq3A_128 = vector.broadcast %eq3A_127 : i32 to vector<16x16xi32>
    %eq3A_129 = arith.cmpi eq, %and3A_126, %eq3A_128 : vector<16x16xi32>
    %roll3A = arith.constant 15 : i32
    %roll3A_130 = tpu.dynamic_rotate %get3A_38 by %roll3A dim 1 : vector<16x16xf32>, i32 -> vector<16x16xf32>
    %roll3A_131 = arith.constant 1 : i32
    %roll3A_132 = tpu.dynamic_rotate %get3A_38 by %roll3A_131 dim 1 : vector<16x16xf32>, i32 -> vector<16x16xf32>
    %select_n3A_133 = arith.select %eq3A_129, %roll3A_130, %roll3A_132 : vector<16x16xi1>, vector<16x16xf32>
    %and3A_134 = arith.constant 1 : i32
    %and3A_135 = arith.andi %add3A_45, %and3A_134 : i32
    %ne3A = arith.constant 0 : i32
    %ne3A_136 = arith.cmpi ne, %and3A_135, %ne3A : i32
    %select_n3A_137 = arith.select %ne3A_136, %select_n3A_133, %get3A_38 : vector<16x16xf32>
    %and3A_138 = arith.constant 2 : i32
    %and3A_139 = vector.broadcast %and3A_138 : i32 to vector<16x16xi32>
    %and3A_140 = arith.andi %iota3A_124, %and3A_139 : vector<16x16xi32>
    %eq3A_141 = arith.constant 0 : i32
    %eq3A_142 = vector.broadcast %eq3A_141 : i32 to vector<16x16xi32>
    %eq3A_143 = arith.cmpi eq, %and3A_140, %eq3A_142 : vector<16x16xi32>
    %roll3A_144 = arith.constant 14 : i32
    %roll3A_145 = tpu.dynamic_rotate %select_n3A_137 by %roll3A_144 dim 1 : vector<16x16xf32>, i32 -> vector<16x16xf32>
    %roll3A_146 = arith.constant 2 : i32
    %roll3A_147 = tpu.dynamic_rotate %select_n3A_137 by %roll3A_146 dim 1 : vector<16x16xf32>, i32 -> vector<16x16xf32>
    %select_n3A_148 = arith.select %eq3A_143, %roll3A_145, %roll3A_147 : vector<16x16xi1>, vector<16x16xf32>
    %and3A_149 = arith.constant 2 : i32
    %and3A_150 = arith.andi %add3A_45, %and3A_149 : i32
    %ne3A_151 = arith.constant 0 : i32
    %ne3A_152 = arith.cmpi ne, %and3A_150, %ne3A_151 : i32
    %select_n3A_153 = arith.select %ne3A_152, %select_n3A_148, %select_n3A_137 : vector<16x16xf32>
    %and3A_154 = arith.constant 4 : i32
    %and3A_155 = vector.broadcast %and3A_154 : i32 to vector<16x16xi32>
    %and3A_156 = arith.andi %iota3A_124, %and3A_155 : vector<16x16xi32>
    %eq3A_157 = arith.constant 0 : i32
    %eq3A_158 = vector.broadcast %eq3A_157 : i32 to vector<16x16xi32>
    %eq3A_159 = arith.cmpi eq, %and3A_156, %eq3A_158 : vector<16x16xi32>
    %roll3A_160 = arith.constant 12 : i32
    %roll3A_161 = tpu.dynamic_rotate %select_n3A_153 by %roll3A_160 dim 1 : vector<16x16xf32>, i32 -> vector<16x16xf32>
    %roll3A_162 = arith.constant 4 : i32
    %roll3A_163 = tpu.dynamic_rotate %select_n3A_153 by %roll3A_162 dim 1 : vector<16x16xf32>, i32 -> vector<16x16xf32>
    %select_n3A_164 = arith.select %eq3A_159, %roll3A_161, %roll3A_163 : vector<16x16xi1>, vector<16x16xf32>
    %and3A_165 = arith.constant 4 : i32
    %and3A_166 = arith.andi %add3A_45, %and3A_165 : i32
    %ne3A_167 = arith.constant 0 : i32
    %ne3A_168 = arith.cmpi ne, %and3A_166, %ne3A_167 : i32
    %select_n3A_169 = arith.select %ne3A_168, %select_n3A_164, %select_n3A_153 : vector<16x16xf32>
    %and3A_170 = arith.constant 8 : i32
    %and3A_171 = vector.broadcast %and3A_170 : i32 to vector<16x16xi32>
    %and3A_172 = arith.andi %iota3A_124, %and3A_171 : vector<16x16xi32>
    %eq3A_173 = arith.constant 0 : i32
    %eq3A_174 = vector.broadcast %eq3A_173 : i32 to vector<16x16xi32>
    %eq3A_175 = arith.cmpi eq, %and3A_172, %eq3A_174 : vector<16x16xi32>
    %roll3A_176 = arith.constant 8 : i32
    %roll3A_177 = tpu.dynamic_rotate %select_n3A_169 by %roll3A_176 dim 1 : vector<16x16xf32>, i32 -> vector<16x16xf32>
    %roll3A_178 = arith.constant 8 : i32
    %roll3A_179 = tpu.dynamic_rotate %select_n3A_169 by %roll3A_178 dim 1 : vector<16x16xf32>, i32 -> vector<16x16xf32>
    %select_n3A_180 = arith.select %eq3A_175, %roll3A_177, %roll3A_179 : vector<16x16xi1>, vector<16x16xf32>
    %and3A_181 = arith.constant 8 : i32
    %and3A_182 = arith.andi %add3A_45, %and3A_181 : i32
    %ne3A_183 = arith.constant 0 : i32
    %ne3A_184 = arith.cmpi ne, %and3A_182, %ne3A_183 : i32
    %select_n3A_185 = arith.select %ne3A_184, %select_n3A_180, %select_n3A_169 : vector<16x16xf32>
    %iota3A_186 = tpu.iota {dimensions = array<i32: 0>} : vector<16x16xi32>
    %and3A_187 = arith.constant 1 : i32
    %and3A_188 = vector.broadcast %and3A_187 : i32 to vector<16x16xi32>
    %and3A_189 = arith.andi %iota3A_186, %and3A_188 : vector<16x16xi32>
    %eq3A_190 = arith.constant 0 : i32
    %eq3A_191 = vector.broadcast %eq3A_190 : i32 to vector<16x16xi32>
    %eq3A_192 = arith.cmpi eq, %and3A_189, %eq3A_191 : vector<16x16xi32>
    %roll3A_193 = arith.constant 15 : i32
    %roll3A_194 = tpu.dynamic_rotate %get3A_38 by %roll3A_193 dim 0 : vector<16x16xf32>, i32 -> vector<16x16xf32>
    %roll3A_195 = arith.constant 1 : i32
    %roll3A_196 = tpu.dynamic_rotate %get3A_38 by %roll3A_195 dim 0 : vector<16x16xf32>, i32 -> vector<16x16xf32>
    %select_n3A_197 = arith.select %eq3A_192, %roll3A_194, %roll3A_196 : vector<16x16xi1>, vector<16x16xf32>
    %and3A_198 = arith.constant 1 : i32
    %and3A_199 = arith.andi %add3A_45, %and3A_198 : i32
    %ne3A_200 = arith.constant 0 : i32
    %ne3A_201 = arith.cmpi ne, %and3A_199, %ne3A_200 : i32
    %select_n3A_202 = arith.select %ne3A_201, %select_n3A_197, %get3A_38 : vector<16x16xf32>
    %and3A_203 = arith.constant 2 : i32
    %and3A_204 = vector.broadcast %and3A_203 : i32 to vector<16x16xi32>
    %and3A_205 = arith.andi %iota3A_186, %and3A_204 : vector<16x16xi32>
    %eq3A_206 = arith.constant 0 : i32
    %eq3A_207 = vector.broadcast %eq3A_206 : i32 to vector<16x16xi32>
    %eq3A_208 = arith.cmpi eq, %and3A_205, %eq3A_207 : vector<16x16xi32>
    %roll3A_209 = arith.constant 14 : i32
    %roll3A_210 = tpu.dynamic_rotate %select_n3A_202 by %roll3A_209 dim 0 : vector<16x16xf32>, i32 -> vector<16x16xf32>
    %roll3A_211 = arith.constant 2 : i32
    %roll3A_212 = tpu.dynamic_rotate %select_n3A_202 by %roll3A_211 dim 0 : vector<16x16xf32>, i32 -> vector<16x16xf32>
    %select_n3A_213 = arith.select %eq3A_208, %roll3A_210, %roll3A_212 : vector<16x16xi1>, vector<16x16xf32>
    %and3A_214 = arith.constant 2 : i32
    %and3A_215 = arith.andi %add3A_45, %and3A_214 : i32
    %ne3A_216 = arith.constant 0 : i32
    %ne3A_217 = arith.cmpi ne, %and3A_215, %ne3A_216 : i32
    %select_n3A_218 = arith.select %ne3A_217, %select_n3A_213, %select_n3A_202 : vector<16x16xf32>
    %and3A_219 = arith.constant 4 : i32
    %and3A_220 = vector.broadcast %and3A_219 : i32 to vector<16x16xi32>
    %and3A_221 = arith.andi %iota3A_186, %and3A_220 : vector<16x16xi32>
    %eq3A_222 = arith.constant 0 : i32
    %eq3A_223 = vector.broadcast %eq3A_222 : i32 to vector<16x16xi32>
    %eq3A_224 = arith.cmpi eq, %and3A_221, %eq3A_223 : vector<16x16xi32>
    %roll3A_225 = arith.constant 12 : i32
    %roll3A_226 = tpu.dynamic_rotate %select_n3A_218 by %roll3A_225 dim 0 : vector<16x16xf32>, i32 -> vector<16x16xf32>
    %roll3A_227 = arith.constant 4 : i32
    %roll3A_228 = tpu.dynamic_rotate %select_n3A_218 by %roll3A_227 dim 0 : vector<16x16xf32>, i32 -> vector<16x16xf32>
    %select_n3A_229 = arith.select %eq3A_224, %roll3A_226, %roll3A_228 : vector<16x16xi1>, vector<16x16xf32>
    %and3A_230 = arith.constant 4 : i32
    %and3A_231 = arith.andi %add3A_45, %and3A_230 : i32
    %ne3A_232 = arith.constant 0 : i32
    %ne3A_233 = arith.cmpi ne, %and3A_231, %ne3A_232 : i32
    %select_n3A_234 = arith.select %ne3A_233, %select_n3A_229, %select_n3A_218 : vector<16x16xf32>
    %and3A_235 = arith.constant 8 : i32
    %and3A_236 = vector.broadcast %and3A_235 : i32 to vector<16x16xi32>
    %and3A_237 = arith.andi %iota3A_186, %and3A_236 : vector<16x16xi32>
    %eq3A_238 = arith.constant 0 : i32
    %eq3A_239 = vector.broadcast %eq3A_238 : i32 to vector<16x16xi32>
    %eq3A_240 = arith.cmpi eq, %and3A_237, %eq3A_239 : vector<16x16xi32>
    %roll3A_241 = arith.constant 8 : i32
    %roll3A_242 = tpu.dynamic_rotate %select_n3A_234 by %roll3A_241 dim 0 : vector<16x16xf32>, i32 -> vector<16x16xf32>
    %roll3A_243 = arith.constant 8 : i32
    %roll3A_244 = tpu.dynamic_rotate %select_n3A_234 by %roll3A_243 dim 0 : vector<16x16xf32>, i32 -> vector<16x16xf32>
    %select_n3A_245 = arith.select %eq3A_240, %roll3A_242, %roll3A_244 : vector<16x16xi1>, vector<16x16xf32>
    %and3A_246 = arith.constant 8 : i32
    %and3A_247 = arith.andi %add3A_45, %and3A_246 : i32
    %ne3A_248 = arith.constant 0 : i32
    %ne3A_249 = arith.cmpi ne, %and3A_247, %ne3A_248 : i32
    %select_n3A_250 = arith.select %ne3A_249, %select_n3A_245, %select_n3A_234 : vector<16x16xf32>
    %iota3A_251 = tpu.iota {dimensions = array<i32: 0>} : vector<16x16xi32>
    %and3A_252 = arith.constant 1 : i32
    %and3A_253 = vector.broadcast %and3A_252 : i32 to vector<16x16xi32>
    %and3A_254 = arith.andi %iota3A_251, %and3A_253 : vector<16x16xi32>
    %eq3A_255 = arith.constant 0 : i32
    %eq3A_256 = vector.broadcast %eq3A_255 : i32 to vector<16x16xi32>
    %eq3A_257 = arith.cmpi eq, %and3A_254, %eq3A_256 : vector<16x16xi32>
    %roll3A_258 = arith.constant 15 : i32
    %roll3A_259 = tpu.dynamic_rotate %select_n3A_185 by %roll3A_258 dim 0 : vector<16x16xf32>, i32 -> vector<16x16xf32>
    %roll3A_260 = arith.constant 1 : i32
    %roll3A_261 = tpu.dynamic_rotate %select_n3A_185 by %roll3A_260 dim 0 : vector<16x16xf32>, i32 -> vector<16x16xf32>
    %select_n3A_262 = arith.select %eq3A_257, %roll3A_259, %roll3A_261 : vector<16x16xi1>, vector<16x16xf32>
    %and3A_263 = arith.constant 1 : i32
    %and3A_264 = arith.andi %add3A_45, %and3A_263 : i32
    %ne3A_265 = arith.constant 0 : i32
    %ne3A_266 = arith.cmpi ne, %and3A_264, %ne3A_265 : i32
    %select_n3A_267 = arith.select %ne3A_266, %select_n3A_262, %select_n3A_185 : vector<16x16xf32>
    %and3A_268 = arith.constant 2 : i32
    %and3A_269 = vector.broadcast %and3A_268 : i32 to vector<16x16xi32>
    %and3A_270 = arith.andi %iota3A_251, %and3A_269 : vector<16x16xi32>
    %eq3A_271 = arith.constant 0 : i32
    %eq3A_272 = vector.broadcast %eq3A_271 : i32 to vector<16x16xi32>
    %eq3A_273 = arith.cmpi eq, %and3A_270, %eq3A_272 : vector<16x16xi32>
    %roll3A_274 = arith.constant 14 : i32
    %roll3A_275 = tpu.dynamic_rotate %select_n3A_267 by %roll3A_274 dim 0 : vector<16x16xf32>, i32 -> vector<16x16xf32>
    %roll3A_276 = arith.constant 2 : i32
    %roll3A_277 = tpu.dynamic_rotate %select_n3A_267 by %roll3A_276 dim 0 : vector<16x16xf32>, i32 -> vector<16x16xf32>
    %select_n3A_278 = arith.select %eq3A_273, %roll3A_275, %roll3A_277 : vector<16x16xi1>, vector<16x16xf32>
    %and3A_279 = arith.constant 2 : i32
    %and3A_280 = arith.andi %add3A_45, %and3A_279 : i32
    %ne3A_281 = arith.constant 0 : i32
    %ne3A_282 = arith.cmpi ne, %and3A_280, %ne3A_281 : i32
    %select_n3A_283 = arith.select %ne3A_282, %select_n3A_278, %select_n3A_267 : vector<16x16xf32>
    %and3A_284 = arith.constant 4 : i32
    %and3A_285 = vector.broadcast %and3A_284 : i32 to vector<16x16xi32>
    %and3A_286 = arith.andi %iota3A_251, %and3A_285 : vector<16x16xi32>
    %eq3A_287 = arith.constant 0 : i32
    %eq3A_288 = vector.broadcast %eq3A_287 : i32 to vector<16x16xi32>
    %eq3A_289 = arith.cmpi eq, %and3A_286, %eq3A_288 : vector<16x16xi32>
    %roll3A_290 = arith.constant 12 : i32
    %roll3A_291 = tpu.dynamic_rotate %select_n3A_283 by %roll3A_290 dim 0 : vector<16x16xf32>, i32 -> vector<16x16xf32>
    %roll3A_292 = arith.constant 4 : i32
    %roll3A_293 = tpu.dynamic_rotate %select_n3A_283 by %roll3A_292 dim 0 : vector<16x16xf32>, i32 -> vector<16x16xf32>
    %select_n3A_294 = arith.select %eq3A_289, %roll3A_291, %roll3A_293 : vector<16x16xi1>, vector<16x16xf32>
    %and3A_295 = arith.constant 4 : i32
    %and3A_296 = arith.andi %add3A_45, %and3A_295 : i32
    %ne3A_297 = arith.constant 0 : i32
    %ne3A_298 = arith.cmpi ne, %and3A_296, %ne3A_297 : i32
    %select_n3A_299 = arith.select %ne3A_298, %select_n3A_294, %select_n3A_283 : vector<16x16xf32>
    %and3A_300 = arith.constant 8 : i32
    %and3A_301 = vector.broadcast %and3A_300 : i32 to vector<16x16xi32>
    %and3A_302 = arith.andi %iota3A_251, %and3A_301 : vector<16x16xi32>
    %eq3A_303 = arith.constant 0 : i32
    %eq3A_304 = vector.broadcast %eq3A_303 : i32 to vector<16x16xi32>
    %eq3A_305 = arith.cmpi eq, %and3A_302, %eq3A_304 : vector<16x16xi32>
    %roll3A_306 = arith.constant 8 : i32
    %roll3A_307 = tpu.dynamic_rotate %select_n3A_299 by %roll3A_306 dim 0 : vector<16x16xf32>, i32 -> vector<16x16xf32>
    %roll3A_308 = arith.constant 8 : i32
    %roll3A_309 = tpu.dynamic_rotate %select_n3A_299 by %roll3A_308 dim 0 : vector<16x16xf32>, i32 -> vector<16x16xf32>
    %select_n3A_310 = arith.select %eq3A_305, %roll3A_307, %roll3A_309 : vector<16x16xi1>, vector<16x16xf32>
    %and3A_311 = arith.constant 8 : i32
    %and3A_312 = arith.andi %add3A_45, %and3A_311 : i32
    %ne3A_313 = arith.constant 0 : i32
    %ne3A_314 = arith.cmpi ne, %and3A_312, %ne3A_313 : i32
    %select_n3A_315 = arith.select %ne3A_314, %select_n3A_310, %select_n3A_299 : vector<16x16xf32>
    %mul3A_316 = vector.broadcast %select_n3A_100 : vector<16x1xf32> to vector<16x16xf32>
    %mul3A_317 = arith.mulf %mul3A_316, %get3A_38 : vector<16x16xf32>
    %mul3A_318 = vector.broadcast %broadcast_in_dim3A_108 : vector<1x16xf32> to vector<16x16xf32>
    %mul3A_319 = arith.mulf %mul3A_317, %mul3A_318 : vector<16x16xf32>
    %mul3A_320 = vector.broadcast %select_n3A_100 : vector<16x1xf32> to vector<16x16xf32>
    %mul3A_321 = arith.mulf %mul3A_320, %select_n3A_185 : vector<16x16xf32>
    %mul3A_322 = vector.broadcast %broadcast_in_dim3A_123 : vector<1x16xf32> to vector<16x16xf32>
    %mul3A_323 = arith.mulf %mul3A_321, %mul3A_322 : vector<16x16xf32>
    %add3A_324 = arith.addf %mul3A_319, %mul3A_323 : vector<16x16xf32>
    %mul3A_325 = vector.broadcast %broadcast_in_dim3A_118 : vector<16x1xf32> to vector<16x16xf32>
    %mul3A_326 = arith.mulf %mul3A_325, %select_n3A_250 : vector<16x16xf32>
    %mul3A_327 = vector.broadcast %broadcast_in_dim3A_108 : vector<1x16xf32> to vector<16x16xf32>
    %mul3A_328 = arith.mulf %mul3A_326, %mul3A_327 : vector<16x16xf32>
    %add3A_329 = arith.addf %add3A_324, %mul3A_328 : vector<16x16xf32>
    %mul3A_330 = vector.broadcast %broadcast_in_dim3A_118 : vector<16x1xf32> to vector<16x16xf32>
    %mul3A_331 = arith.mulf %mul3A_330, %select_n3A_315 : vector<16x16xf32>
    %mul3A_332 = vector.broadcast %broadcast_in_dim3A_123 : vector<1x16xf32> to vector<16x16xf32>
    %mul3A_333 = arith.mulf %mul3A_331, %mul3A_332 : vector<16x16xf32>
    %add3A_334 = arith.addf %add3A_329, %mul3A_333 : vector<16x16xf32>
    %mul3A_335 = arith.constant 4 : i32
    %mul3A_336 = arith.muli %arg0, %mul3A_335 : i32
    %add3A_337 = arith.constant 1 : i32
    %add3A_338 = arith.addi %mul3A_336, %add3A_337 : i32
    %rem3A_339 = arith.constant 15 : i32
    %rem3A_340 = arith.remsi %add3A_338, %rem3A_339 : i32
    %add3A_341 = arith.constant 1 : i32
    %add3A_342 = arith.addi %rem3A_340, %add3A_341 : i32
    %eq3A_343 = vector.broadcast %add3A_342 : i32 to vector<16x16xi32>
    %eq3A_344 = arith.cmpi eq, %xor3A, %eq3A_343 : vector<16x16xi32>
    %jit3A_345 = arith.constant 1.000000e+00 : f32
    %jit3A_346 = arith.constant 0.000000e+00 : f32
    %broadcast_in_dim3A_347 = vector.broadcast %jit3A_345 : f32 to vector<16x16xf32>
    %broadcast_in_dim3A_348 = vector.broadcast %jit3A_346 : f32 to vector<16x16xf32>
    %select_n3A_349 = arith.select %eq3A_344, %broadcast_in_dim3A_347, %broadcast_in_dim3A_348 : vector<16x16xi1>, vector<16x16xf32>
    %mul3A_350 = arith.mulf %add3A_334, %select_n3A : vector<16x16xf32>
    %reduce_sum3A_351 = arith.constant dense<0.000000e+00> : vector<16xf32>
    %reduce_sum3A_352 = vector.multi_reduction <add>, %mul3A_350, %reduce_sum3A_351 [1] : vector<16x16xf32> to vector<16xf32>
    %broadcast_in_dim3A_353 = vector.shape_cast %reduce_sum3A_352 : vector<16xf32> to vector<16x1xf32>
    %reduce_sum3A_354 = arith.constant dense<0.000000e+00> : vector<16xf32>
    %reduce_sum3A_355 = vector.multi_reduction <add>, %mul3A_350, %reduce_sum3A_354 [0] : vector<16x16xf32> to vector<16xf32>
    %broadcast_in_dim3A_356 = vector.shape_cast %reduce_sum3A_355 : vector<16xf32> to vector<1x16xf32>
    %mul3A_357 = arith.mulf %add3A_334, %select_n3A_349 : vector<16x16xf32>
    %reduce_sum3A_358 = arith.constant dense<0.000000e+00> : vector<16xf32>
    %reduce_sum3A_359 = vector.multi_reduction <add>, %mul3A_357, %reduce_sum3A_358 [1] : vector<16x16xf32> to vector<16xf32>
    %broadcast_in_dim3A_360 = vector.shape_cast %reduce_sum3A_359 : vector<16xf32> to vector<16x1xf32>
    %mul3A_361 = vector.broadcast %broadcast_in_dim3A_356 : vector<1x16xf32> to vector<16x16xf32>
    %mul3A_362 = arith.mulf %select_n3A_349, %mul3A_361 : vector<16x16xf32>
    %reduce_sum3A_363 = arith.constant dense<0.000000e+00> : vector<16xf32>
    %reduce_sum3A_364 = vector.multi_reduction <add>, %mul3A_362, %reduce_sum3A_363 [1] : vector<16x16xf32> to vector<16xf32>
    %broadcast_in_dim3A_365 = vector.shape_cast %reduce_sum3A_364 : vector<16xf32> to vector<16x1xf32>
    %abs3A_366 = math.absf %broadcast_in_dim3A_360 : vector<16x1xf32>
    %gt3A_367 = arith.constant 9.99999996E-13 : f32
    %gt3A_368 = vector.broadcast %gt3A_367 : f32 to vector<16x1xf32>
    %gt3A_369 = arith.cmpf ogt, %abs3A_366, %gt3A_368 : vector<16x1xf32>
    %jit3A_370 = arith.constant 1.000000e+00 : f32
    %broadcast_in_dim3A_371 = vector.broadcast %jit3A_370 : f32 to vector<16x1xf32>
    %select_n3A_372 = arith.select %gt3A_369, %broadcast_in_dim3A_360, %broadcast_in_dim3A_371 : vector<16x1xi1>, vector<16x1xf32>
    %sub3A_373 = arith.subf %broadcast_in_dim3A_365, %broadcast_in_dim3A_353 : vector<16x1xf32>
    %mul3A_374 = arith.constant 2.000000e+00 : f32
    %mul3A_375 = vector.broadcast %mul3A_374 : f32 to vector<16x1xf32>
    %mul3A_376 = arith.mulf %mul3A_375, %select_n3A_372 : vector<16x1xf32>
    %div3A_377 = arith.divf %sub3A_373, %mul3A_376 : vector<16x1xf32>
    %ge3A_378 = arith.constant 0.000000e+00 : f32
    %ge3A_379 = vector.broadcast %ge3A_378 : f32 to vector<16x1xf32>
    %ge3A_380 = arith.cmpf oge, %div3A_377, %ge3A_379 : vector<16x1xf32>
    %jit3A_381 = arith.constant 1.000000e+00 : f32
    %jit3A_382 = arith.constant -1.000000e+00 : f32
    %broadcast_in_dim3A_383 = vector.broadcast %jit3A_381 : f32 to vector<16x1xf32>
    %broadcast_in_dim3A_384 = vector.broadcast %jit3A_382 : f32 to vector<16x1xf32>
    %select_n3A_385 = arith.select %ge3A_380, %broadcast_in_dim3A_383, %broadcast_in_dim3A_384 : vector<16x1xi1>, vector<16x1xf32>
    %abs3A_386 = math.absf %div3A_377 : vector<16x1xf32>
    %mul3A_387 = arith.mulf %div3A_377, %div3A_377 : vector<16x1xf32>
    %add3A_388 = arith.constant 1.000000e+00 : f32
    %add3A_389 = vector.broadcast %add3A_388 : f32 to vector<16x1xf32>
    %add3A_390 = arith.addf %add3A_389, %mul3A_387 : vector<16x1xf32>
    %sqrt3A_391 = math.sqrt %add3A_390 : vector<16x1xf32>
    %add3A_392 = arith.addf %abs3A_386, %sqrt3A_391 : vector<16x1xf32>
    %div3A_393 = arith.divf %select_n3A_385, %add3A_392 : vector<16x1xf32>
    %mul3A_394 = arith.mulf %div3A_393, %div3A_393 : vector<16x1xf32>
    %add3A_395 = arith.constant 1.000000e+00 : f32
    %add3A_396 = vector.broadcast %add3A_395 : f32 to vector<16x1xf32>
    %add3A_397 = arith.addf %add3A_396, %mul3A_394 : vector<16x1xf32>
    %rsqrt3A_398 = math.rsqrt %add3A_397 : vector<16x1xf32>
    %mul3A_399 = arith.mulf %div3A_393, %rsqrt3A_398 : vector<16x1xf32>
    %jit3A_400 = arith.constant 1.000000e+00 : f32
    %broadcast_in_dim3A_401 = vector.broadcast %jit3A_400 : f32 to vector<16x1xf32>
    %select_n3A_402 = arith.select %gt3A_369, %rsqrt3A_398, %broadcast_in_dim3A_401 : vector<16x1xi1>, vector<16x1xf32>
    %jit3A_403 = arith.constant 0.000000e+00 : f32
    %broadcast_in_dim3A_404 = vector.broadcast %jit3A_403 : f32 to vector<16x1xf32>
    %select_n3A_405 = arith.select %gt3A_369, %mul3A_399, %broadcast_in_dim3A_404 : vector<16x1xi1>, vector<16x1xf32>
    %mul3A_406 = vector.broadcast %select_n3A_402 : vector<16x1xf32> to vector<16x16xf32>
    %mul3A_407 = arith.mulf %select_n3A, %mul3A_406 : vector<16x16xf32>
    %reduce_sum3A_408 = arith.constant dense<0.000000e+00> : vector<16xf32>
    %reduce_sum3A_409 = vector.multi_reduction <add>, %mul3A_407, %reduce_sum3A_408 [0] : vector<16x16xf32> to vector<16xf32>
    %broadcast_in_dim3A_410 = vector.shape_cast %reduce_sum3A_409 : vector<16xf32> to vector<1x16xf32>
    %mul3A_411 = vector.broadcast %select_n3A_405 : vector<16x1xf32> to vector<16x16xf32>
    %mul3A_412 = arith.mulf %select_n3A, %mul3A_411 : vector<16x16xf32>
    %reduce_sum3A_413 = arith.constant dense<0.000000e+00> : vector<16xf32>
    %reduce_sum3A_414 = vector.multi_reduction <add>, %mul3A_412, %reduce_sum3A_413 [0] : vector<16x16xf32> to vector<16xf32>
    %broadcast_in_dim3A_415 = vector.shape_cast %reduce_sum3A_414 : vector<16xf32> to vector<1x16xf32>
    %mul3A_416 = vector.broadcast %broadcast_in_dim3A_415 : vector<1x16xf32> to vector<16x16xf32>
    %mul3A_417 = arith.mulf %select_n3A_349, %mul3A_416 : vector<16x16xf32>
    %reduce_sum3A_418 = arith.constant dense<0.000000e+00> : vector<16xf32>
    %reduce_sum3A_419 = vector.multi_reduction <add>, %mul3A_417, %reduce_sum3A_418 [1] : vector<16x16xf32> to vector<16xf32>
    %broadcast_in_dim3A_420 = vector.shape_cast %reduce_sum3A_419 : vector<16xf32> to vector<16x1xf32>
    %mul3A_421 = vector.broadcast %select_n3A_405 : vector<16x1xf32> to vector<16x16xf32>
    %mul3A_422 = arith.mulf %select_n3A_349, %mul3A_421 : vector<16x16xf32>
    %reduce_sum3A_423 = arith.constant dense<0.000000e+00> : vector<16xf32>
    %reduce_sum3A_424 = vector.multi_reduction <add>, %mul3A_422, %reduce_sum3A_423 [0] : vector<16x16xf32> to vector<16xf32>
    %broadcast_in_dim3A_425 = vector.shape_cast %reduce_sum3A_424 : vector<16xf32> to vector<1x16xf32>
    %iota3A_426 = tpu.iota {dimensions = array<i32: 1>} : vector<16x16xi32>
    %and3A_427 = arith.constant 1 : i32
    %and3A_428 = vector.broadcast %and3A_427 : i32 to vector<16x16xi32>
    %and3A_429 = arith.andi %iota3A_426, %and3A_428 : vector<16x16xi32>
    %eq3A_430 = arith.constant 0 : i32
    %eq3A_431 = vector.broadcast %eq3A_430 : i32 to vector<16x16xi32>
    %eq3A_432 = arith.cmpi eq, %and3A_429, %eq3A_431 : vector<16x16xi32>
    %roll3A_433 = arith.constant 15 : i32
    %roll3A_434 = tpu.dynamic_rotate %add3A_334 by %roll3A_433 dim 1 : vector<16x16xf32>, i32 -> vector<16x16xf32>
    %roll3A_435 = arith.constant 1 : i32
    %roll3A_436 = tpu.dynamic_rotate %add3A_334 by %roll3A_435 dim 1 : vector<16x16xf32>, i32 -> vector<16x16xf32>
    %select_n3A_437 = arith.select %eq3A_432, %roll3A_434, %roll3A_436 : vector<16x16xi1>, vector<16x16xf32>
    %and3A_438 = arith.constant 1 : i32
    %and3A_439 = arith.andi %add3A_342, %and3A_438 : i32
    %ne3A_440 = arith.constant 0 : i32
    %ne3A_441 = arith.cmpi ne, %and3A_439, %ne3A_440 : i32
    %select_n3A_442 = arith.select %ne3A_441, %select_n3A_437, %add3A_334 : vector<16x16xf32>
    %and3A_443 = arith.constant 2 : i32
    %and3A_444 = vector.broadcast %and3A_443 : i32 to vector<16x16xi32>
    %and3A_445 = arith.andi %iota3A_426, %and3A_444 : vector<16x16xi32>
    %eq3A_446 = arith.constant 0 : i32
    %eq3A_447 = vector.broadcast %eq3A_446 : i32 to vector<16x16xi32>
    %eq3A_448 = arith.cmpi eq, %and3A_445, %eq3A_447 : vector<16x16xi32>
    %roll3A_449 = arith.constant 14 : i32
    %roll3A_450 = tpu.dynamic_rotate %select_n3A_442 by %roll3A_449 dim 1 : vector<16x16xf32>, i32 -> vector<16x16xf32>
    %roll3A_451 = arith.constant 2 : i32
    %roll3A_452 = tpu.dynamic_rotate %select_n3A_442 by %roll3A_451 dim 1 : vector<16x16xf32>, i32 -> vector<16x16xf32>
    %select_n3A_453 = arith.select %eq3A_448, %roll3A_450, %roll3A_452 : vector<16x16xi1>, vector<16x16xf32>
    %and3A_454 = arith.constant 2 : i32
    %and3A_455 = arith.andi %add3A_342, %and3A_454 : i32
    %ne3A_456 = arith.constant 0 : i32
    %ne3A_457 = arith.cmpi ne, %and3A_455, %ne3A_456 : i32
    %select_n3A_458 = arith.select %ne3A_457, %select_n3A_453, %select_n3A_442 : vector<16x16xf32>
    %and3A_459 = arith.constant 4 : i32
    %and3A_460 = vector.broadcast %and3A_459 : i32 to vector<16x16xi32>
    %and3A_461 = arith.andi %iota3A_426, %and3A_460 : vector<16x16xi32>
    %eq3A_462 = arith.constant 0 : i32
    %eq3A_463 = vector.broadcast %eq3A_462 : i32 to vector<16x16xi32>
    %eq3A_464 = arith.cmpi eq, %and3A_461, %eq3A_463 : vector<16x16xi32>
    %roll3A_465 = arith.constant 12 : i32
    %roll3A_466 = tpu.dynamic_rotate %select_n3A_458 by %roll3A_465 dim 1 : vector<16x16xf32>, i32 -> vector<16x16xf32>
    %roll3A_467 = arith.constant 4 : i32
    %roll3A_468 = tpu.dynamic_rotate %select_n3A_458 by %roll3A_467 dim 1 : vector<16x16xf32>, i32 -> vector<16x16xf32>
    %select_n3A_469 = arith.select %eq3A_464, %roll3A_466, %roll3A_468 : vector<16x16xi1>, vector<16x16xf32>
    %and3A_470 = arith.constant 4 : i32
    %and3A_471 = arith.andi %add3A_342, %and3A_470 : i32
    %ne3A_472 = arith.constant 0 : i32
    %ne3A_473 = arith.cmpi ne, %and3A_471, %ne3A_472 : i32
    %select_n3A_474 = arith.select %ne3A_473, %select_n3A_469, %select_n3A_458 : vector<16x16xf32>
    %and3A_475 = arith.constant 8 : i32
    %and3A_476 = vector.broadcast %and3A_475 : i32 to vector<16x16xi32>
    %and3A_477 = arith.andi %iota3A_426, %and3A_476 : vector<16x16xi32>
    %eq3A_478 = arith.constant 0 : i32
    %eq3A_479 = vector.broadcast %eq3A_478 : i32 to vector<16x16xi32>
    %eq3A_480 = arith.cmpi eq, %and3A_477, %eq3A_479 : vector<16x16xi32>
    %roll3A_481 = arith.constant 8 : i32
    %roll3A_482 = tpu.dynamic_rotate %select_n3A_474 by %roll3A_481 dim 1 : vector<16x16xf32>, i32 -> vector<16x16xf32>
    %roll3A_483 = arith.constant 8 : i32
    %roll3A_484 = tpu.dynamic_rotate %select_n3A_474 by %roll3A_483 dim 1 : vector<16x16xf32>, i32 -> vector<16x16xf32>
    %select_n3A_485 = arith.select %eq3A_480, %roll3A_482, %roll3A_484 : vector<16x16xi1>, vector<16x16xf32>
    %and3A_486 = arith.constant 8 : i32
    %and3A_487 = arith.andi %add3A_342, %and3A_486 : i32
    %ne3A_488 = arith.constant 0 : i32
    %ne3A_489 = arith.cmpi ne, %and3A_487, %ne3A_488 : i32
    %select_n3A_490 = arith.select %ne3A_489, %select_n3A_485, %select_n3A_474 : vector<16x16xf32>
    %iota3A_491 = tpu.iota {dimensions = array<i32: 0>} : vector<16x16xi32>
    %and3A_492 = arith.constant 1 : i32
    %and3A_493 = vector.broadcast %and3A_492 : i32 to vector<16x16xi32>
    %and3A_494 = arith.andi %iota3A_491, %and3A_493 : vector<16x16xi32>
    %eq3A_495 = arith.constant 0 : i32
    %eq3A_496 = vector.broadcast %eq3A_495 : i32 to vector<16x16xi32>
    %eq3A_497 = arith.cmpi eq, %and3A_494, %eq3A_496 : vector<16x16xi32>
    %roll3A_498 = arith.constant 15 : i32
    %roll3A_499 = tpu.dynamic_rotate %add3A_334 by %roll3A_498 dim 0 : vector<16x16xf32>, i32 -> vector<16x16xf32>
    %roll3A_500 = arith.constant 1 : i32
    %roll3A_501 = tpu.dynamic_rotate %add3A_334 by %roll3A_500 dim 0 : vector<16x16xf32>, i32 -> vector<16x16xf32>
    %select_n3A_502 = arith.select %eq3A_497, %roll3A_499, %roll3A_501 : vector<16x16xi1>, vector<16x16xf32>
    %and3A_503 = arith.constant 1 : i32
    %and3A_504 = arith.andi %add3A_342, %and3A_503 : i32
    %ne3A_505 = arith.constant 0 : i32
    %ne3A_506 = arith.cmpi ne, %and3A_504, %ne3A_505 : i32
    %select_n3A_507 = arith.select %ne3A_506, %select_n3A_502, %add3A_334 : vector<16x16xf32>
    %and3A_508 = arith.constant 2 : i32
    %and3A_509 = vector.broadcast %and3A_508 : i32 to vector<16x16xi32>
    %and3A_510 = arith.andi %iota3A_491, %and3A_509 : vector<16x16xi32>
    %eq3A_511 = arith.constant 0 : i32
    %eq3A_512 = vector.broadcast %eq3A_511 : i32 to vector<16x16xi32>
    %eq3A_513 = arith.cmpi eq, %and3A_510, %eq3A_512 : vector<16x16xi32>
    %roll3A_514 = arith.constant 14 : i32
    %roll3A_515 = tpu.dynamic_rotate %select_n3A_507 by %roll3A_514 dim 0 : vector<16x16xf32>, i32 -> vector<16x16xf32>
    %roll3A_516 = arith.constant 2 : i32
    %roll3A_517 = tpu.dynamic_rotate %select_n3A_507 by %roll3A_516 dim 0 : vector<16x16xf32>, i32 -> vector<16x16xf32>
    %select_n3A_518 = arith.select %eq3A_513, %roll3A_515, %roll3A_517 : vector<16x16xi1>, vector<16x16xf32>
    %and3A_519 = arith.constant 2 : i32
    %and3A_520 = arith.andi %add3A_342, %and3A_519 : i32
    %ne3A_521 = arith.constant 0 : i32
    %ne3A_522 = arith.cmpi ne, %and3A_520, %ne3A_521 : i32
    %select_n3A_523 = arith.select %ne3A_522, %select_n3A_518, %select_n3A_507 : vector<16x16xf32>
    %and3A_524 = arith.constant 4 : i32
    %and3A_525 = vector.broadcast %and3A_524 : i32 to vector<16x16xi32>
    %and3A_526 = arith.andi %iota3A_491, %and3A_525 : vector<16x16xi32>
    %eq3A_527 = arith.constant 0 : i32
    %eq3A_528 = vector.broadcast %eq3A_527 : i32 to vector<16x16xi32>
    %eq3A_529 = arith.cmpi eq, %and3A_526, %eq3A_528 : vector<16x16xi32>
    %roll3A_530 = arith.constant 12 : i32
    %roll3A_531 = tpu.dynamic_rotate %select_n3A_523 by %roll3A_530 dim 0 : vector<16x16xf32>, i32 -> vector<16x16xf32>
    %roll3A_532 = arith.constant 4 : i32
    %roll3A_533 = tpu.dynamic_rotate %select_n3A_523 by %roll3A_532 dim 0 : vector<16x16xf32>, i32 -> vector<16x16xf32>
    %select_n3A_534 = arith.select %eq3A_529, %roll3A_531, %roll3A_533 : vector<16x16xi1>, vector<16x16xf32>
    %and3A_535 = arith.constant 4 : i32
    %and3A_536 = arith.andi %add3A_342, %and3A_535 : i32
    %ne3A_537 = arith.constant 0 : i32
    %ne3A_538 = arith.cmpi ne, %and3A_536, %ne3A_537 : i32
    %select_n3A_539 = arith.select %ne3A_538, %select_n3A_534, %select_n3A_523 : vector<16x16xf32>
    %and3A_540 = arith.constant 8 : i32
    %and3A_541 = vector.broadcast %and3A_540 : i32 to vector<16x16xi32>
    %and3A_542 = arith.andi %iota3A_491, %and3A_541 : vector<16x16xi32>
    %eq3A_543 = arith.constant 0 : i32
    %eq3A_544 = vector.broadcast %eq3A_543 : i32 to vector<16x16xi32>
    %eq3A_545 = arith.cmpi eq, %and3A_542, %eq3A_544 : vector<16x16xi32>
    %roll3A_546 = arith.constant 8 : i32
    %roll3A_547 = tpu.dynamic_rotate %select_n3A_539 by %roll3A_546 dim 0 : vector<16x16xf32>, i32 -> vector<16x16xf32>
    %roll3A_548 = arith.constant 8 : i32
    %roll3A_549 = tpu.dynamic_rotate %select_n3A_539 by %roll3A_548 dim 0 : vector<16x16xf32>, i32 -> vector<16x16xf32>
    %select_n3A_550 = arith.select %eq3A_545, %roll3A_547, %roll3A_549 : vector<16x16xi1>, vector<16x16xf32>
    %and3A_551 = arith.constant 8 : i32
    %and3A_552 = arith.andi %add3A_342, %and3A_551 : i32
    %ne3A_553 = arith.constant 0 : i32
    %ne3A_554 = arith.cmpi ne, %and3A_552, %ne3A_553 : i32
    %select_n3A_555 = arith.select %ne3A_554, %select_n3A_550, %select_n3A_539 : vector<16x16xf32>
    %iota3A_556 = tpu.iota {dimensions = array<i32: 0>} : vector<16x16xi32>
    %and3A_557 = arith.constant 1 : i32
    %and3A_558 = vector.broadcast %and3A_557 : i32 to vector<16x16xi32>
    %and3A_559 = arith.andi %iota3A_556, %and3A_558 : vector<16x16xi32>
    %eq3A_560 = arith.constant 0 : i32
    %eq3A_561 = vector.broadcast %eq3A_560 : i32 to vector<16x16xi32>
    %eq3A_562 = arith.cmpi eq, %and3A_559, %eq3A_561 : vector<16x16xi32>
    %roll3A_563 = arith.constant 15 : i32
    %roll3A_564 = tpu.dynamic_rotate %select_n3A_490 by %roll3A_563 dim 0 : vector<16x16xf32>, i32 -> vector<16x16xf32>
    %roll3A_565 = arith.constant 1 : i32
    %roll3A_566 = tpu.dynamic_rotate %select_n3A_490 by %roll3A_565 dim 0 : vector<16x16xf32>, i32 -> vector<16x16xf32>
    %select_n3A_567 = arith.select %eq3A_562, %roll3A_564, %roll3A_566 : vector<16x16xi1>, vector<16x16xf32>
    %and3A_568 = arith.constant 1 : i32
    %and3A_569 = arith.andi %add3A_342, %and3A_568 : i32
    %ne3A_570 = arith.constant 0 : i32
    %ne3A_571 = arith.cmpi ne, %and3A_569, %ne3A_570 : i32
    %select_n3A_572 = arith.select %ne3A_571, %select_n3A_567, %select_n3A_490 : vector<16x16xf32>
    %and3A_573 = arith.constant 2 : i32
    %and3A_574 = vector.broadcast %and3A_573 : i32 to vector<16x16xi32>
    %and3A_575 = arith.andi %iota3A_556, %and3A_574 : vector<16x16xi32>
    %eq3A_576 = arith.constant 0 : i32
    %eq3A_577 = vector.broadcast %eq3A_576 : i32 to vector<16x16xi32>
    %eq3A_578 = arith.cmpi eq, %and3A_575, %eq3A_577 : vector<16x16xi32>
    %roll3A_579 = arith.constant 14 : i32
    %roll3A_580 = tpu.dynamic_rotate %select_n3A_572 by %roll3A_579 dim 0 : vector<16x16xf32>, i32 -> vector<16x16xf32>
    %roll3A_581 = arith.constant 2 : i32
    %roll3A_582 = tpu.dynamic_rotate %select_n3A_572 by %roll3A_581 dim 0 : vector<16x16xf32>, i32 -> vector<16x16xf32>
    %select_n3A_583 = arith.select %eq3A_578, %roll3A_580, %roll3A_582 : vector<16x16xi1>, vector<16x16xf32>
    %and3A_584 = arith.constant 2 : i32
    %and3A_585 = arith.andi %add3A_342, %and3A_584 : i32
    %ne3A_586 = arith.constant 0 : i32
    %ne3A_587 = arith.cmpi ne, %and3A_585, %ne3A_586 : i32
    %select_n3A_588 = arith.select %ne3A_587, %select_n3A_583, %select_n3A_572 : vector<16x16xf32>
    %and3A_589 = arith.constant 4 : i32
    %and3A_590 = vector.broadcast %and3A_589 : i32 to vector<16x16xi32>
    %and3A_591 = arith.andi %iota3A_556, %and3A_590 : vector<16x16xi32>
    %eq3A_592 = arith.constant 0 : i32
    %eq3A_593 = vector.broadcast %eq3A_592 : i32 to vector<16x16xi32>
    %eq3A_594 = arith.cmpi eq, %and3A_591, %eq3A_593 : vector<16x16xi32>
    %roll3A_595 = arith.constant 12 : i32
    %roll3A_596 = tpu.dynamic_rotate %select_n3A_588 by %roll3A_595 dim 0 : vector<16x16xf32>, i32 -> vector<16x16xf32>
    %roll3A_597 = arith.constant 4 : i32
    %roll3A_598 = tpu.dynamic_rotate %select_n3A_588 by %roll3A_597 dim 0 : vector<16x16xf32>, i32 -> vector<16x16xf32>
    %select_n3A_599 = arith.select %eq3A_594, %roll3A_596, %roll3A_598 : vector<16x16xi1>, vector<16x16xf32>
    %and3A_600 = arith.constant 4 : i32
    %and3A_601 = arith.andi %add3A_342, %and3A_600 : i32
    %ne3A_602 = arith.constant 0 : i32
    %ne3A_603 = arith.cmpi ne, %and3A_601, %ne3A_602 : i32
    %select_n3A_604 = arith.select %ne3A_603, %select_n3A_599, %select_n3A_588 : vector<16x16xf32>
    %and3A_605 = arith.constant 8 : i32
    %and3A_606 = vector.broadcast %and3A_605 : i32 to vector<16x16xi32>
    %and3A_607 = arith.andi %iota3A_556, %and3A_606 : vector<16x16xi32>
    %eq3A_608 = arith.constant 0 : i32
    %eq3A_609 = vector.broadcast %eq3A_608 : i32 to vector<16x16xi32>
    %eq3A_610 = arith.cmpi eq, %and3A_607, %eq3A_609 : vector<16x16xi32>
    %roll3A_611 = arith.constant 8 : i32
    %roll3A_612 = tpu.dynamic_rotate %select_n3A_604 by %roll3A_611 dim 0 : vector<16x16xf32>, i32 -> vector<16x16xf32>
    %roll3A_613 = arith.constant 8 : i32
    %roll3A_614 = tpu.dynamic_rotate %select_n3A_604 by %roll3A_613 dim 0 : vector<16x16xf32>, i32 -> vector<16x16xf32>
    %select_n3A_615 = arith.select %eq3A_610, %roll3A_612, %roll3A_614 : vector<16x16xi1>, vector<16x16xf32>
    %and3A_616 = arith.constant 8 : i32
    %and3A_617 = arith.andi %add3A_342, %and3A_616 : i32
    %ne3A_618 = arith.constant 0 : i32
    %ne3A_619 = arith.cmpi ne, %and3A_617, %ne3A_618 : i32
    %select_n3A_620 = arith.select %ne3A_619, %select_n3A_615, %select_n3A_604 : vector<16x16xf32>
    %mul3A_621 = vector.broadcast %select_n3A_402 : vector<16x1xf32> to vector<16x16xf32>
    %mul3A_622 = arith.mulf %mul3A_621, %add3A_334 : vector<16x16xf32>
    %mul3A_623 = vector.broadcast %broadcast_in_dim3A_410 : vector<1x16xf32> to vector<16x16xf32>
    %mul3A_624 = arith.mulf %mul3A_622, %mul3A_623 : vector<16x16xf32>
    %mul3A_625 = vector.broadcast %select_n3A_402 : vector<16x1xf32> to vector<16x16xf32>
    %mul3A_626 = arith.mulf %mul3A_625, %select_n3A_490 : vector<16x16xf32>
    %mul3A_627 = vector.broadcast %broadcast_in_dim3A_425 : vector<1x16xf32> to vector<16x16xf32>
    %mul3A_628 = arith.mulf %mul3A_626, %mul3A_627 : vector<16x16xf32>
    %add3A_629 = arith.addf %mul3A_624, %mul3A_628 : vector<16x16xf32>
    %mul3A_630 = vector.broadcast %broadcast_in_dim3A_420 : vector<16x1xf32> to vector<16x16xf32>
    %mul3A_631 = arith.mulf %mul3A_630, %select_n3A_555 : vector<16x16xf32>
    %mul3A_632 = vector.broadcast %broadcast_in_dim3A_410 : vector<1x16xf32> to vector<16x16xf32>
    %mul3A_633 = arith.mulf %mul3A_631, %mul3A_632 : vector<16x16xf32>
    %add3A_634 = arith.addf %add3A_629, %mul3A_633 : vector<16x16xf32>
    %mul3A_635 = vector.broadcast %broadcast_in_dim3A_420 : vector<16x1xf32> to vector<16x16xf32>
    %mul3A_636 = arith.mulf %mul3A_635, %select_n3A_620 : vector<16x16xf32>
    %mul3A_637 = vector.broadcast %broadcast_in_dim3A_425 : vector<1x16xf32> to vector<16x16xf32>
    %mul3A_638 = arith.mulf %mul3A_636, %mul3A_637 : vector<16x16xf32>
    %add3A_639 = arith.addf %add3A_634, %mul3A_638 : vector<16x16xf32>
    %mul3A_640 = arith.constant 4 : i32
    %mul3A_641 = arith.muli %arg0, %mul3A_640 : i32
    %add3A_642 = arith.constant 2 : i32
    %add3A_643 = arith.addi %mul3A_641, %add3A_642 : i32
    %rem3A_644 = arith.constant 15 : i32
    %rem3A_645 = arith.remsi %add3A_643, %rem3A_644 : i32
    %add3A_646 = arith.constant 1 : i32
    %add3A_647 = arith.addi %rem3A_645, %add3A_646 : i32
    %eq3A_648 = vector.broadcast %add3A_647 : i32 to vector<16x16xi32>
    %eq3A_649 = arith.cmpi eq, %xor3A, %eq3A_648 : vector<16x16xi32>
    %jit3A_650 = arith.constant 1.000000e+00 : f32
    %jit3A_651 = arith.constant 0.000000e+00 : f32
    %broadcast_in_dim3A_652 = vector.broadcast %jit3A_650 : f32 to vector<16x16xf32>
    %broadcast_in_dim3A_653 = vector.broadcast %jit3A_651 : f32 to vector<16x16xf32>
    %select_n3A_654 = arith.select %eq3A_649, %broadcast_in_dim3A_652, %broadcast_in_dim3A_653 : vector<16x16xi1>, vector<16x16xf32>
    %mul3A_655 = arith.mulf %add3A_639, %select_n3A : vector<16x16xf32>
    %reduce_sum3A_656 = arith.constant dense<0.000000e+00> : vector<16xf32>
    %reduce_sum3A_657 = vector.multi_reduction <add>, %mul3A_655, %reduce_sum3A_656 [1] : vector<16x16xf32> to vector<16xf32>
    %broadcast_in_dim3A_658 = vector.shape_cast %reduce_sum3A_657 : vector<16xf32> to vector<16x1xf32>
    %reduce_sum3A_659 = arith.constant dense<0.000000e+00> : vector<16xf32>
    %reduce_sum3A_660 = vector.multi_reduction <add>, %mul3A_655, %reduce_sum3A_659 [0] : vector<16x16xf32> to vector<16xf32>
    %broadcast_in_dim3A_661 = vector.shape_cast %reduce_sum3A_660 : vector<16xf32> to vector<1x16xf32>
    %mul3A_662 = arith.mulf %add3A_639, %select_n3A_654 : vector<16x16xf32>
    %reduce_sum3A_663 = arith.constant dense<0.000000e+00> : vector<16xf32>
    %reduce_sum3A_664 = vector.multi_reduction <add>, %mul3A_662, %reduce_sum3A_663 [1] : vector<16x16xf32> to vector<16xf32>
    %broadcast_in_dim3A_665 = vector.shape_cast %reduce_sum3A_664 : vector<16xf32> to vector<16x1xf32>
    %mul3A_666 = vector.broadcast %broadcast_in_dim3A_661 : vector<1x16xf32> to vector<16x16xf32>
    %mul3A_667 = arith.mulf %select_n3A_654, %mul3A_666 : vector<16x16xf32>
    %reduce_sum3A_668 = arith.constant dense<0.000000e+00> : vector<16xf32>
    %reduce_sum3A_669 = vector.multi_reduction <add>, %mul3A_667, %reduce_sum3A_668 [1] : vector<16x16xf32> to vector<16xf32>
    %broadcast_in_dim3A_670 = vector.shape_cast %reduce_sum3A_669 : vector<16xf32> to vector<16x1xf32>
    %abs3A_671 = math.absf %broadcast_in_dim3A_665 : vector<16x1xf32>
    %gt3A_672 = arith.constant 9.99999996E-13 : f32
    %gt3A_673 = vector.broadcast %gt3A_672 : f32 to vector<16x1xf32>
    %gt3A_674 = arith.cmpf ogt, %abs3A_671, %gt3A_673 : vector<16x1xf32>
    %jit3A_675 = arith.constant 1.000000e+00 : f32
    %broadcast_in_dim3A_676 = vector.broadcast %jit3A_675 : f32 to vector<16x1xf32>
    %select_n3A_677 = arith.select %gt3A_674, %broadcast_in_dim3A_665, %broadcast_in_dim3A_676 : vector<16x1xi1>, vector<16x1xf32>
    %sub3A_678 = arith.subf %broadcast_in_dim3A_670, %broadcast_in_dim3A_658 : vector<16x1xf32>
    %mul3A_679 = arith.constant 2.000000e+00 : f32
    %mul3A_680 = vector.broadcast %mul3A_679 : f32 to vector<16x1xf32>
    %mul3A_681 = arith.mulf %mul3A_680, %select_n3A_677 : vector<16x1xf32>
    %div3A_682 = arith.divf %sub3A_678, %mul3A_681 : vector<16x1xf32>
    %ge3A_683 = arith.constant 0.000000e+00 : f32
    %ge3A_684 = vector.broadcast %ge3A_683 : f32 to vector<16x1xf32>
    %ge3A_685 = arith.cmpf oge, %div3A_682, %ge3A_684 : vector<16x1xf32>
    %jit3A_686 = arith.constant 1.000000e+00 : f32
    %jit3A_687 = arith.constant -1.000000e+00 : f32
    %broadcast_in_dim3A_688 = vector.broadcast %jit3A_686 : f32 to vector<16x1xf32>
    %broadcast_in_dim3A_689 = vector.broadcast %jit3A_687 : f32 to vector<16x1xf32>
    %select_n3A_690 = arith.select %ge3A_685, %broadcast_in_dim3A_688, %broadcast_in_dim3A_689 : vector<16x1xi1>, vector<16x1xf32>
    %abs3A_691 = math.absf %div3A_682 : vector<16x1xf32>
    %mul3A_692 = arith.mulf %div3A_682, %div3A_682 : vector<16x1xf32>
    %add3A_693 = arith.constant 1.000000e+00 : f32
    %add3A_694 = vector.broadcast %add3A_693 : f32 to vector<16x1xf32>
    %add3A_695 = arith.addf %add3A_694, %mul3A_692 : vector<16x1xf32>
    %sqrt3A_696 = math.sqrt %add3A_695 : vector<16x1xf32>
    %add3A_697 = arith.addf %abs3A_691, %sqrt3A_696 : vector<16x1xf32>
    %div3A_698 = arith.divf %select_n3A_690, %add3A_697 : vector<16x1xf32>
    %mul3A_699 = arith.mulf %div3A_698, %div3A_698 : vector<16x1xf32>
    %add3A_700 = arith.constant 1.000000e+00 : f32
    %add3A_701 = vector.broadcast %add3A_700 : f32 to vector<16x1xf32>
    %add3A_702 = arith.addf %add3A_701, %mul3A_699 : vector<16x1xf32>
    %rsqrt3A_703 = math.rsqrt %add3A_702 : vector<16x1xf32>
    %mul3A_704 = arith.mulf %div3A_698, %rsqrt3A_703 : vector<16x1xf32>
    %jit3A_705 = arith.constant 1.000000e+00 : f32
    %broadcast_in_dim3A_706 = vector.broadcast %jit3A_705 : f32 to vector<16x1xf32>
    %select_n3A_707 = arith.select %gt3A_674, %rsqrt3A_703, %broadcast_in_dim3A_706 : vector<16x1xi1>, vector<16x1xf32>
    %jit3A_708 = arith.constant 0.000000e+00 : f32
    %broadcast_in_dim3A_709 = vector.broadcast %jit3A_708 : f32 to vector<16x1xf32>
    %select_n3A_710 = arith.select %gt3A_674, %mul3A_704, %broadcast_in_dim3A_709 : vector<16x1xi1>, vector<16x1xf32>
    %mul3A_711 = vector.broadcast %select_n3A_707 : vector<16x1xf32> to vector<16x16xf32>
    %mul3A_712 = arith.mulf %select_n3A, %mul3A_711 : vector<16x16xf32>
    %reduce_sum3A_713 = arith.constant dense<0.000000e+00> : vector<16xf32>
    %reduce_sum3A_714 = vector.multi_reduction <add>, %mul3A_712, %reduce_sum3A_713 [0] : vector<16x16xf32> to vector<16xf32>
    %broadcast_in_dim3A_715 = vector.shape_cast %reduce_sum3A_714 : vector<16xf32> to vector<1x16xf32>
    %mul3A_716 = vector.broadcast %select_n3A_710 : vector<16x1xf32> to vector<16x16xf32>
    %mul3A_717 = arith.mulf %select_n3A, %mul3A_716 : vector<16x16xf32>
    %reduce_sum3A_718 = arith.constant dense<0.000000e+00> : vector<16xf32>
    %reduce_sum3A_719 = vector.multi_reduction <add>, %mul3A_717, %reduce_sum3A_718 [0] : vector<16x16xf32> to vector<16xf32>
    %broadcast_in_dim3A_720 = vector.shape_cast %reduce_sum3A_719 : vector<16xf32> to vector<1x16xf32>
    %mul3A_721 = vector.broadcast %broadcast_in_dim3A_720 : vector<1x16xf32> to vector<16x16xf32>
    %mul3A_722 = arith.mulf %select_n3A_654, %mul3A_721 : vector<16x16xf32>
    %reduce_sum3A_723 = arith.constant dense<0.000000e+00> : vector<16xf32>
    %reduce_sum3A_724 = vector.multi_reduction <add>, %mul3A_722, %reduce_sum3A_723 [1] : vector<16x16xf32> to vector<16xf32>
    %broadcast_in_dim3A_725 = vector.shape_cast %reduce_sum3A_724 : vector<16xf32> to vector<16x1xf32>
    %mul3A_726 = vector.broadcast %select_n3A_710 : vector<16x1xf32> to vector<16x16xf32>
    %mul3A_727 = arith.mulf %select_n3A_654, %mul3A_726 : vector<16x16xf32>
    %reduce_sum3A_728 = arith.constant dense<0.000000e+00> : vector<16xf32>
    %reduce_sum3A_729 = vector.multi_reduction <add>, %mul3A_727, %reduce_sum3A_728 [0] : vector<16x16xf32> to vector<16xf32>
    %broadcast_in_dim3A_730 = vector.shape_cast %reduce_sum3A_729 : vector<16xf32> to vector<1x16xf32>
    %iota3A_731 = tpu.iota {dimensions = array<i32: 1>} : vector<16x16xi32>
    %and3A_732 = arith.constant 1 : i32
    %and3A_733 = vector.broadcast %and3A_732 : i32 to vector<16x16xi32>
    %and3A_734 = arith.andi %iota3A_731, %and3A_733 : vector<16x16xi32>
    %eq3A_735 = arith.constant 0 : i32
    %eq3A_736 = vector.broadcast %eq3A_735 : i32 to vector<16x16xi32>
    %eq3A_737 = arith.cmpi eq, %and3A_734, %eq3A_736 : vector<16x16xi32>
    %roll3A_738 = arith.constant 15 : i32
    %roll3A_739 = tpu.dynamic_rotate %add3A_639 by %roll3A_738 dim 1 : vector<16x16xf32>, i32 -> vector<16x16xf32>
    %roll3A_740 = arith.constant 1 : i32
    %roll3A_741 = tpu.dynamic_rotate %add3A_639 by %roll3A_740 dim 1 : vector<16x16xf32>, i32 -> vector<16x16xf32>
    %select_n3A_742 = arith.select %eq3A_737, %roll3A_739, %roll3A_741 : vector<16x16xi1>, vector<16x16xf32>
    %and3A_743 = arith.constant 1 : i32
    %and3A_744 = arith.andi %add3A_647, %and3A_743 : i32
    %ne3A_745 = arith.constant 0 : i32
    %ne3A_746 = arith.cmpi ne, %and3A_744, %ne3A_745 : i32
    %select_n3A_747 = arith.select %ne3A_746, %select_n3A_742, %add3A_639 : vector<16x16xf32>
    %and3A_748 = arith.constant 2 : i32
    %and3A_749 = vector.broadcast %and3A_748 : i32 to vector<16x16xi32>
    %and3A_750 = arith.andi %iota3A_731, %and3A_749 : vector<16x16xi32>
    %eq3A_751 = arith.constant 0 : i32
    %eq3A_752 = vector.broadcast %eq3A_751 : i32 to vector<16x16xi32>
    %eq3A_753 = arith.cmpi eq, %and3A_750, %eq3A_752 : vector<16x16xi32>
    %roll3A_754 = arith.constant 14 : i32
    %roll3A_755 = tpu.dynamic_rotate %select_n3A_747 by %roll3A_754 dim 1 : vector<16x16xf32>, i32 -> vector<16x16xf32>
    %roll3A_756 = arith.constant 2 : i32
    %roll3A_757 = tpu.dynamic_rotate %select_n3A_747 by %roll3A_756 dim 1 : vector<16x16xf32>, i32 -> vector<16x16xf32>
    %select_n3A_758 = arith.select %eq3A_753, %roll3A_755, %roll3A_757 : vector<16x16xi1>, vector<16x16xf32>
    %and3A_759 = arith.constant 2 : i32
    %and3A_760 = arith.andi %add3A_647, %and3A_759 : i32
    %ne3A_761 = arith.constant 0 : i32
    %ne3A_762 = arith.cmpi ne, %and3A_760, %ne3A_761 : i32
    %select_n3A_763 = arith.select %ne3A_762, %select_n3A_758, %select_n3A_747 : vector<16x16xf32>
    %and3A_764 = arith.constant 4 : i32
    %and3A_765 = vector.broadcast %and3A_764 : i32 to vector<16x16xi32>
    %and3A_766 = arith.andi %iota3A_731, %and3A_765 : vector<16x16xi32>
    %eq3A_767 = arith.constant 0 : i32
    %eq3A_768 = vector.broadcast %eq3A_767 : i32 to vector<16x16xi32>
    %eq3A_769 = arith.cmpi eq, %and3A_766, %eq3A_768 : vector<16x16xi32>
    %roll3A_770 = arith.constant 12 : i32
    %roll3A_771 = tpu.dynamic_rotate %select_n3A_763 by %roll3A_770 dim 1 : vector<16x16xf32>, i32 -> vector<16x16xf32>
    %roll3A_772 = arith.constant 4 : i32
    %roll3A_773 = tpu.dynamic_rotate %select_n3A_763 by %roll3A_772 dim 1 : vector<16x16xf32>, i32 -> vector<16x16xf32>
    %select_n3A_774 = arith.select %eq3A_769, %roll3A_771, %roll3A_773 : vector<16x16xi1>, vector<16x16xf32>
    %and3A_775 = arith.constant 4 : i32
    %and3A_776 = arith.andi %add3A_647, %and3A_775 : i32
    %ne3A_777 = arith.constant 0 : i32
    %ne3A_778 = arith.cmpi ne, %and3A_776, %ne3A_777 : i32
    %select_n3A_779 = arith.select %ne3A_778, %select_n3A_774, %select_n3A_763 : vector<16x16xf32>
    %and3A_780 = arith.constant 8 : i32
    %and3A_781 = vector.broadcast %and3A_780 : i32 to vector<16x16xi32>
    %and3A_782 = arith.andi %iota3A_731, %and3A_781 : vector<16x16xi32>
    %eq3A_783 = arith.constant 0 : i32
    %eq3A_784 = vector.broadcast %eq3A_783 : i32 to vector<16x16xi32>
    %eq3A_785 = arith.cmpi eq, %and3A_782, %eq3A_784 : vector<16x16xi32>
    %roll3A_786 = arith.constant 8 : i32
    %roll3A_787 = tpu.dynamic_rotate %select_n3A_779 by %roll3A_786 dim 1 : vector<16x16xf32>, i32 -> vector<16x16xf32>
    %roll3A_788 = arith.constant 8 : i32
    %roll3A_789 = tpu.dynamic_rotate %select_n3A_779 by %roll3A_788 dim 1 : vector<16x16xf32>, i32 -> vector<16x16xf32>
    %select_n3A_790 = arith.select %eq3A_785, %roll3A_787, %roll3A_789 : vector<16x16xi1>, vector<16x16xf32>
    %and3A_791 = arith.constant 8 : i32
    %and3A_792 = arith.andi %add3A_647, %and3A_791 : i32
    %ne3A_793 = arith.constant 0 : i32
    %ne3A_794 = arith.cmpi ne, %and3A_792, %ne3A_793 : i32
    %select_n3A_795 = arith.select %ne3A_794, %select_n3A_790, %select_n3A_779 : vector<16x16xf32>
    %iota3A_796 = tpu.iota {dimensions = array<i32: 0>} : vector<16x16xi32>
    %and3A_797 = arith.constant 1 : i32
    %and3A_798 = vector.broadcast %and3A_797 : i32 to vector<16x16xi32>
    %and3A_799 = arith.andi %iota3A_796, %and3A_798 : vector<16x16xi32>
    %eq3A_800 = arith.constant 0 : i32
    %eq3A_801 = vector.broadcast %eq3A_800 : i32 to vector<16x16xi32>
    %eq3A_802 = arith.cmpi eq, %and3A_799, %eq3A_801 : vector<16x16xi32>
    %roll3A_803 = arith.constant 15 : i32
    %roll3A_804 = tpu.dynamic_rotate %add3A_639 by %roll3A_803 dim 0 : vector<16x16xf32>, i32 -> vector<16x16xf32>
    %roll3A_805 = arith.constant 1 : i32
    %roll3A_806 = tpu.dynamic_rotate %add3A_639 by %roll3A_805 dim 0 : vector<16x16xf32>, i32 -> vector<16x16xf32>
    %select_n3A_807 = arith.select %eq3A_802, %roll3A_804, %roll3A_806 : vector<16x16xi1>, vector<16x16xf32>
    %and3A_808 = arith.constant 1 : i32
    %and3A_809 = arith.andi %add3A_647, %and3A_808 : i32
    %ne3A_810 = arith.constant 0 : i32
    %ne3A_811 = arith.cmpi ne, %and3A_809, %ne3A_810 : i32
    %select_n3A_812 = arith.select %ne3A_811, %select_n3A_807, %add3A_639 : vector<16x16xf32>
    %and3A_813 = arith.constant 2 : i32
    %and3A_814 = vector.broadcast %and3A_813 : i32 to vector<16x16xi32>
    %and3A_815 = arith.andi %iota3A_796, %and3A_814 : vector<16x16xi32>
    %eq3A_816 = arith.constant 0 : i32
    %eq3A_817 = vector.broadcast %eq3A_816 : i32 to vector<16x16xi32>
    %eq3A_818 = arith.cmpi eq, %and3A_815, %eq3A_817 : vector<16x16xi32>
    %roll3A_819 = arith.constant 14 : i32
    %roll3A_820 = tpu.dynamic_rotate %select_n3A_812 by %roll3A_819 dim 0 : vector<16x16xf32>, i32 -> vector<16x16xf32>
    %roll3A_821 = arith.constant 2 : i32
    %roll3A_822 = tpu.dynamic_rotate %select_n3A_812 by %roll3A_821 dim 0 : vector<16x16xf32>, i32 -> vector<16x16xf32>
    %select_n3A_823 = arith.select %eq3A_818, %roll3A_820, %roll3A_822 : vector<16x16xi1>, vector<16x16xf32>
    %and3A_824 = arith.constant 2 : i32
    %and3A_825 = arith.andi %add3A_647, %and3A_824 : i32
    %ne3A_826 = arith.constant 0 : i32
    %ne3A_827 = arith.cmpi ne, %and3A_825, %ne3A_826 : i32
    %select_n3A_828 = arith.select %ne3A_827, %select_n3A_823, %select_n3A_812 : vector<16x16xf32>
    %and3A_829 = arith.constant 4 : i32
    %and3A_830 = vector.broadcast %and3A_829 : i32 to vector<16x16xi32>
    %and3A_831 = arith.andi %iota3A_796, %and3A_830 : vector<16x16xi32>
    %eq3A_832 = arith.constant 0 : i32
    %eq3A_833 = vector.broadcast %eq3A_832 : i32 to vector<16x16xi32>
    %eq3A_834 = arith.cmpi eq, %and3A_831, %eq3A_833 : vector<16x16xi32>
    %roll3A_835 = arith.constant 12 : i32
    %roll3A_836 = tpu.dynamic_rotate %select_n3A_828 by %roll3A_835 dim 0 : vector<16x16xf32>, i32 -> vector<16x16xf32>
    %roll3A_837 = arith.constant 4 : i32
    %roll3A_838 = tpu.dynamic_rotate %select_n3A_828 by %roll3A_837 dim 0 : vector<16x16xf32>, i32 -> vector<16x16xf32>
    %select_n3A_839 = arith.select %eq3A_834, %roll3A_836, %roll3A_838 : vector<16x16xi1>, vector<16x16xf32>
    %and3A_840 = arith.constant 4 : i32
    %and3A_841 = arith.andi %add3A_647, %and3A_840 : i32
    %ne3A_842 = arith.constant 0 : i32
    %ne3A_843 = arith.cmpi ne, %and3A_841, %ne3A_842 : i32
    %select_n3A_844 = arith.select %ne3A_843, %select_n3A_839, %select_n3A_828 : vector<16x16xf32>
    %and3A_845 = arith.constant 8 : i32
    %and3A_846 = vector.broadcast %and3A_845 : i32 to vector<16x16xi32>
    %and3A_847 = arith.andi %iota3A_796, %and3A_846 : vector<16x16xi32>
    %eq3A_848 = arith.constant 0 : i32
    %eq3A_849 = vector.broadcast %eq3A_848 : i32 to vector<16x16xi32>
    %eq3A_850 = arith.cmpi eq, %and3A_847, %eq3A_849 : vector<16x16xi32>
    %roll3A_851 = arith.constant 8 : i32
    %roll3A_852 = tpu.dynamic_rotate %select_n3A_844 by %roll3A_851 dim 0 : vector<16x16xf32>, i32 -> vector<16x16xf32>
    %roll3A_853 = arith.constant 8 : i32
    %roll3A_854 = tpu.dynamic_rotate %select_n3A_844 by %roll3A_853 dim 0 : vector<16x16xf32>, i32 -> vector<16x16xf32>
    %select_n3A_855 = arith.select %eq3A_850, %roll3A_852, %roll3A_854 : vector<16x16xi1>, vector<16x16xf32>
    %and3A_856 = arith.constant 8 : i32
    %and3A_857 = arith.andi %add3A_647, %and3A_856 : i32
    %ne3A_858 = arith.constant 0 : i32
    %ne3A_859 = arith.cmpi ne, %and3A_857, %ne3A_858 : i32
    %select_n3A_860 = arith.select %ne3A_859, %select_n3A_855, %select_n3A_844 : vector<16x16xf32>
    %iota3A_861 = tpu.iota {dimensions = array<i32: 0>} : vector<16x16xi32>
    %and3A_862 = arith.constant 1 : i32
    %and3A_863 = vector.broadcast %and3A_862 : i32 to vector<16x16xi32>
    %and3A_864 = arith.andi %iota3A_861, %and3A_863 : vector<16x16xi32>
    %eq3A_865 = arith.constant 0 : i32
    %eq3A_866 = vector.broadcast %eq3A_865 : i32 to vector<16x16xi32>
    %eq3A_867 = arith.cmpi eq, %and3A_864, %eq3A_866 : vector<16x16xi32>
    %roll3A_868 = arith.constant 15 : i32
    %roll3A_869 = tpu.dynamic_rotate %select_n3A_795 by %roll3A_868 dim 0 : vector<16x16xf32>, i32 -> vector<16x16xf32>
    %roll3A_870 = arith.constant 1 : i32
    %roll3A_871 = tpu.dynamic_rotate %select_n3A_795 by %roll3A_870 dim 0 : vector<16x16xf32>, i32 -> vector<16x16xf32>
    %select_n3A_872 = arith.select %eq3A_867, %roll3A_869, %roll3A_871 : vector<16x16xi1>, vector<16x16xf32>
    %and3A_873 = arith.constant 1 : i32
    %and3A_874 = arith.andi %add3A_647, %and3A_873 : i32
    %ne3A_875 = arith.constant 0 : i32
    %ne3A_876 = arith.cmpi ne, %and3A_874, %ne3A_875 : i32
    %select_n3A_877 = arith.select %ne3A_876, %select_n3A_872, %select_n3A_795 : vector<16x16xf32>
    %and3A_878 = arith.constant 2 : i32
    %and3A_879 = vector.broadcast %and3A_878 : i32 to vector<16x16xi32>
    %and3A_880 = arith.andi %iota3A_861, %and3A_879 : vector<16x16xi32>
    %eq3A_881 = arith.constant 0 : i32
    %eq3A_882 = vector.broadcast %eq3A_881 : i32 to vector<16x16xi32>
    %eq3A_883 = arith.cmpi eq, %and3A_880, %eq3A_882 : vector<16x16xi32>
    %roll3A_884 = arith.constant 14 : i32
    %roll3A_885 = tpu.dynamic_rotate %select_n3A_877 by %roll3A_884 dim 0 : vector<16x16xf32>, i32 -> vector<16x16xf32>
    %roll3A_886 = arith.constant 2 : i32
    %roll3A_887 = tpu.dynamic_rotate %select_n3A_877 by %roll3A_886 dim 0 : vector<16x16xf32>, i32 -> vector<16x16xf32>
    %select_n3A_888 = arith.select %eq3A_883, %roll3A_885, %roll3A_887 : vector<16x16xi1>, vector<16x16xf32>
    %and3A_889 = arith.constant 2 : i32
    %and3A_890 = arith.andi %add3A_647, %and3A_889 : i32
    %ne3A_891 = arith.constant 0 : i32
    %ne3A_892 = arith.cmpi ne, %and3A_890, %ne3A_891 : i32
    %select_n3A_893 = arith.select %ne3A_892, %select_n3A_888, %select_n3A_877 : vector<16x16xf32>
    %and3A_894 = arith.constant 4 : i32
    %and3A_895 = vector.broadcast %and3A_894 : i32 to vector<16x16xi32>
    %and3A_896 = arith.andi %iota3A_861, %and3A_895 : vector<16x16xi32>
    %eq3A_897 = arith.constant 0 : i32
    %eq3A_898 = vector.broadcast %eq3A_897 : i32 to vector<16x16xi32>
    %eq3A_899 = arith.cmpi eq, %and3A_896, %eq3A_898 : vector<16x16xi32>
    %roll3A_900 = arith.constant 12 : i32
    %roll3A_901 = tpu.dynamic_rotate %select_n3A_893 by %roll3A_900 dim 0 : vector<16x16xf32>, i32 -> vector<16x16xf32>
    %roll3A_902 = arith.constant 4 : i32
    %roll3A_903 = tpu.dynamic_rotate %select_n3A_893 by %roll3A_902 dim 0 : vector<16x16xf32>, i32 -> vector<16x16xf32>
    %select_n3A_904 = arith.select %eq3A_899, %roll3A_901, %roll3A_903 : vector<16x16xi1>, vector<16x16xf32>
    %and3A_905 = arith.constant 4 : i32
    %and3A_906 = arith.andi %add3A_647, %and3A_905 : i32
    %ne3A_907 = arith.constant 0 : i32
    %ne3A_908 = arith.cmpi ne, %and3A_906, %ne3A_907 : i32
    %select_n3A_909 = arith.select %ne3A_908, %select_n3A_904, %select_n3A_893 : vector<16x16xf32>
    %and3A_910 = arith.constant 8 : i32
    %and3A_911 = vector.broadcast %and3A_910 : i32 to vector<16x16xi32>
    %and3A_912 = arith.andi %iota3A_861, %and3A_911 : vector<16x16xi32>
    %eq3A_913 = arith.constant 0 : i32
    %eq3A_914 = vector.broadcast %eq3A_913 : i32 to vector<16x16xi32>
    %eq3A_915 = arith.cmpi eq, %and3A_912, %eq3A_914 : vector<16x16xi32>
    %roll3A_916 = arith.constant 8 : i32
    %roll3A_917 = tpu.dynamic_rotate %select_n3A_909 by %roll3A_916 dim 0 : vector<16x16xf32>, i32 -> vector<16x16xf32>
    %roll3A_918 = arith.constant 8 : i32
    %roll3A_919 = tpu.dynamic_rotate %select_n3A_909 by %roll3A_918 dim 0 : vector<16x16xf32>, i32 -> vector<16x16xf32>
    %select_n3A_920 = arith.select %eq3A_915, %roll3A_917, %roll3A_919 : vector<16x16xi1>, vector<16x16xf32>
    %and3A_921 = arith.constant 8 : i32
    %and3A_922 = arith.andi %add3A_647, %and3A_921 : i32
    %ne3A_923 = arith.constant 0 : i32
    %ne3A_924 = arith.cmpi ne, %and3A_922, %ne3A_923 : i32
    %select_n3A_925 = arith.select %ne3A_924, %select_n3A_920, %select_n3A_909 : vector<16x16xf32>
    %mul3A_926 = vector.broadcast %select_n3A_707 : vector<16x1xf32> to vector<16x16xf32>
    %mul3A_927 = arith.mulf %mul3A_926, %add3A_639 : vector<16x16xf32>
    %mul3A_928 = vector.broadcast %broadcast_in_dim3A_715 : vector<1x16xf32> to vector<16x16xf32>
    %mul3A_929 = arith.mulf %mul3A_927, %mul3A_928 : vector<16x16xf32>
    %mul3A_930 = vector.broadcast %select_n3A_707 : vector<16x1xf32> to vector<16x16xf32>
    %mul3A_931 = arith.mulf %mul3A_930, %select_n3A_795 : vector<16x16xf32>
    %mul3A_932 = vector.broadcast %broadcast_in_dim3A_730 : vector<1x16xf32> to vector<16x16xf32>
    %mul3A_933 = arith.mulf %mul3A_931, %mul3A_932 : vector<16x16xf32>
    %add3A_934 = arith.addf %mul3A_929, %mul3A_933 : vector<16x16xf32>
    %mul3A_935 = vector.broadcast %broadcast_in_dim3A_725 : vector<16x1xf32> to vector<16x16xf32>
    %mul3A_936 = arith.mulf %mul3A_935, %select_n3A_860 : vector<16x16xf32>
    %mul3A_937 = vector.broadcast %broadcast_in_dim3A_715 : vector<1x16xf32> to vector<16x16xf32>
    %mul3A_938 = arith.mulf %mul3A_936, %mul3A_937 : vector<16x16xf32>
    %add3A_939 = arith.addf %add3A_934, %mul3A_938 : vector<16x16xf32>
    %mul3A_940 = vector.broadcast %broadcast_in_dim3A_725 : vector<16x1xf32> to vector<16x16xf32>
    %mul3A_941 = arith.mulf %mul3A_940, %select_n3A_925 : vector<16x16xf32>
    %mul3A_942 = vector.broadcast %broadcast_in_dim3A_730 : vector<1x16xf32> to vector<16x16xf32>
    %mul3A_943 = arith.mulf %mul3A_941, %mul3A_942 : vector<16x16xf32>
    %add3A_944 = arith.addf %add3A_939, %mul3A_943 : vector<16x16xf32>
    %mul3A_945 = arith.constant 4 : i32
    %mul3A_946 = arith.muli %arg0, %mul3A_945 : i32
    %add3A_947 = arith.constant 3 : i32
    %add3A_948 = arith.addi %mul3A_946, %add3A_947 : i32
    %rem3A_949 = arith.constant 15 : i32
    %rem3A_950 = arith.remsi %add3A_948, %rem3A_949 : i32
    %add3A_951 = arith.constant 1 : i32
    %add3A_952 = arith.addi %rem3A_950, %add3A_951 : i32
    %eq3A_953 = vector.broadcast %add3A_952 : i32 to vector<16x16xi32>
    %eq3A_954 = arith.cmpi eq, %xor3A, %eq3A_953 : vector<16x16xi32>
    %jit3A_955 = arith.constant 1.000000e+00 : f32
    %jit3A_956 = arith.constant 0.000000e+00 : f32
    %broadcast_in_dim3A_957 = vector.broadcast %jit3A_955 : f32 to vector<16x16xf32>
    %broadcast_in_dim3A_958 = vector.broadcast %jit3A_956 : f32 to vector<16x16xf32>
    %select_n3A_959 = arith.select %eq3A_954, %broadcast_in_dim3A_957, %broadcast_in_dim3A_958 : vector<16x16xi1>, vector<16x16xf32>
    %mul3A_960 = arith.mulf %add3A_944, %select_n3A : vector<16x16xf32>
    %reduce_sum3A_961 = arith.constant dense<0.000000e+00> : vector<16xf32>
    %reduce_sum3A_962 = vector.multi_reduction <add>, %mul3A_960, %reduce_sum3A_961 [1] : vector<16x16xf32> to vector<16xf32>
    %broadcast_in_dim3A_963 = vector.shape_cast %reduce_sum3A_962 : vector<16xf32> to vector<16x1xf32>
    %reduce_sum3A_964 = arith.constant dense<0.000000e+00> : vector<16xf32>
    %reduce_sum3A_965 = vector.multi_reduction <add>, %mul3A_960, %reduce_sum3A_964 [0] : vector<16x16xf32> to vector<16xf32>
    %broadcast_in_dim3A_966 = vector.shape_cast %reduce_sum3A_965 : vector<16xf32> to vector<1x16xf32>
    %mul3A_967 = arith.mulf %add3A_944, %select_n3A_959 : vector<16x16xf32>
    %reduce_sum3A_968 = arith.constant dense<0.000000e+00> : vector<16xf32>
    %reduce_sum3A_969 = vector.multi_reduction <add>, %mul3A_967, %reduce_sum3A_968 [1] : vector<16x16xf32> to vector<16xf32>
    %broadcast_in_dim3A_970 = vector.shape_cast %reduce_sum3A_969 : vector<16xf32> to vector<16x1xf32>
    %mul3A_971 = vector.broadcast %broadcast_in_dim3A_966 : vector<1x16xf32> to vector<16x16xf32>
    %mul3A_972 = arith.mulf %select_n3A_959, %mul3A_971 : vector<16x16xf32>
    %reduce_sum3A_973 = arith.constant dense<0.000000e+00> : vector<16xf32>
    %reduce_sum3A_974 = vector.multi_reduction <add>, %mul3A_972, %reduce_sum3A_973 [1] : vector<16x16xf32> to vector<16xf32>
    %broadcast_in_dim3A_975 = vector.shape_cast %reduce_sum3A_974 : vector<16xf32> to vector<16x1xf32>
    %abs3A_976 = math.absf %broadcast_in_dim3A_970 : vector<16x1xf32>
    %gt3A_977 = arith.constant 9.99999996E-13 : f32
    %gt3A_978 = vector.broadcast %gt3A_977 : f32 to vector<16x1xf32>
    %gt3A_979 = arith.cmpf ogt, %abs3A_976, %gt3A_978 : vector<16x1xf32>
    %jit3A_980 = arith.constant 1.000000e+00 : f32
    %broadcast_in_dim3A_981 = vector.broadcast %jit3A_980 : f32 to vector<16x1xf32>
    %select_n3A_982 = arith.select %gt3A_979, %broadcast_in_dim3A_970, %broadcast_in_dim3A_981 : vector<16x1xi1>, vector<16x1xf32>
    %sub3A_983 = arith.subf %broadcast_in_dim3A_975, %broadcast_in_dim3A_963 : vector<16x1xf32>
    %mul3A_984 = arith.constant 2.000000e+00 : f32
    %mul3A_985 = vector.broadcast %mul3A_984 : f32 to vector<16x1xf32>
    %mul3A_986 = arith.mulf %mul3A_985, %select_n3A_982 : vector<16x1xf32>
    %div3A_987 = arith.divf %sub3A_983, %mul3A_986 : vector<16x1xf32>
    %ge3A_988 = arith.constant 0.000000e+00 : f32
    %ge3A_989 = vector.broadcast %ge3A_988 : f32 to vector<16x1xf32>
    %ge3A_990 = arith.cmpf oge, %div3A_987, %ge3A_989 : vector<16x1xf32>
    %jit3A_991 = arith.constant 1.000000e+00 : f32
    %jit3A_992 = arith.constant -1.000000e+00 : f32
    %broadcast_in_dim3A_993 = vector.broadcast %jit3A_991 : f32 to vector<16x1xf32>
    %broadcast_in_dim3A_994 = vector.broadcast %jit3A_992 : f32 to vector<16x1xf32>
    %select_n3A_995 = arith.select %ge3A_990, %broadcast_in_dim3A_993, %broadcast_in_dim3A_994 : vector<16x1xi1>, vector<16x1xf32>
    %abs3A_996 = math.absf %div3A_987 : vector<16x1xf32>
    %mul3A_997 = arith.mulf %div3A_987, %div3A_987 : vector<16x1xf32>
    %add3A_998 = arith.constant 1.000000e+00 : f32
    %add3A_999 = vector.broadcast %add3A_998 : f32 to vector<16x1xf32>
    %add3A_1000 = arith.addf %add3A_999, %mul3A_997 : vector<16x1xf32>
    %sqrt3A_1001 = math.sqrt %add3A_1000 : vector<16x1xf32>
    %add3A_1002 = arith.addf %abs3A_996, %sqrt3A_1001 : vector<16x1xf32>
    %div3A_1003 = arith.divf %select_n3A_995, %add3A_1002 : vector<16x1xf32>
    %mul3A_1004 = arith.mulf %div3A_1003, %div3A_1003 : vector<16x1xf32>
    %add3A_1005 = arith.constant 1.000000e+00 : f32
    %add3A_1006 = vector.broadcast %add3A_1005 : f32 to vector<16x1xf32>
    %add3A_1007 = arith.addf %add3A_1006, %mul3A_1004 : vector<16x1xf32>
    %rsqrt3A_1008 = math.rsqrt %add3A_1007 : vector<16x1xf32>
    %mul3A_1009 = arith.mulf %div3A_1003, %rsqrt3A_1008 : vector<16x1xf32>
    %jit3A_1010 = arith.constant 1.000000e+00 : f32
    %broadcast_in_dim3A_1011 = vector.broadcast %jit3A_1010 : f32 to vector<16x1xf32>
    %select_n3A_1012 = arith.select %gt3A_979, %rsqrt3A_1008, %broadcast_in_dim3A_1011 : vector<16x1xi1>, vector<16x1xf32>
    %jit3A_1013 = arith.constant 0.000000e+00 : f32
    %broadcast_in_dim3A_1014 = vector.broadcast %jit3A_1013 : f32 to vector<16x1xf32>
    %select_n3A_1015 = arith.select %gt3A_979, %mul3A_1009, %broadcast_in_dim3A_1014 : vector<16x1xi1>, vector<16x1xf32>
    %mul3A_1016 = vector.broadcast %select_n3A_1012 : vector<16x1xf32> to vector<16x16xf32>
    %mul3A_1017 = arith.mulf %select_n3A, %mul3A_1016 : vector<16x16xf32>
    %reduce_sum3A_1018 = arith.constant dense<0.000000e+00> : vector<16xf32>
    %reduce_sum3A_1019 = vector.multi_reduction <add>, %mul3A_1017, %reduce_sum3A_1018 [0] : vector<16x16xf32> to vector<16xf32>
    %broadcast_in_dim3A_1020 = vector.shape_cast %reduce_sum3A_1019 : vector<16xf32> to vector<1x16xf32>
    %mul3A_1021 = vector.broadcast %select_n3A_1015 : vector<16x1xf32> to vector<16x16xf32>
    %mul3A_1022 = arith.mulf %select_n3A, %mul3A_1021 : vector<16x16xf32>
    %reduce_sum3A_1023 = arith.constant dense<0.000000e+00> : vector<16xf32>
    %reduce_sum3A_1024 = vector.multi_reduction <add>, %mul3A_1022, %reduce_sum3A_1023 [0] : vector<16x16xf32> to vector<16xf32>
    %broadcast_in_dim3A_1025 = vector.shape_cast %reduce_sum3A_1024 : vector<16xf32> to vector<1x16xf32>
    %mul3A_1026 = vector.broadcast %broadcast_in_dim3A_1025 : vector<1x16xf32> to vector<16x16xf32>
    %mul3A_1027 = arith.mulf %select_n3A_959, %mul3A_1026 : vector<16x16xf32>
    %reduce_sum3A_1028 = arith.constant dense<0.000000e+00> : vector<16xf32>
    %reduce_sum3A_1029 = vector.multi_reduction <add>, %mul3A_1027, %reduce_sum3A_1028 [1] : vector<16x16xf32> to vector<16xf32>
    %broadcast_in_dim3A_1030 = vector.shape_cast %reduce_sum3A_1029 : vector<16xf32> to vector<16x1xf32>
    %mul3A_1031 = vector.broadcast %select_n3A_1015 : vector<16x1xf32> to vector<16x16xf32>
    %mul3A_1032 = arith.mulf %select_n3A_959, %mul3A_1031 : vector<16x16xf32>
    %reduce_sum3A_1033 = arith.constant dense<0.000000e+00> : vector<16xf32>
    %reduce_sum3A_1034 = vector.multi_reduction <add>, %mul3A_1032, %reduce_sum3A_1033 [0] : vector<16x16xf32> to vector<16xf32>
    %broadcast_in_dim3A_1035 = vector.shape_cast %reduce_sum3A_1034 : vector<16xf32> to vector<1x16xf32>
    %iota3A_1036 = tpu.iota {dimensions = array<i32: 1>} : vector<16x16xi32>
    %and3A_1037 = arith.constant 1 : i32
    %and3A_1038 = vector.broadcast %and3A_1037 : i32 to vector<16x16xi32>
    %and3A_1039 = arith.andi %iota3A_1036, %and3A_1038 : vector<16x16xi32>
    %eq3A_1040 = arith.constant 0 : i32
    %eq3A_1041 = vector.broadcast %eq3A_1040 : i32 to vector<16x16xi32>
    %eq3A_1042 = arith.cmpi eq, %and3A_1039, %eq3A_1041 : vector<16x16xi32>
    %roll3A_1043 = arith.constant 15 : i32
    %roll3A_1044 = tpu.dynamic_rotate %add3A_944 by %roll3A_1043 dim 1 : vector<16x16xf32>, i32 -> vector<16x16xf32>
    %roll3A_1045 = arith.constant 1 : i32
    %roll3A_1046 = tpu.dynamic_rotate %add3A_944 by %roll3A_1045 dim 1 : vector<16x16xf32>, i32 -> vector<16x16xf32>
    %select_n3A_1047 = arith.select %eq3A_1042, %roll3A_1044, %roll3A_1046 : vector<16x16xi1>, vector<16x16xf32>
    %and3A_1048 = arith.constant 1 : i32
    %and3A_1049 = arith.andi %add3A_952, %and3A_1048 : i32
    %ne3A_1050 = arith.constant 0 : i32
    %ne3A_1051 = arith.cmpi ne, %and3A_1049, %ne3A_1050 : i32
    %select_n3A_1052 = arith.select %ne3A_1051, %select_n3A_1047, %add3A_944 : vector<16x16xf32>
    %and3A_1053 = arith.constant 2 : i32
    %and3A_1054 = vector.broadcast %and3A_1053 : i32 to vector<16x16xi32>
    %and3A_1055 = arith.andi %iota3A_1036, %and3A_1054 : vector<16x16xi32>
    %eq3A_1056 = arith.constant 0 : i32
    %eq3A_1057 = vector.broadcast %eq3A_1056 : i32 to vector<16x16xi32>
    %eq3A_1058 = arith.cmpi eq, %and3A_1055, %eq3A_1057 : vector<16x16xi32>
    %roll3A_1059 = arith.constant 14 : i32
    %roll3A_1060 = tpu.dynamic_rotate %select_n3A_1052 by %roll3A_1059 dim 1 : vector<16x16xf32>, i32 -> vector<16x16xf32>
    %roll3A_1061 = arith.constant 2 : i32
    %roll3A_1062 = tpu.dynamic_rotate %select_n3A_1052 by %roll3A_1061 dim 1 : vector<16x16xf32>, i32 -> vector<16x16xf32>
    %select_n3A_1063 = arith.select %eq3A_1058, %roll3A_1060, %roll3A_1062 : vector<16x16xi1>, vector<16x16xf32>
    %and3A_1064 = arith.constant 2 : i32
    %and3A_1065 = arith.andi %add3A_952, %and3A_1064 : i32
    %ne3A_1066 = arith.constant 0 : i32
    %ne3A_1067 = arith.cmpi ne, %and3A_1065, %ne3A_1066 : i32
    %select_n3A_1068 = arith.select %ne3A_1067, %select_n3A_1063, %select_n3A_1052 : vector<16x16xf32>
    %and3A_1069 = arith.constant 4 : i32
    %and3A_1070 = vector.broadcast %and3A_1069 : i32 to vector<16x16xi32>
    %and3A_1071 = arith.andi %iota3A_1036, %and3A_1070 : vector<16x16xi32>
    %eq3A_1072 = arith.constant 0 : i32
    %eq3A_1073 = vector.broadcast %eq3A_1072 : i32 to vector<16x16xi32>
    %eq3A_1074 = arith.cmpi eq, %and3A_1071, %eq3A_1073 : vector<16x16xi32>
    %roll3A_1075 = arith.constant 12 : i32
    %roll3A_1076 = tpu.dynamic_rotate %select_n3A_1068 by %roll3A_1075 dim 1 : vector<16x16xf32>, i32 -> vector<16x16xf32>
    %roll3A_1077 = arith.constant 4 : i32
    %roll3A_1078 = tpu.dynamic_rotate %select_n3A_1068 by %roll3A_1077 dim 1 : vector<16x16xf32>, i32 -> vector<16x16xf32>
    %select_n3A_1079 = arith.select %eq3A_1074, %roll3A_1076, %roll3A_1078 : vector<16x16xi1>, vector<16x16xf32>
    %and3A_1080 = arith.constant 4 : i32
    %and3A_1081 = arith.andi %add3A_952, %and3A_1080 : i32
    %ne3A_1082 = arith.constant 0 : i32
    %ne3A_1083 = arith.cmpi ne, %and3A_1081, %ne3A_1082 : i32
    %select_n3A_1084 = arith.select %ne3A_1083, %select_n3A_1079, %select_n3A_1068 : vector<16x16xf32>
    %and3A_1085 = arith.constant 8 : i32
    %and3A_1086 = vector.broadcast %and3A_1085 : i32 to vector<16x16xi32>
    %and3A_1087 = arith.andi %iota3A_1036, %and3A_1086 : vector<16x16xi32>
    %eq3A_1088 = arith.constant 0 : i32
    %eq3A_1089 = vector.broadcast %eq3A_1088 : i32 to vector<16x16xi32>
    %eq3A_1090 = arith.cmpi eq, %and3A_1087, %eq3A_1089 : vector<16x16xi32>
    %roll3A_1091 = arith.constant 8 : i32
    %roll3A_1092 = tpu.dynamic_rotate %select_n3A_1084 by %roll3A_1091 dim 1 : vector<16x16xf32>, i32 -> vector<16x16xf32>
    %roll3A_1093 = arith.constant 8 : i32
    %roll3A_1094 = tpu.dynamic_rotate %select_n3A_1084 by %roll3A_1093 dim 1 : vector<16x16xf32>, i32 -> vector<16x16xf32>
    %select_n3A_1095 = arith.select %eq3A_1090, %roll3A_1092, %roll3A_1094 : vector<16x16xi1>, vector<16x16xf32>
    %and3A_1096 = arith.constant 8 : i32
    %and3A_1097 = arith.andi %add3A_952, %and3A_1096 : i32
    %ne3A_1098 = arith.constant 0 : i32
    %ne3A_1099 = arith.cmpi ne, %and3A_1097, %ne3A_1098 : i32
    %select_n3A_1100 = arith.select %ne3A_1099, %select_n3A_1095, %select_n3A_1084 : vector<16x16xf32>
    %iota3A_1101 = tpu.iota {dimensions = array<i32: 0>} : vector<16x16xi32>
    %and3A_1102 = arith.constant 1 : i32
    %and3A_1103 = vector.broadcast %and3A_1102 : i32 to vector<16x16xi32>
    %and3A_1104 = arith.andi %iota3A_1101, %and3A_1103 : vector<16x16xi32>
    %eq3A_1105 = arith.constant 0 : i32
    %eq3A_1106 = vector.broadcast %eq3A_1105 : i32 to vector<16x16xi32>
    %eq3A_1107 = arith.cmpi eq, %and3A_1104, %eq3A_1106 : vector<16x16xi32>
    %roll3A_1108 = arith.constant 15 : i32
    %roll3A_1109 = tpu.dynamic_rotate %add3A_944 by %roll3A_1108 dim 0 : vector<16x16xf32>, i32 -> vector<16x16xf32>
    %roll3A_1110 = arith.constant 1 : i32
    %roll3A_1111 = tpu.dynamic_rotate %add3A_944 by %roll3A_1110 dim 0 : vector<16x16xf32>, i32 -> vector<16x16xf32>
    %select_n3A_1112 = arith.select %eq3A_1107, %roll3A_1109, %roll3A_1111 : vector<16x16xi1>, vector<16x16xf32>
    %and3A_1113 = arith.constant 1 : i32
    %and3A_1114 = arith.andi %add3A_952, %and3A_1113 : i32
    %ne3A_1115 = arith.constant 0 : i32
    %ne3A_1116 = arith.cmpi ne, %and3A_1114, %ne3A_1115 : i32
    %select_n3A_1117 = arith.select %ne3A_1116, %select_n3A_1112, %add3A_944 : vector<16x16xf32>
    %and3A_1118 = arith.constant 2 : i32
    %and3A_1119 = vector.broadcast %and3A_1118 : i32 to vector<16x16xi32>
    %and3A_1120 = arith.andi %iota3A_1101, %and3A_1119 : vector<16x16xi32>
    %eq3A_1121 = arith.constant 0 : i32
    %eq3A_1122 = vector.broadcast %eq3A_1121 : i32 to vector<16x16xi32>
    %eq3A_1123 = arith.cmpi eq, %and3A_1120, %eq3A_1122 : vector<16x16xi32>
    %roll3A_1124 = arith.constant 14 : i32
    %roll3A_1125 = tpu.dynamic_rotate %select_n3A_1117 by %roll3A_1124 dim 0 : vector<16x16xf32>, i32 -> vector<16x16xf32>
    %roll3A_1126 = arith.constant 2 : i32
    %roll3A_1127 = tpu.dynamic_rotate %select_n3A_1117 by %roll3A_1126 dim 0 : vector<16x16xf32>, i32 -> vector<16x16xf32>
    %select_n3A_1128 = arith.select %eq3A_1123, %roll3A_1125, %roll3A_1127 : vector<16x16xi1>, vector<16x16xf32>
    %and3A_1129 = arith.constant 2 : i32
    %and3A_1130 = arith.andi %add3A_952, %and3A_1129 : i32
    %ne3A_1131 = arith.constant 0 : i32
    %ne3A_1132 = arith.cmpi ne, %and3A_1130, %ne3A_1131 : i32
    %select_n3A_1133 = arith.select %ne3A_1132, %select_n3A_1128, %select_n3A_1117 : vector<16x16xf32>
    %and3A_1134 = arith.constant 4 : i32
    %and3A_1135 = vector.broadcast %and3A_1134 : i32 to vector<16x16xi32>
    %and3A_1136 = arith.andi %iota3A_1101, %and3A_1135 : vector<16x16xi32>
    %eq3A_1137 = arith.constant 0 : i32
    %eq3A_1138 = vector.broadcast %eq3A_1137 : i32 to vector<16x16xi32>
    %eq3A_1139 = arith.cmpi eq, %and3A_1136, %eq3A_1138 : vector<16x16xi32>
    %roll3A_1140 = arith.constant 12 : i32
    %roll3A_1141 = tpu.dynamic_rotate %select_n3A_1133 by %roll3A_1140 dim 0 : vector<16x16xf32>, i32 -> vector<16x16xf32>
    %roll3A_1142 = arith.constant 4 : i32
    %roll3A_1143 = tpu.dynamic_rotate %select_n3A_1133 by %roll3A_1142 dim 0 : vector<16x16xf32>, i32 -> vector<16x16xf32>
    %select_n3A_1144 = arith.select %eq3A_1139, %roll3A_1141, %roll3A_1143 : vector<16x16xi1>, vector<16x16xf32>
    %and3A_1145 = arith.constant 4 : i32
    %and3A_1146 = arith.andi %add3A_952, %and3A_1145 : i32
    %ne3A_1147 = arith.constant 0 : i32
    %ne3A_1148 = arith.cmpi ne, %and3A_1146, %ne3A_1147 : i32
    %select_n3A_1149 = arith.select %ne3A_1148, %select_n3A_1144, %select_n3A_1133 : vector<16x16xf32>
    %and3A_1150 = arith.constant 8 : i32
    %and3A_1151 = vector.broadcast %and3A_1150 : i32 to vector<16x16xi32>
    %and3A_1152 = arith.andi %iota3A_1101, %and3A_1151 : vector<16x16xi32>
    %eq3A_1153 = arith.constant 0 : i32
    %eq3A_1154 = vector.broadcast %eq3A_1153 : i32 to vector<16x16xi32>
    %eq3A_1155 = arith.cmpi eq, %and3A_1152, %eq3A_1154 : vector<16x16xi32>
    %roll3A_1156 = arith.constant 8 : i32
    %roll3A_1157 = tpu.dynamic_rotate %select_n3A_1149 by %roll3A_1156 dim 0 : vector<16x16xf32>, i32 -> vector<16x16xf32>
    %roll3A_1158 = arith.constant 8 : i32
    %roll3A_1159 = tpu.dynamic_rotate %select_n3A_1149 by %roll3A_1158 dim 0 : vector<16x16xf32>, i32 -> vector<16x16xf32>
    %select_n3A_1160 = arith.select %eq3A_1155, %roll3A_1157, %roll3A_1159 : vector<16x16xi1>, vector<16x16xf32>
    %and3A_1161 = arith.constant 8 : i32
    %and3A_1162 = arith.andi %add3A_952, %and3A_1161 : i32
    %ne3A_1163 = arith.constant 0 : i32
    %ne3A_1164 = arith.cmpi ne, %and3A_1162, %ne3A_1163 : i32
    %select_n3A_1165 = arith.select %ne3A_1164, %select_n3A_1160, %select_n3A_1149 : vector<16x16xf32>
    %iota3A_1166 = tpu.iota {dimensions = array<i32: 0>} : vector<16x16xi32>
    %and3A_1167 = arith.constant 1 : i32
    %and3A_1168 = vector.broadcast %and3A_1167 : i32 to vector<16x16xi32>
    %and3A_1169 = arith.andi %iota3A_1166, %and3A_1168 : vector<16x16xi32>
    %eq3A_1170 = arith.constant 0 : i32
    %eq3A_1171 = vector.broadcast %eq3A_1170 : i32 to vector<16x16xi32>
    %eq3A_1172 = arith.cmpi eq, %and3A_1169, %eq3A_1171 : vector<16x16xi32>
    %roll3A_1173 = arith.constant 15 : i32
    %roll3A_1174 = tpu.dynamic_rotate %select_n3A_1100 by %roll3A_1173 dim 0 : vector<16x16xf32>, i32 -> vector<16x16xf32>
    %roll3A_1175 = arith.constant 1 : i32
    %roll3A_1176 = tpu.dynamic_rotate %select_n3A_1100 by %roll3A_1175 dim 0 : vector<16x16xf32>, i32 -> vector<16x16xf32>
    %select_n3A_1177 = arith.select %eq3A_1172, %roll3A_1174, %roll3A_1176 : vector<16x16xi1>, vector<16x16xf32>
    %and3A_1178 = arith.constant 1 : i32
    %and3A_1179 = arith.andi %add3A_952, %and3A_1178 : i32
    %ne3A_1180 = arith.constant 0 : i32
    %ne3A_1181 = arith.cmpi ne, %and3A_1179, %ne3A_1180 : i32
    %select_n3A_1182 = arith.select %ne3A_1181, %select_n3A_1177, %select_n3A_1100 : vector<16x16xf32>
    %and3A_1183 = arith.constant 2 : i32
    %and3A_1184 = vector.broadcast %and3A_1183 : i32 to vector<16x16xi32>
    %and3A_1185 = arith.andi %iota3A_1166, %and3A_1184 : vector<16x16xi32>
    %eq3A_1186 = arith.constant 0 : i32
    %eq3A_1187 = vector.broadcast %eq3A_1186 : i32 to vector<16x16xi32>
    %eq3A_1188 = arith.cmpi eq, %and3A_1185, %eq3A_1187 : vector<16x16xi32>
    %roll3A_1189 = arith.constant 14 : i32
    %roll3A_1190 = tpu.dynamic_rotate %select_n3A_1182 by %roll3A_1189 dim 0 : vector<16x16xf32>, i32 -> vector<16x16xf32>
    %roll3A_1191 = arith.constant 2 : i32
    %roll3A_1192 = tpu.dynamic_rotate %select_n3A_1182 by %roll3A_1191 dim 0 : vector<16x16xf32>, i32 -> vector<16x16xf32>
    %select_n3A_1193 = arith.select %eq3A_1188, %roll3A_1190, %roll3A_1192 : vector<16x16xi1>, vector<16x16xf32>
    %and3A_1194 = arith.constant 2 : i32
    %and3A_1195 = arith.andi %add3A_952, %and3A_1194 : i32
    %ne3A_1196 = arith.constant 0 : i32
    %ne3A_1197 = arith.cmpi ne, %and3A_1195, %ne3A_1196 : i32
    %select_n3A_1198 = arith.select %ne3A_1197, %select_n3A_1193, %select_n3A_1182 : vector<16x16xf32>
    %and3A_1199 = arith.constant 4 : i32
    %and3A_1200 = vector.broadcast %and3A_1199 : i32 to vector<16x16xi32>
    %and3A_1201 = arith.andi %iota3A_1166, %and3A_1200 : vector<16x16xi32>
    %eq3A_1202 = arith.constant 0 : i32
    %eq3A_1203 = vector.broadcast %eq3A_1202 : i32 to vector<16x16xi32>
    %eq3A_1204 = arith.cmpi eq, %and3A_1201, %eq3A_1203 : vector<16x16xi32>
    %roll3A_1205 = arith.constant 12 : i32
    %roll3A_1206 = tpu.dynamic_rotate %select_n3A_1198 by %roll3A_1205 dim 0 : vector<16x16xf32>, i32 -> vector<16x16xf32>
    %roll3A_1207 = arith.constant 4 : i32
    %roll3A_1208 = tpu.dynamic_rotate %select_n3A_1198 by %roll3A_1207 dim 0 : vector<16x16xf32>, i32 -> vector<16x16xf32>
    %select_n3A_1209 = arith.select %eq3A_1204, %roll3A_1206, %roll3A_1208 : vector<16x16xi1>, vector<16x16xf32>
    %and3A_1210 = arith.constant 4 : i32
    %and3A_1211 = arith.andi %add3A_952, %and3A_1210 : i32
    %ne3A_1212 = arith.constant 0 : i32
    %ne3A_1213 = arith.cmpi ne, %and3A_1211, %ne3A_1212 : i32
    %select_n3A_1214 = arith.select %ne3A_1213, %select_n3A_1209, %select_n3A_1198 : vector<16x16xf32>
    %and3A_1215 = arith.constant 8 : i32
    %and3A_1216 = vector.broadcast %and3A_1215 : i32 to vector<16x16xi32>
    %and3A_1217 = arith.andi %iota3A_1166, %and3A_1216 : vector<16x16xi32>
    %eq3A_1218 = arith.constant 0 : i32
    %eq3A_1219 = vector.broadcast %eq3A_1218 : i32 to vector<16x16xi32>
    %eq3A_1220 = arith.cmpi eq, %and3A_1217, %eq3A_1219 : vector<16x16xi32>
    %roll3A_1221 = arith.constant 8 : i32
    %roll3A_1222 = tpu.dynamic_rotate %select_n3A_1214 by %roll3A_1221 dim 0 : vector<16x16xf32>, i32 -> vector<16x16xf32>
    %roll3A_1223 = arith.constant 8 : i32
    %roll3A_1224 = tpu.dynamic_rotate %select_n3A_1214 by %roll3A_1223 dim 0 : vector<16x16xf32>, i32 -> vector<16x16xf32>
    %select_n3A_1225 = arith.select %eq3A_1220, %roll3A_1222, %roll3A_1224 : vector<16x16xi1>, vector<16x16xf32>
    %and3A_1226 = arith.constant 8 : i32
    %and3A_1227 = arith.andi %add3A_952, %and3A_1226 : i32
    %ne3A_1228 = arith.constant 0 : i32
    %ne3A_1229 = arith.cmpi ne, %and3A_1227, %ne3A_1228 : i32
    %select_n3A_1230 = arith.select %ne3A_1229, %select_n3A_1225, %select_n3A_1214 : vector<16x16xf32>
    %mul3A_1231 = vector.broadcast %select_n3A_1012 : vector<16x1xf32> to vector<16x16xf32>
    %mul3A_1232 = arith.mulf %mul3A_1231, %add3A_944 : vector<16x16xf32>
    %mul3A_1233 = vector.broadcast %broadcast_in_dim3A_1020 : vector<1x16xf32> to vector<16x16xf32>
    %mul3A_1234 = arith.mulf %mul3A_1232, %mul3A_1233 : vector<16x16xf32>
    %mul3A_1235 = vector.broadcast %select_n3A_1012 : vector<16x1xf32> to vector<16x16xf32>
    %mul3A_1236 = arith.mulf %mul3A_1235, %select_n3A_1100 : vector<16x16xf32>
    %mul3A_1237 = vector.broadcast %broadcast_in_dim3A_1035 : vector<1x16xf32> to vector<16x16xf32>
    %mul3A_1238 = arith.mulf %mul3A_1236, %mul3A_1237 : vector<16x16xf32>
    %add3A_1239 = arith.addf %mul3A_1234, %mul3A_1238 : vector<16x16xf32>
    %mul3A_1240 = vector.broadcast %broadcast_in_dim3A_1030 : vector<16x1xf32> to vector<16x16xf32>
    %mul3A_1241 = arith.mulf %mul3A_1240, %select_n3A_1165 : vector<16x16xf32>
    %mul3A_1242 = vector.broadcast %broadcast_in_dim3A_1020 : vector<1x16xf32> to vector<16x16xf32>
    %mul3A_1243 = arith.mulf %mul3A_1241, %mul3A_1242 : vector<16x16xf32>
    %add3A_1244 = arith.addf %add3A_1239, %mul3A_1243 : vector<16x16xf32>
    %mul3A_1245 = vector.broadcast %broadcast_in_dim3A_1030 : vector<16x1xf32> to vector<16x16xf32>
    %mul3A_1246 = arith.mulf %mul3A_1245, %select_n3A_1230 : vector<16x16xf32>
    %mul3A_1247 = vector.broadcast %broadcast_in_dim3A_1035 : vector<1x16xf32> to vector<16x16xf32>
    %mul3A_1248 = arith.mulf %mul3A_1246, %mul3A_1247 : vector<16x16xf32>
    %add3A_1249 = arith.addf %add3A_1244, %mul3A_1248 : vector<16x16xf32>
    %swap3A_1250 = arith.constant 0 : index
    %swap3A_1251 = arith.constant 0 : index
    %swap3A_1252 = vector.load %arg9[%swap3A_1250, %swap3A_1251] : memref<16x16xf32, #tpu.memory_space<vmem>>, vector<16x16xf32>
    tpu.vector_store %arg9[%swap3A_1250, %swap3A_1251], %add3A_1249 {strides = array<i32>} : memref<16x16xf32, #tpu.memory_space<vmem>>, vector<16x16xf32>,
    %eq3A_1253 = arith.constant 18 : i32
    %eq3A_1254 = arith.cmpi eq, %arg0, %eq3A_1253 : i32
    %convert_element_type3A_1255 = arith.extui %eq3A_1254 : i1 to i32
    %cond3A_1256 = arith.constant 0 : i32
    %cond3A_1257 = arith.cmpi ne, %convert_element_type3A_1255, %cond3A_1256 : i32
    scf.if %cond3A_1257 {
      %mul3A_1258 = arith.mulf %add3A_1249, %select_n3A : vector<16x16xf32>
      %reduce_sum3A_1259 = arith.constant dense<0.000000e+00> : vector<16xf32>
      %reduce_sum3A_1260 = vector.multi_reduction <add>, %mul3A_1258, %reduce_sum3A_1259 [0] : vector<16x16xf32> to vector<16xf32>
      %broadcast_in_dim3A_1261 = vector.shape_cast %reduce_sum3A_1260 : vector<16xf32> to vector<1x16xf32>
      %iota3A_1262 = tpu.iota {dimensions = array<i32: 1>} : vector<1x16xi32>
      %reduce_max3A = vector.shape_cast %broadcast_in_dim3A_1261 : vector<1x16xf32> to vector<1x1x16xf32>
      %reduce_max3A_1263 = arith.constant dense<0xFF800000> : vector<1xf32>
      %reduce_max3A_1264 = vector.multi_reduction <maximumf>, %reduce_max3A, %reduce_max3A_1263 [1, 2] : vector<1x1x16xf32> to vector<1xf32>
      %reduce_max3A_1265 = vector.shape_cast %reduce_max3A_1264 : vector<1xf32> to vector<1x1x1xf32>
      %reduce_max3A_1266 = vector.extract %reduce_max3A_1265[0, 0, 0] : f32 from vector<1x1x1xf32>
      %add3A_1267 = arith.constant 0.000000e+00 : f32
      %add3A_1268 = arith.addf %add3A_1267, %reduce_max3A_1266 : f32
      %eq3A_1269 = vector.broadcast %reduce_max3A_1266 : f32 to vector<1x16xf32>
      %eq3A_1270 = arith.cmpf oeq, %broadcast_in_dim3A_1261, %eq3A_1269 : vector<1x16xf32>
      %jit3A_1271 = arith.constant 1000 : i32
      %broadcast_in_dim3A_1272 = vector.broadcast %jit3A_1271 : i32 to vector<1x16xi32>
      %select_n3A_1273 = arith.select %eq3A_1270, %iota3A_1262, %broadcast_in_dim3A_1272 : vector<1x16xi1>, vector<1x16xi32>
      %reduce_min3A = vector.shape_cast %select_n3A_1273 : vector<1x16xi32> to vector<1x1x16xi32>
      %reduce_min3A_1274 = arith.constant dense<2147483647> : vector<1xi32>
      %reduce_min3A_1275 = vector.multi_reduction <minsi>, %reduce_min3A, %reduce_min3A_1274 [1, 2] : vector<1x1x16xi32> to vector<1xi32>
      %reduce_min3A_1276 = vector.shape_cast %reduce_min3A_1275 : vector<1xi32> to vector<1x1x1xi32>
      %reduce_min3A_1277 = vector.extract %reduce_min3A_1276[0, 0, 0] : i32 from vector<1x1x1xi32>
      %eq3A_1278 = vector.broadcast %reduce_min3A_1277 : i32 to vector<1x16xi32>
      %eq3A_1279 = arith.cmpi eq, %iota3A_1262, %eq3A_1278 : vector<1x16xi32>
      %jit3A_1280 = arith.constant -1.000000e+30 : f32
      %broadcast_in_dim3A_1281 = vector.broadcast %jit3A_1280 : f32 to vector<1x16xf32>
      %select_n3A_1282 = arith.select %eq3A_1279, %broadcast_in_dim3A_1281, %broadcast_in_dim3A_1261 : vector<1x16xi1>, vector<1x16xf32>
      %reduce_max3A_1283 = vector.shape_cast %select_n3A_1282 : vector<1x16xf32> to vector<1x1x16xf32>
      %reduce_max3A_1284 = arith.constant dense<0xFF800000> : vector<1xf32>
      %reduce_max3A_1285 = vector.multi_reduction <maximumf>, %reduce_max3A_1283, %reduce_max3A_1284 [1, 2] : vector<1x1x16xf32> to vector<1xf32>
      %reduce_max3A_1286 = vector.shape_cast %reduce_max3A_1285 : vector<1xf32> to vector<1x1x1xf32>
      %reduce_max3A_1287 = vector.extract %reduce_max3A_1286[0, 0, 0] : f32 from vector<1x1x1xf32>
      %add3A_1288 = arith.addf %add3A_1268, %reduce_max3A_1287 : f32
      %eq3A_1289 = vector.broadcast %reduce_max3A_1287 : f32 to vector<1x16xf32>
      %eq3A_1290 = arith.cmpf oeq, %select_n3A_1282, %eq3A_1289 : vector<1x16xf32>
      %jit3A_1291 = arith.constant 1000 : i32
      %broadcast_in_dim3A_1292 = vector.broadcast %jit3A_1291 : i32 to vector<1x16xi32>
      %select_n3A_1293 = arith.select %eq3A_1290, %iota3A_1262, %broadcast_in_dim3A_1292 : vector<1x16xi1>, vector<1x16xi32>
      %reduce_min3A_1294 = vector.shape_cast %select_n3A_1293 : vector<1x16xi32> to vector<1x1x16xi32>
      %reduce_min3A_1295 = arith.constant dense<2147483647> : vector<1xi32>
      %reduce_min3A_1296 = vector.multi_reduction <minsi>, %reduce_min3A_1294, %reduce_min3A_1295 [1, 2] : vector<1x1x16xi32> to vector<1xi32>
      %reduce_min3A_1297 = vector.shape_cast %reduce_min3A_1296 : vector<1xi32> to vector<1x1x1xi32>
      %reduce_min3A_1298 = vector.extract %reduce_min3A_1297[0, 0, 0] : i32 from vector<1x1x1xi32>
      %eq3A_1299 = vector.broadcast %reduce_min3A_1298 : i32 to vector<1x16xi32>
      %eq3A_1300 = arith.cmpi eq, %iota3A_1262, %eq3A_1299 : vector<1x16xi32>
      %jit3A_1301 = arith.constant -1.000000e+30 : f32
      %broadcast_in_dim3A_1302 = vector.broadcast %jit3A_1301 : f32 to vector<1x16xf32>
      %select_n3A_1303 = arith.select %eq3A_1300, %broadcast_in_dim3A_1302, %select_n3A_1282 : vector<1x16xi1>, vector<1x16xf32>
      %reduce_max3A_1304 = vector.shape_cast %select_n3A_1303 : vector<1x16xf32> to vector<1x1x16xf32>
      %reduce_max3A_1305 = arith.constant dense<0xFF800000> : vector<1xf32>
      %reduce_max3A_1306 = vector.multi_reduction <maximumf>, %reduce_max3A_1304, %reduce_max3A_1305 [1, 2] : vector<1x1x16xf32> to vector<1xf32>
      %reduce_max3A_1307 = vector.shape_cast %reduce_max3A_1306 : vector<1xf32> to vector<1x1x1xf32>
      %reduce_max3A_1308 = vector.extract %reduce_max3A_1307[0, 0, 0] : f32 from vector<1x1x1xf32>
      %add3A_1309 = arith.addf %add3A_1288, %reduce_max3A_1308 : f32
      %eq3A_1310 = vector.broadcast %reduce_max3A_1308 : f32 to vector<1x16xf32>
      %eq3A_1311 = arith.cmpf oeq, %select_n3A_1303, %eq3A_1310 : vector<1x16xf32>
      %jit3A_1312 = arith.constant 1000 : i32
      %broadcast_in_dim3A_1313 = vector.broadcast %jit3A_1312 : i32 to vector<1x16xi32>
      %select_n3A_1314 = arith.select %eq3A_1311, %iota3A_1262, %broadcast_in_dim3A_1313 : vector<1x16xi1>, vector<1x16xi32>
      %reduce_min3A_1315 = vector.shape_cast %select_n3A_1314 : vector<1x16xi32> to vector<1x1x16xi32>
      %reduce_min3A_1316 = arith.constant dense<2147483647> : vector<1xi32>
      %reduce_min3A_1317 = vector.multi_reduction <minsi>, %reduce_min3A_1315, %reduce_min3A_1316 [1, 2] : vector<1x1x16xi32> to vector<1xi32>
      %reduce_min3A_1318 = vector.shape_cast %reduce_min3A_1317 : vector<1xi32> to vector<1x1x1xi32>
      %reduce_min3A_1319 = vector.extract %reduce_min3A_1318[0, 0, 0] : i32 from vector<1x1x1xi32>
      %eq3A_1320 = vector.broadcast %reduce_min3A_1319 : i32 to vector<1x16xi32>
      %eq3A_1321 = arith.cmpi eq, %iota3A_1262, %eq3A_1320 : vector<1x16xi32>
      %jit3A_1322 = arith.constant -1.000000e+30 : f32
      %broadcast_in_dim3A_1323 = vector.broadcast %jit3A_1322 : f32 to vector<1x16xf32>
      %select_n3A_1324 = arith.select %eq3A_1321, %broadcast_in_dim3A_1323, %select_n3A_1303 : vector<1x16xi1>, vector<1x16xf32>
      %reduce_max3A_1325 = vector.shape_cast %select_n3A_1324 : vector<1x16xf32> to vector<1x1x16xf32>
      %reduce_max3A_1326 = arith.constant dense<0xFF800000> : vector<1xf32>
      %reduce_max3A_1327 = vector.multi_reduction <maximumf>, %reduce_max3A_1325, %reduce_max3A_1326 [1, 2] : vector<1x1x16xf32> to vector<1xf32>
      %reduce_max3A_1328 = vector.shape_cast %reduce_max3A_1327 : vector<1xf32> to vector<1x1x1xf32>
      %reduce_max3A_1329 = vector.extract %reduce_max3A_1328[0, 0, 0] : f32 from vector<1x1x1xf32>
      %add3A_1330 = arith.addf %add3A_1309, %reduce_max3A_1329 : f32
      %eq3A_1331 = vector.broadcast %reduce_max3A_1329 : f32 to vector<1x16xf32>
      %eq3A_1332 = arith.cmpf oeq, %select_n3A_1324, %eq3A_1331 : vector<1x16xf32>
      %jit3A_1333 = arith.constant 1000 : i32
      %broadcast_in_dim3A_1334 = vector.broadcast %jit3A_1333 : i32 to vector<1x16xi32>
      %select_n3A_1335 = arith.select %eq3A_1332, %iota3A_1262, %broadcast_in_dim3A_1334 : vector<1x16xi1>, vector<1x16xi32>
      %reduce_min3A_1336 = vector.shape_cast %select_n3A_1335 : vector<1x16xi32> to vector<1x1x16xi32>
      %reduce_min3A_1337 = arith.constant dense<2147483647> : vector<1xi32>
      %reduce_min3A_1338 = vector.multi_reduction <minsi>, %reduce_min3A_1336, %reduce_min3A_1337 [1, 2] : vector<1x1x16xi32> to vector<1xi32>
      %reduce_min3A_1339 = vector.shape_cast %reduce_min3A_1338 : vector<1xi32> to vector<1x1x1xi32>
      %reduce_min3A_1340 = vector.extract %reduce_min3A_1339[0, 0, 0] : i32 from vector<1x1x1xi32>
      %eq3A_1341 = vector.broadcast %reduce_min3A_1340 : i32 to vector<1x16xi32>
      %eq3A_1342 = arith.cmpi eq, %iota3A_1262, %eq3A_1341 : vector<1x16xi32>
      %jit3A_1343 = arith.constant -1.000000e+30 : f32
      %broadcast_in_dim3A_1344 = vector.broadcast %jit3A_1343 : f32 to vector<1x16xf32>
      %select_n3A_1345 = arith.select %eq3A_1342, %broadcast_in_dim3A_1344, %select_n3A_1324 : vector<1x16xi1>, vector<1x16xf32>
      %reduce_max3A_1346 = vector.shape_cast %select_n3A_1345 : vector<1x16xf32> to vector<1x1x16xf32>
      %reduce_max3A_1347 = arith.constant dense<0xFF800000> : vector<1xf32>
      %reduce_max3A_1348 = vector.multi_reduction <maximumf>, %reduce_max3A_1346, %reduce_max3A_1347 [1, 2] : vector<1x1x16xf32> to vector<1xf32>
      %reduce_max3A_1349 = vector.shape_cast %reduce_max3A_1348 : vector<1xf32> to vector<1x1x1xf32>
      %reduce_max3A_1350 = vector.extract %reduce_max3A_1349[0, 0, 0] : f32 from vector<1x1x1xf32>
      %add3A_1351 = arith.addf %add3A_1330, %reduce_max3A_1350 : f32
      %eq3A_1352 = vector.broadcast %reduce_max3A_1350 : f32 to vector<1x16xf32>
      %eq3A_1353 = arith.cmpf oeq, %select_n3A_1345, %eq3A_1352 : vector<1x16xf32>
      %jit3A_1354 = arith.constant 1000 : i32
      %broadcast_in_dim3A_1355 = vector.broadcast %jit3A_1354 : i32 to vector<1x16xi32>
      %select_n3A_1356 = arith.select %eq3A_1353, %iota3A_1262, %broadcast_in_dim3A_1355 : vector<1x16xi1>, vector<1x16xi32>
      %reduce_min3A_1357 = vector.shape_cast %select_n3A_1356 : vector<1x16xi32> to vector<1x1x16xi32>
      %reduce_min3A_1358 = arith.constant dense<2147483647> : vector<1xi32>
      %reduce_min3A_1359 = vector.multi_reduction <minsi>, %reduce_min3A_1357, %reduce_min3A_1358 [1, 2] : vector<1x1x16xi32> to vector<1xi32>
      %reduce_min3A_1360 = vector.shape_cast %reduce_min3A_1359 : vector<1xi32> to vector<1x1x1xi32>
      %reduce_min3A_1361 = vector.extract %reduce_min3A_1360[0, 0, 0] : i32 from vector<1x1x1xi32>
      %eq3A_1362 = vector.broadcast %reduce_min3A_1361 : i32 to vector<1x16xi32>
      %eq3A_1363 = arith.cmpi eq, %iota3A_1262, %eq3A_1362 : vector<1x16xi32>
      %jit3A_1364 = arith.constant -1.000000e+30 : f32
      %broadcast_in_dim3A_1365 = vector.broadcast %jit3A_1364 : f32 to vector<1x16xf32>
      %select_n3A_1366 = arith.select %eq3A_1363, %broadcast_in_dim3A_1365, %select_n3A_1345 : vector<1x16xi1>, vector<1x16xf32>
      %reduce_max3A_1367 = vector.shape_cast %select_n3A_1366 : vector<1x16xf32> to vector<1x1x16xf32>
      %reduce_max3A_1368 = arith.constant dense<0xFF800000> : vector<1xf32>
      %reduce_max3A_1369 = vector.multi_reduction <maximumf>, %reduce_max3A_1367, %reduce_max3A_1368 [1, 2] : vector<1x1x16xf32> to vector<1xf32>
      %reduce_max3A_1370 = vector.shape_cast %reduce_max3A_1369 : vector<1xf32> to vector<1x1x1xf32>
      %reduce_max3A_1371 = vector.extract %reduce_max3A_1370[0, 0, 0] : f32 from vector<1x1x1xf32>
      %add3A_1372 = arith.addf %add3A_1351, %reduce_max3A_1371 : f32
      %eq3A_1373 = vector.broadcast %reduce_max3A_1371 : f32 to vector<1x16xf32>
      %eq3A_1374 = arith.cmpf oeq, %select_n3A_1366, %eq3A_1373 : vector<1x16xf32>
      %jit3A_1375 = arith.constant 1000 : i32
      %broadcast_in_dim3A_1376 = vector.broadcast %jit3A_1375 : i32 to vector<1x16xi32>
      %select_n3A_1377 = arith.select %eq3A_1374, %iota3A_1262, %broadcast_in_dim3A_1376 : vector<1x16xi1>, vector<1x16xi32>
      %reduce_min3A_1378 = vector.shape_cast %select_n3A_1377 : vector<1x16xi32> to vector<1x1x16xi32>
      %reduce_min3A_1379 = arith.constant dense<2147483647> : vector<1xi32>
      %reduce_min3A_1380 = vector.multi_reduction <minsi>, %reduce_min3A_1378, %reduce_min3A_1379 [1, 2] : vector<1x1x16xi32> to vector<1xi32>
      %reduce_min3A_1381 = vector.shape_cast %reduce_min3A_1380 : vector<1xi32> to vector<1x1x1xi32>
      %reduce_min3A_1382 = vector.extract %reduce_min3A_1381[0, 0, 0] : i32 from vector<1x1x1xi32>
      %eq3A_1383 = vector.broadcast %reduce_min3A_1382 : i32 to vector<1x16xi32>
      %eq3A_1384 = arith.cmpi eq, %iota3A_1262, %eq3A_1383 : vector<1x16xi32>
      %jit3A_1385 = arith.constant -1.000000e+30 : f32
      %broadcast_in_dim3A_1386 = vector.broadcast %jit3A_1385 : f32 to vector<1x16xf32>
      %select_n3A_1387 = arith.select %eq3A_1384, %broadcast_in_dim3A_1386, %select_n3A_1366 : vector<1x16xi1>, vector<1x16xf32>
      %reduce_max3A_1388 = vector.shape_cast %select_n3A_1387 : vector<1x16xf32> to vector<1x1x16xf32>
      %reduce_max3A_1389 = arith.constant dense<0xFF800000> : vector<1xf32>
      %reduce_max3A_1390 = vector.multi_reduction <maximumf>, %reduce_max3A_1388, %reduce_max3A_1389 [1, 2] : vector<1x1x16xf32> to vector<1xf32>
      %reduce_max3A_1391 = vector.shape_cast %reduce_max3A_1390 : vector<1xf32> to vector<1x1x1xf32>
      %reduce_max3A_1392 = vector.extract %reduce_max3A_1391[0, 0, 0] : f32 from vector<1x1x1xf32>
      %add3A_1393 = arith.addf %add3A_1372, %reduce_max3A_1392 : f32
      %eq3A_1394 = vector.broadcast %reduce_max3A_1392 : f32 to vector<1x16xf32>
      %eq3A_1395 = arith.cmpf oeq, %select_n3A_1387, %eq3A_1394 : vector<1x16xf32>
      %jit3A_1396 = arith.constant 1000 : i32
      %broadcast_in_dim3A_1397 = vector.broadcast %jit3A_1396 : i32 to vector<1x16xi32>
      %select_n3A_1398 = arith.select %eq3A_1395, %iota3A_1262, %broadcast_in_dim3A_1397 : vector<1x16xi1>, vector<1x16xi32>
      %reduce_min3A_1399 = vector.shape_cast %select_n3A_1398 : vector<1x16xi32> to vector<1x1x16xi32>
      %reduce_min3A_1400 = arith.constant dense<2147483647> : vector<1xi32>
      %reduce_min3A_1401 = vector.multi_reduction <minsi>, %reduce_min3A_1399, %reduce_min3A_1400 [1, 2] : vector<1x1x16xi32> to vector<1xi32>
      %reduce_min3A_1402 = vector.shape_cast %reduce_min3A_1401 : vector<1xi32> to vector<1x1x1xi32>
      %reduce_min3A_1403 = vector.extract %reduce_min3A_1402[0, 0, 0] : i32 from vector<1x1x1xi32>
      %eq3A_1404 = vector.broadcast %reduce_min3A_1403 : i32 to vector<1x16xi32>
      %eq3A_1405 = arith.cmpi eq, %iota3A_1262, %eq3A_1404 : vector<1x16xi32>
      %jit3A_1406 = arith.constant -1.000000e+30 : f32
      %broadcast_in_dim3A_1407 = vector.broadcast %jit3A_1406 : f32 to vector<1x16xf32>
      %select_n3A_1408 = arith.select %eq3A_1405, %broadcast_in_dim3A_1407, %select_n3A_1387 : vector<1x16xi1>, vector<1x16xf32>
      %reduce_max3A_1409 = vector.shape_cast %select_n3A_1408 : vector<1x16xf32> to vector<1x1x16xf32>
      %reduce_max3A_1410 = arith.constant dense<0xFF800000> : vector<1xf32>
      %reduce_max3A_1411 = vector.multi_reduction <maximumf>, %reduce_max3A_1409, %reduce_max3A_1410 [1, 2] : vector<1x1x16xf32> to vector<1xf32>
      %reduce_max3A_1412 = vector.shape_cast %reduce_max3A_1411 : vector<1xf32> to vector<1x1x1xf32>
      %reduce_max3A_1413 = vector.extract %reduce_max3A_1412[0, 0, 0] : f32 from vector<1x1x1xf32>
      %add3A_1414 = arith.addf %add3A_1393, %reduce_max3A_1413 : f32
      %eq3A_1415 = vector.broadcast %reduce_max3A_1413 : f32 to vector<1x16xf32>
      %eq3A_1416 = arith.cmpf oeq, %select_n3A_1408, %eq3A_1415 : vector<1x16xf32>
      %jit3A_1417 = arith.constant 1000 : i32
      %broadcast_in_dim3A_1418 = vector.broadcast %jit3A_1417 : i32 to vector<1x16xi32>
      %select_n3A_1419 = arith.select %eq3A_1416, %iota3A_1262, %broadcast_in_dim3A_1418 : vector<1x16xi1>, vector<1x16xi32>
      %reduce_min3A_1420 = vector.shape_cast %select_n3A_1419 : vector<1x16xi32> to vector<1x1x16xi32>
      %reduce_min3A_1421 = arith.constant dense<2147483647> : vector<1xi32>
      %reduce_min3A_1422 = vector.multi_reduction <minsi>, %reduce_min3A_1420, %reduce_min3A_1421 [1, 2] : vector<1x1x16xi32> to vector<1xi32>
      %reduce_min3A_1423 = vector.shape_cast %reduce_min3A_1422 : vector<1xi32> to vector<1x1x1xi32>
      %reduce_min3A_1424 = vector.extract %reduce_min3A_1423[0, 0, 0] : i32 from vector<1x1x1xi32>
      %eq3A_1425 = vector.broadcast %reduce_min3A_1424 : i32 to vector<1x16xi32>
      %eq3A_1426 = arith.cmpi eq, %iota3A_1262, %eq3A_1425 : vector<1x16xi32>
      %jit3A_1427 = arith.constant -1.000000e+30 : f32
      %broadcast_in_dim3A_1428 = vector.broadcast %jit3A_1427 : f32 to vector<1x16xf32>
      %select_n3A_1429 = arith.select %eq3A_1426, %broadcast_in_dim3A_1428, %select_n3A_1408 : vector<1x16xi1>, vector<1x16xf32>
      %reduce_max3A_1430 = vector.shape_cast %select_n3A_1429 : vector<1x16xf32> to vector<1x1x16xf32>
      %reduce_max3A_1431 = arith.constant dense<0xFF800000> : vector<1xf32>
      %reduce_max3A_1432 = vector.multi_reduction <maximumf>, %reduce_max3A_1430, %reduce_max3A_1431 [1, 2] : vector<1x1x16xf32> to vector<1xf32>
      %reduce_max3A_1433 = vector.shape_cast %reduce_max3A_1432 : vector<1xf32> to vector<1x1x1xf32>
      %reduce_max3A_1434 = vector.extract %reduce_max3A_1433[0, 0, 0] : f32 from vector<1x1x1xf32>
      %add3A_1435 = arith.addf %add3A_1414, %reduce_max3A_1434 : f32
      %eq3A_1436 = vector.broadcast %reduce_max3A_1434 : f32 to vector<1x16xf32>
      %eq3A_1437 = arith.cmpf oeq, %select_n3A_1429, %eq3A_1436 : vector<1x16xf32>
      %jit3A_1438 = arith.constant 1000 : i32
      %broadcast_in_dim3A_1439 = vector.broadcast %jit3A_1438 : i32 to vector<1x16xi32>
      %select_n3A_1440 = arith.select %eq3A_1437, %iota3A_1262, %broadcast_in_dim3A_1439 : vector<1x16xi1>, vector<1x16xi32>
      %reduce_min3A_1441 = vector.shape_cast %select_n3A_1440 : vector<1x16xi32> to vector<1x1x16xi32>
      %reduce_min3A_1442 = arith.constant dense<2147483647> : vector<1xi32>
      %reduce_min3A_1443 = vector.multi_reduction <minsi>, %reduce_min3A_1441, %reduce_min3A_1442 [1, 2] : vector<1x1x16xi32> to vector<1xi32>
      %reduce_min3A_1444 = vector.shape_cast %reduce_min3A_1443 : vector<1xi32> to vector<1x1x1xi32>
      %reduce_min3A_1445 = vector.extract %reduce_min3A_1444[0, 0, 0] : i32 from vector<1x1x1xi32>
      %eq3A_1446 = vector.broadcast %reduce_min3A_1445 : i32 to vector<1x16xi32>
      %eq3A_1447 = arith.cmpi eq, %iota3A_1262, %eq3A_1446 : vector<1x16xi32>
      %jit3A_1448 = arith.constant -1.000000e+30 : f32
      %broadcast_in_dim3A_1449 = vector.broadcast %jit3A_1448 : f32 to vector<1x16xf32>
      %select_n3A_1450 = arith.select %eq3A_1447, %broadcast_in_dim3A_1449, %select_n3A_1429 : vector<1x16xi1>, vector<1x16xf32>
      %reduce_max3A_1451 = vector.shape_cast %select_n3A_1450 : vector<1x16xf32> to vector<1x1x16xf32>
      %reduce_max3A_1452 = arith.constant dense<0xFF800000> : vector<1xf32>
      %reduce_max3A_1453 = vector.multi_reduction <maximumf>, %reduce_max3A_1451, %reduce_max3A_1452 [1, 2] : vector<1x1x16xf32> to vector<1xf32>
      %reduce_max3A_1454 = vector.shape_cast %reduce_max3A_1453 : vector<1xf32> to vector<1x1x1xf32>
      %reduce_max3A_1455 = vector.extract %reduce_max3A_1454[0, 0, 0] : f32 from vector<1x1x1xf32>
      %add3A_1456 = arith.addf %add3A_1435, %reduce_max3A_1455 : f32
      %get3A_1457 = arith.constant 0 : index
      %get3A_1458 = arith.constant 0 : index
      %get3A_1459 = vector.load %arg7[%get3A_1457, %get3A_1458] : memref<1x1xf32, #tpu.memory_space<vmem>>, vector<1x1xf32>
      %get3A_1460 = vector.extract %get3A_1459[0, 0] : f32 from vector<1x1xf32>
      %div3A_1461 = arith.divf %add3A_1456, %get3A_1460 : f32
      %get3A_1462 = arith.constant 0 : index
      %get3A_1463 = arith.constant 0 : index
      %get3A_1464 = vector.load %arg8[%get3A_1462, %get3A_1463] : memref<1x1xf32, #tpu.memory_space<vmem>>, vector<1x1xf32>
      %div3A_1465 = arith.constant 1.313280e+05 : f32
      %div3A_1466 = vector.broadcast %div3A_1465 : f32 to vector<1x1xf32>
      %div3A_1467 = arith.divf %get3A_1464, %div3A_1466 : vector<1x1xf32>
      %get3A_1468 = arith.constant 0 : index
      %get3A_1469 = arith.constant 0 : index
      %get3A_1470 = vector.load %arg5[%get3A_1468, %get3A_1469] : memref<1x1xf32, #tpu.memory_space<vmem>>, vector<1x1xf32>
      %add3A_1471 = arith.addf %div3A_1467, %get3A_1470 : vector<1x1xf32>
      %reshape3A_1472 = vector.broadcast %div3A_1461 : f32 to vector<1x1xf32>
      %add3A_1473 = arith.addf %add3A_1471, %reshape3A_1472 : vector<1x1xf32>
      %swap3A_1474 = arith.constant 0 : index
      %swap3A_1475 = arith.constant 0 : index
      %swap3A_1476 = vector.load %arg8[%swap3A_1474, %swap3A_1475] : memref<1x1xf32, #tpu.memory_space<vmem>>, vector<1x1xf32>
      tpu.vector_store %arg8[%swap3A_1474, %swap3A_1475], %add3A_1473 {strides = array<i32>} : memref<1x1xf32, #tpu.memory_space<vmem>>, vector<1x1xf32>,
    } else {
    }
    return
  }
  func.func @transform_0(%arg0: i32) -> (i32, i32) {
    %c0_i32 = arith.constant 0 : i32
    %c0_i32_0 = arith.constant 0 : i32
    %c0_i32_1 = arith.constant 0 : i32
    return %c0_i32, %c0_i32_0 : i32, i32
  }
  func.func @transform_1(%arg0: i32) -> (i32, i32) {
    %c0_i32 = arith.constant 0 : i32
    %c0_i32_0 = arith.constant 0 : i32
    return %c0_i32, %arg0 : i32, i32
  }
  func.func @transform_2(%arg0: i32) -> (i32, i32) {
    %c0_i32 = arith.constant 0 : i32
    %c0_i32_0 = arith.constant 0 : i32
    return %c0_i32, %arg0 : i32, i32
  }
  func.func @transform_3(%arg0: i32) -> (i32, i32) {
    %c0_i32 = arith.constant 0 : i32
    %c0_i32_0 = arith.constant 0 : i32
    return %c0_i32, %arg0 : i32, i32
  }
  func.func @transform_4(%arg0: i32) -> (i32, i32) {
    %c0_i32 = arith.constant 0 : i32
    %c0_i32_0 = arith.constant 0 : i32
    %c0_i32_1 = arith.constant 0 : i32
    return %c0_i32, %c0_i32_0 : i32, i32
  }
  func.func @transform_5(%arg0: i32) -> (i32, i32) {
    %c0_i32 = arith.constant 0 : i32
    %c0_i32_0 = arith.constant 0 : i32
    %c0_i32_1 = arith.constant 0 : i32
    return %c0_i32, %c0_i32_0 : i32, i32
  }
  func.func @transform_6(%arg0: i32) -> (i32, i32) {
    %c0_i32 = arith.constant 0 : i32
    %c0_i32_0 = arith.constant 0 : i32
    %c0_i32_1 = arith.constant 0 : i32
    return %c0_i32, %c0_i32_0 : i32, i32
  }
  func.func @transform_7(%arg0: i32) -> (i32, i32) {
    %c0_i32 = arith.constant 0 : i32
    %c0_i32_0 = arith.constant 0 : i32
    %c0_i32_1 = arith.constant 0 : i32
    return %c0_i32, %c0_i32_0 : i32, i32
  }
}

</mosaic_0001>

<sc_bundles>
// kernel: kernel.6.cloned.1.call-start
scs
__scs_entry_jumppad:
0x0: {  	(pc) =	sbr.rel $0x88, $3  }
0x1: {  	(tag) =	ssettag $0x0;
	lr =	simm.s32 $0x1  }
0x2: {  	[smem:$0x3F86] =	sst lr;
	_ =	strace $0xD0000000  }
0x3: {  	_ = 	snop  }
0x4: {  	_ = 	snop  }
0x5: {  	_ = 	snop  }
0x6: {  	_ = 	snop  }
0x7: {  	_ = 	snop  }
__scs_overlays_trampoline_lowered:
0x8: {  	[smem:$0x3F95] =	sst s0  }
0x9: {  	[smem:$0x3F96] =	sst s1  }
0xa: {  	[smem:$0x3F97] =	sst s2  }
0xb: {  	[smem:$0x3F98] =	sst s3  }
0xc: {  	[smem:$0x3F99] =	sst s4  }
0xd: {  	[smem:$0x3F9A] =	sst s5  }
0xe: {  	[smem:$0x3F9B] =	sst s6  }
0xf: {  	[smem:$0x3F9C] =	sst s7  }
0x10: {  	[smem:$0x3F9D] =	sst s8  }
0x11: {  	[smem:$0x3F9E] =	sst s9;
	s0 =	simm.s32 @!p0 $0x0  }
0x12: {  	s1 =	sld [smem:$0x3F84];
	s0 =	simm.s32 @p0 $0x1  }
0x13: {  	[smem:$0x3F9F] =	sst s0;
	s0 =	simm.s32 @!p1 $0x0  }
0x14: {  	s2 =	sld [smem:$0x3F83];
	s0 =	simm.s32 @p1 $0x1  }
0x15: {  	[smem:$0x3FA0] =	sst s0;
	s0 =	simm.s32 @!p2 $0x0  }
0x16: {  	s3 =	sld [smem:$0x3FDB];
	s0 =	simm.s32 @p2 $0x1  }
0x17: {  	s4 =	simm.s32 $0x1BF5;
	[smem:$0x3FA2] =	sst s0  }
0x18: {  	s0 =	sld [smem:$0x3F85];
	_ =	swait.ge [sflag:s4], $0x0  }
0x19: {  	s7 =	sld [smem:$0x3F86]  }
0x1a: {  	s8 =	sadd.s32 $0xFFFFE003, lr  }
0x1b: {  	s9 =	sadd.s32 $0xFFFFFEF7, lr;
	s5 =	simm.s32 $0xFFFFFFFF;
	p2 =	slt.u32 s8, $0xFFFFF086  }
0x1c: {  	p1 =	slt.u32 s9, $0xF7A;
	s5 =	simm.s32 @!p2 $0x0  }
0x1d: {  	s5 =	simm.s32 @p1 $0x1;
	p0 =	seq.s32 s7, s2  }
0x1e: {  	s7 =	smul.u32 @!p0 $0xF7A, s2;
	p2 =	seq.s32 @!p0 s5, $0x0  }
0x1f: {  	s9 =	smul.u32 $0xF7A, s1;
	s8 =	simm.s32 @!p0 $0x1BF5;
	p2 =	por !p2, p0  }
0x20: {  	[sflag:s8] =	ssyncset.s32 @!p0 $0xFFFFF086;
	s6 =	sadd.s32 @!p0 s3, s7;
	s7 =	simm.s32 @!p0 $0x108  }
0x21: {  	s3 =	sadd.s32 s3, s9;
	s6 =	sadd.s32 @!p0 $0x88, s6;
	s7 =	simm.s32 @p2 $0x1082  }
0x22: {  	[simem:s7], [sflag:s8] =	dma.local @!p0 [hbm:s6], $0xF7A  }
0x23: {  	s9 =	sor.u32 $0xD0000000, s2;
	s6 =	simm.s32 $0x108;
	_ =	swait.ge @!p0 [sflag:s8], $0x0  }
0x24: {  	s3 =	sadd.s32 $0x88, s3;
	s6 =	simm.s32 @!p1 $0x1082;
	[sflag:s4] =	ssyncset.s32 $0xFFFFF086  }
0x25: {  	[simem:s6], [sflag:s4] =	dma.local [hbm:s3], $0xF7A  }
0x26: {  	[smem:$0x3F86] =	sst s1;
	(tag) =	ssettag s2;
	_ =	strace s9  }
0x27: {  	s1 =	sld [smem:$0x3F96]  }
0x28: {  	s2 =	sld [smem:$0x3F97]  }
0x29: {  	s4 =	sld [smem:$0x3F99]  }
0x2a: {  	p0 =	seq.s32 s5, $0x0;
	s5 =	sld [smem:$0x3F9A]  }
0x2b: {  	s6 =	sld [smem:$0x3F9B]  }
0x2c: {  	s7 =	sld [smem:$0x3F9C]  }
0x2d: {  	s3 =	simm.s32 $0x108;
	s8 =	sld [smem:$0x3F9D]  }
0x2e: {  	s3 =	simm.s32 @!p0 $0x1082;
	s9 =	sld [smem:$0x3F9E]  }
0x2f: {  	lr =	sadd.s32 s0, s3;
	s0 =	sld [smem:$0x3F95]  }
0x30: {  	s3 =	sld [smem:$0x3F98]  }
0x31: {  	[smem:$0x3FA1] =	sst s10  }
0x32: {  	s10 =	sld [smem:$0x3F9F];
	_ =	sdelay $0x3  }
0x33: {  	p0 =	seq.s32 s10, $0x1;
	s10 =	sld [smem:$0x3FA1];
	_ =	sdelay $0x3  }
0x34: {  	[smem:$0x3FA1] =	sst s10  }
0x35: {  	s10 =	sld [smem:$0x3FA0];
	_ =	sdelay $0x3  }
0x36: {  	p1 =	seq.s32 s10, $0x1;
	s10 =	sld [smem:$0x3FA1];
	_ =	sdelay $0x3  }
0x37: {  	[smem:$0x3FA1] =	sst s10  }
0x38: {  	s10 =	sld [smem:$0x3FA2]  }
0x39: {  	_ = 	snop;
	(pc) =	sbr.ind lr, $3  }
0x3a: {  	_ = 	snop  }
0x3b: {  	_ = 	snop  }
0x3c: {  	p2 =	seq.s32 s10, $0x1;
	s10 =	sld [smem:$0x3FA1]  }
0x3d: {  	_ =	shalt  }
0x3e: {  	_ =	shalt  }
0x3f: {  	_ =	shalt  }
0x40: {  	_ =	shalt  }
0x41: {  	_ =	shalt  }
0x42: {  	_ =	shalt  }
0x43: {  	_ =	shalt  }
0x44: {  	_ =	shalt  }
0x45: {  	_ =	shalt  }
0x46: {  	_ =	shalt  }
0x47: {  	_ =	shalt  }
0x48: {  	_ =	shalt  }
0x49: {  	_ =	shalt  }
0x4a: {  	_ =	shalt  }
0x4b: {  	_ =	shalt  }
0x4c: {  	_ =	shalt  }
0x4d: {  	_ =	shalt  }
0x4e: {  	_ =	shalt  }
0x4f: {  	_ =	shalt  }
0x50: {  	_ =	shalt  }
0x51: {  	_ =	shalt  }
0x52: {  	_ =	shalt  }
0x53: {  	_ =	shalt  }
0x54: {  	_ =	shalt  }
0x55: {  	_ =	shalt  }
0x56: {  	_ =	shalt  }
0x57: {  	_ =	shalt  }
0x58: {  	_ =	shalt  }
0x59: {  	_ =	shalt  }
0x5a: {  	_ =	shalt  }
0x5b: {  	_ =	shalt  }
0x5c: {  	_ =	shalt  }
0x5d: {  	_ =	shalt  }
0x5e: {  	_ =	shalt  }
0x5f: {  	_ =	shalt  }
0x60: {  	_ =	shalt  }
0x61: {  	_ =	shalt  }
0x62: {  	_ =	shalt  }
0x63: {  	_ =	shalt  }
0x64: {  	_ =	shalt  }
0x65: {  	_ =	shalt  }
0x66: {  	_ =	shalt  }
0x67: {  	_ =	shalt  }
0x68: {  	_ =	shalt  }
0x69: {  	_ =	shalt  }
0x6a: {  	_ =	shalt  }
0x6b: {  	_ =	shalt  }
0x6c: {  	_ =	shalt  }
0x6d: {  	_ =	shalt  }
0x6e: {  	_ =	shalt  }
0x6f: {  	_ =	shalt  }
0x70: {  	_ =	shalt  }
0x71: {  	_ =	shalt  }
0x72: {  	_ =	shalt  }
0x73: {  	_ =	shalt  }
0x74: {  	_ =	shalt  }
0x75: {  	_ =	shalt  }
0x76: {  	_ =	shalt  }
0x77: {  	_ =	shalt  }
0x78: {  	_ =	shalt  }
0x79: {  	_ =	shalt  }
0x7a: {  	_ =	shalt  }
0x7b: {  	_ =	shalt  }
0x7c: {  	_ =	shalt  }
0x7d: {  	_ =	shalt  }
0x7e: {  	_ =	shalt  }
0x7f: {  	_ =	shalt  }
0x80: {  	_ =	shalt  }
0x81: {  	_ =	shalt  }
0x82: {  	_ =	shalt  }
0x83: {  	_ =	shalt  }
0x84: {  	_ =	shalt  }
0x85: {  	_ =	shalt  }
0x86: {  	_ =	shalt  }
0x87: {  	_ =	shalt  }
.Lfunc_end0:
.L_simem_size_0:
called_computation_lowered:
.L_overlay_start_0:
0x88: {  	s2 =	sld [smem:$0x3FD9]  }
0x89: {  	s3 =	sld [smem:$0x3FFE];
	_ =	sdelay $0x1  }
0x8a: {  	s1 =	srdreg.scid  }
0x8b: {  	s0 =	sand.u32 $0x1, s1  }
0x8c: {  	s17 =	sshll.u32 s0, $0xA;
	s2 =	sadd.s32 s3, s2  }
0x8d: {  	s2 =	sadd.s32 s2, s17  }
0x8e: {  	[smem:$0x3FAD] =	sst s2  }
0x8f: {  	_ = 	snop  }
0x90: {  	s2 =	sld [smem:$0x3FC8];
	(tm) =	ssettm $0x1  }
0x91: {  	s18 =	sld [smem:$0x3FFB];
	_ =	sdelay $0x3  }
0x92: {  	_ =	strace s18  }
0x93: {  	s3 =	sld [smem:$0x3FFC];
	_ =	sdelay $0x3  }
0x94: {  	_ =	strace s3  }
0x95: {  	s3 =	sld [smem:$0x3FFD];
	_ =	sdelay $0x3  }
0x96: {  	_ =	strace s3  }
0x97: {  	_ =	strace $0x8FFFFFFF  }
0x98: {  	s19 =	sld [smem:$0x3FDB];
	_ =	sdelay $0x1  }
0x99: {  	s4 =	simm.s32 $_scs_section_size  }
0x9a: {  	s5 =	simm.s32 $_size__tile_overlayer_lowered;
	s6 =	simm.s32 $_tile_overlayer_lowered  }
0x9b: {  	s22 =	simm.s32 $0x1BFF;
	s21 =	sshll.u32 s6, $0x1;
	s3 =	sadd.s32 s4, s19  }
0x9c: {  	s7 =	simm.s32 $0x0;
	s20 =	sshll.u32 s5, $0x1;
	s5 =	sadd.s32 s21, s3  }
0x9d: {  	[timem:s7], [sflag:s22] =	dma.local [hbm:s5], s20  }
0x9e: {  	_ =	swait.ge [sflag:s22], s20  }
0x9f: {  	s4 =	ssub.s32 $0x0, s20;
	[sflag:s22] =	ssyncset.done $0x0  }
0xa0: {  	[sflag:s22] =	ssyncadd.s32 s4;
	_ =	sdelay $0x1  }
0xa1: {  	s23 =	simm.s32 $0x1B8B  }
0xa2: {  	_ =	swait.ge [sflag:s23], $0x1  }
0xa3: {  	[sflag:s23] =	ssyncset.done $0x0  }
0xa4: {  	s25 =	simm.s32 $0x1B8E;
	s24 =	sld [smem:$0x3FFE];
	[sflag:s23] =	ssyncadd.s32 $0xFFFFFFFF  }
0xa5: {  	s26 =	simm.s32 $execute0_lowered;
	[smem:$0x3FD2] =	sst s25  }
0xa6: {  	s5 =	sshll.u32 s26, $0x1;
	_ =	strace $0x80000046;
	[dreg:$0x1] =	wrdreg $0xFFFFFFFF  }
0xa7: {  	s28 =	simm.s32 $_size_execute0_lowered;
	s3 =	sadd.s32 s3, s5;
	[dreg:$0x0] =	wrdreg $0x0  }
0xa8: {  	s5 =	sshll.u32 s28, $0x1;
	[dreg:$0x2] =	wrdreg s3  }
0xa9: {  	[dreg:$0x3] =	wrdreg s5  }
0xaa: {  	[dreg:$0x4] =	wrdreg $0xC0  }
0xab: {  	_ =	task [dreg:s7], $0x5FFFF  }
0xac: {  	[dreg:$0x1] =	wrdreg $0xFFFFFFFF  }
0xad: {  	[dreg:$0x0] =	wrdreg $0x60  }
0xae: {  	[dreg:$0x2] =	wrdreg s2  }
0xaf: {  	[dreg:$0x3] =	wrdreg s24  }
0xb0: {  	[dreg:$0x4] =	wrdreg $0x9  }
0xb1: {  	_ =	task.clear_ibuf [dreg:s7], $0x5FFFF;
	_ =	strace $0x90000046  }
0xb2: {  	s29 =	simm.s32 $0x9;
	_ =	strace $0x80000048  }
0xb3: {  	_ =	swait.ge [sflag:s29], $0x1  }
0xb4: {  	[sflag:s29] =	ssyncadd.s32 $0xFFFFFFFF  }
0xb5: {  	_ =	strace $0x90000048  }
0xb6: {  	_ =	sfence  }
0xb7: {  	s30 =	sld [smem:$0x0];
	_ =	sdelay $0x2  }
0xb8: {  	s31 =	sshll.u32 s1, $0xD;
	s1 =	sshrl.u32 s1, $0x2  }
0xb9: {  	s3 =	sand.u32 $0x4000, s31;
	s1 =	sadd.s32 s1, s30  }
0xba: {  	s0 =	sor.u32 s3, s0;
	s1 =	sshll.u32 s1, $0x11  }
0xbb: {  	s0 =	sor.u32 s1, s0  }
0xbc: {  	s0 =	sadd.s32 $0x8F2B, s0  }
0xbd: {  	[sflag:s0] =	ssyncadd.remote.s32 $0x1  }
0xbe: {  	_ =	sfence.sel $0xFFFF  }
0xbf: {  	[dreg:$0x0] =	wrdreg $0xFFFFFFFF;
	(pc) =	sbr.abs _section_cstart, $3  }
0xc0: {  	[dreg:$0x1] =	wrdreg $0xFFFFFFFF  }
0xc1: {  	_ =	task.clear_ibuf [dreg:s7], $0x2FFFF;
	_ =	strace $0x9FFFFFFF  }
0xc2: {  	(tm) =	ssettm $0x7FFFFFFF  }
0xc3: {  	_ =	shalt  }
tec
execute0_lowered:
.L_overlay_start_1:
0x0: {  	(tag) =	ssettag $0x1  }
0x1: {  	s2 =	rddreg [dreg:$0x0]  }
0x2: {  	s1 =	srdreg.scid;
	s0 =	stileid.u32  }
0x3: {  	s4 =	rddreg [dreg:$0x1];
	s3 =	simm.s32 $0x0;
	s13 =	simm.s32 $0x18000  }
0x4: {  	s14 =	simm.s32 $0x0;
	s5 =	sand.u32 $0x1, s1;
	s1 =	rddreg [dreg:$0x2]  }
0x5: {  	s6 =	sshll.u32 s0, $0x1;
	[smem:$0x7FF] =	sst s3;
	p0 =	sgt.u32 s0, $0x7  }
0x6: {  	s6 =	sor.u32 s5, s6;
	_ =	strace $0x80000047;
	s5 =	ssub.s32 $0x2, s5  }
0x7: {  	s7 =	smul.u32 $0x2010, s6;
	s8 =	sshll.u32 s6, $0xA;
	s31 =	sshrl.u32 s5, $0x1  }
0x8: {  	s11 =	sshll.u32 s6, $0x4;
	s8 =	sadd.s32 s8, s4;
	s10 =	ssub.s32 s5, s31  }
0x9: {  	v0 =	vmov s11;
	s11 =	simm.s32 $0x4000;
	s9 =	sshrl.u32 s7, $0x3;
	s12 =	sadd.s32 $0x2010, s7  }
0xa: {  	v2 =	vlaneseq.u32;
	v3 =	vimm.f32 $0.0e+00;
	s5 =	sadd.s32 $0x3000, s8;
	v1 =	vmov s7;
	s7 =	smax.u32 s10, $0x1;
	s8 =	simm.s32 $0x80  }
0xb: {  	vm0 =	vmmov $0xff;
	v5 =	vimm.f32 $1.000000000e+00;
	v4 =	vand.u32 $0x7, v2;
	s10 =	simm.s32 $0x1;
	s9 =	sadd.s32 s9, s4;
	s4 =	sadd.s32 $0x10, s2  }
0xc: {  	vm1 =	vcmask $0x3F20;
	v4 =	vmul.u32 $0x2000, v4;
	v2 =	vmov s12;
	s12 =	simm.s32 $0x8000;
	s6 =	sadd.s32 $0xB000, s9;
	s9 =	simm.s32 $0x100  }
.LBB2_1:
0xd: {  	[tilespmem:s3], [sflag:$0x1] =	stream.strided.gather [hbm4b:s2+s8], $0x4000, s9, s8, $0x38;
	[tilespmem:$0x1A080] =	vst v63  }
0xe: {  	_ =	swait.ge [sflag:s10], $0x4000  }
0xf: {  	[sflag:s10] =	ssyncset.done $0x0  }
0x10: {  	[sflag:s10] =	ssyncadd.s32 $0xFFFFC000  }
0x11: {  	[tilespmem:s11], [sflag:$0x1] =	stream.strided.gather [hbm4b:s4+s8], $0x4000, s9, s8, $0x38;
	[tilespmem:$0x1A080] =	vst v63  }
0x12: {  	_ =	swait.ge [sflag:s10], $0x4000  }
0x13: {  	[sflag:s10] =	ssyncset.done $0x0  }
0x14: {  	s15 =	simm.s32 $0x0;
	s16 =	simm.s32 $0x200;
	[sflag:s10] =	ssyncadd.s32 $0xFFFFC000  }
.LBB2_2:
0x15: {  	p1 =	sne.s32 s16, $0x3FE00;
	[tilespmem:s15+$0x8070] =	vst v3  }
0x16: {  	[tilespmem:s15+$0x8000] =	vst v3  }
0x17: {  	[tilespmem:s15+$0x8010] =	vst v3  }
.Ltmp0:
0x18: {  	[tilespmem:s15+$0x8020] =	vst v3;
	(pc) =	sbr.rel @p1 .LBB2_2-.Ltmp0, $4  }
0x19: {  	[tilespmem:s15+$0x8030] =	vst v3  }
0x1a: {  	[tilespmem:s15+$0x8040] =	vst v3  }
0x1b: {  	[tilespmem:s15+$0x8050] =	vst v3  }
0x1c: {  	[tilespmem:s15+$0x8060] =	vst v3;
	s15 =	sshra.s32 s16, $0x2;
	s16 =	sadd.s32 $0x200, s16  }
0x1d: {  	[tilespmem:s15+$0x8070] =	vst v3  }
0x1e: {  	[tilespmem:s15+$0x8000] =	vst v3  }
0x1f: {  	[tilespmem:s15+$0x8010] =	vst v3  }
.Ltmp1:
0x20: {  	[tilespmem:s15+$0x8020] =	vst v3;
	(pc) =	sbr.rel @p0 .LBB2_7-.Ltmp1, $4  }
0x21: {  	[tilespmem:s15+$0x8030] =	vst v3  }
0x22: {  	[tilespmem:s15+$0x8040] =	vst v3  }
0x23: {  	[tilespmem:s15+$0x8050] =	vst v3  }
0x24: {  	[tilespmem:s15+$0x8060] =	vst v3  }
0x25: {  	s15 =	simm.s32 $0x18040  }
0x26: {  	[tilespmem:s15+$0xFFFFFFD0] =	vst v3  }
0x27: {  	[tilespmem:s15+$0xFFFFFFE0] =	vst v3  }
0x28: {  	[tilespmem:s15+$0xFFFFFFF0] =	vst v3  }
0x29: {  	[tilespmem:s15+$0x0] =	vst v3  }
0x2a: {  	[tilespmem:s15+$0x10] =	vst v3  }
0x2b: {  	[tilespmem:s15+$0x20] =	vst v3  }
0x2c: {  	s16 =	simm.s32 $0x0;
	[tilespmem:s15+$0x30] =	vst v3  }
0x2d: {  	[tilespmem:s15+$0xFFFFFFC0] =	vst v3;
	s17 =	sand.u32 $0x3FF0, s16;
	s16 =	simm.s32 $0x90  }
.LBB2_5:
0x2e: {  	p1 =	sne.s32 s16, $0x1F80;
	[tilespmem:s17+$0x18080] =	vst v3;
	s15 =	sadd.s32 $0x90, s15  }
0x2f: {  	[tilespmem:s15+$0xFFFFFFD0] =	vst v3  }
0x30: {  	[tilespmem:s15+$0xFFFFFFE0] =	vst v3  }
0x31: {  	[tilespmem:s15+$0xFFFFFFF0] =	vst v3  }
.Ltmp2:
0x32: {  	[tilespmem:s15+$0x0] =	vst v3;
	(pc) =	sbr.rel @p1 .LBB2_5-.Ltmp2, $4  }
0x33: {  	[tilespmem:s15+$0x10] =	vst v3  }
0x34: {  	[tilespmem:s15+$0x20] =	vst v3  }
0x35: {  	[tilespmem:s15+$0x30] =	vst v3  }
0x36: {  	s17 =	sand.u32 $0x3FF0, s16;
	s16 =	sadd.s32 $0x90, s16;
	[tilespmem:s15+$0xFFFFFFC0] =	vst v3  }
0x37: {  	[tilespmem:s17+$0x18080] =	vst v3  }
.LBB2_7:
0x38: {  	s15 =	simm.s32 $0x0;
	s16 =	simm.s32 $0x0  }
.LBB2_8:
0x39: {  	s17 =	sshra.s32 s16, $0x2  }
0x3a: {  	v6 =	vld [tilespmem:s17+$0x0];
	_ =	sdelay $0x1  }
0x3b: {  	v7 =	vld [tilespmem:s17+$0x4000];
	_ =	sdelay $0x2  }
0x3c: {  	v8 =	vadd.s32 $0xFFFFFFFF, v6  }
0x3d: {  	v8 =	vmul.u32 v6, v8  }
0x3e: {  	v9 =	vsub.s32 v7, v0;
	v10 =	vshll.u32 v6, $0x9  }
0x3f: {  	vm2 =	vlt.u32 v9, $0x10;
	v9 =	vshll.u32 v9, $0x9;
	v8 =	vshra.s32 v8, $0x1  }
0x40: {  	v51 =	vsub.s32 v7, v6;
	v9 =	vadd.s32 v9, v6;
	v8 =	vsub.s32 v10, v8  }
0x41: {  	vm4 =	vge.s32 v7, v6;
	v9 =	vadd.s32 v4, v9;
	v8 =	vadd.s32 v51, v8  }
0x42: {  	vm3 =	vmand vm2, vm0;
	v9 =	vnsel vm2, $0x0, v9;
	vm5 =	vge.s32 v8, v1  }
0x43: {  	vm2 =	vmand vm2, vm1;
	vm14 =	vlt.s32 v8, v2;
	vm4 =	vmand vm4, vm5  }
0x44: {  	v6 =	vsub.s32 v8, v1;
	vm4 =	vmand vm14, vm4  }
0x45: {  	v6 =	vnsel vm4, $0x0, v6;
	_ =	sdelay $0x2  }
0x46: {  	[tilespmem:v9+s12+$0x0] =	vst.idx.add.f32.msk vm3, v5  }
0x47: {  	[tilespmem:v9+s12+$0x0] =	vst.idx.add.f32.msk vm2, v5  }
0x48: {  	[tilespmem:v6+s13+$0x0] =	vst.idx.msk vm4, v5  }
0x49: {  	v6 =	vld [tilespmem:s17+$0x10];
	_ =	sdelay $0x1  }
0x4a: {  	v7 =	vld [tilespmem:s17+$0x4010];
	_ =	sdelay $0x2  }
0x4b: {  	v52 =	vadd.s32 $0xFFFFFFFF, v6  }
0x4c: {  	v8 =	vmul.u32 v6, v52  }
0x4d: {  	v53 =	vsub.s32 v7, v0;
	v54 =	vshll.u32 v6, $0x9  }
0x4e: {  	v55 =	vsub.s32 v7, v6;
	v9 =	vshll.u32 v53, $0x9;
	v8 =	vshra.s32 v8, $0x1  }
0x4f: {  	vm15 =	vge.s32 v7, v6;
	v9 =	vadd.s32 v9, v6;
	v8 =	vsub.s32 v54, v8  }
0x50: {  	vm2 =	vlt.u32 v53, $0x10;
	v9 =	vadd.s32 v4, v9;
	v8 =	vadd.s32 v55, v8  }
0x51: {  	vm3 =	vmand vm2, vm0;
	v9 =	vnsel vm2, $0x0, v9;
	vm8 =	vge.s32 v8, v1  }
0x52: {  	vm2 =	vmand vm2, vm1;
	vm9 =	vlt.s32 v8, v2;
	vm4 =	vmand vm15, vm8  }
0x53: {  	v6 =	vsub.s32 v8, v1;
	vm4 =	vmand vm9, vm4  }
0x54: {  	v6 =	vnsel vm4, $0x0, v6;
	_ =	sdelay $0x2  }
0x55: {  	[tilespmem:v9+s12+$0x0] =	vst.idx.add.f32.msk vm3, v5  }
0x56: {  	[tilespmem:v9+s12+$0x0] =	vst.idx.add.f32.msk vm2, v5  }
0x57: {  	[tilespmem:v6+s13+$0x0] =	vst.idx.msk vm4, v5  }
0x58: {  	v6 =	vld [tilespmem:s17+$0x20];
	_ =	sdelay $0x1  }
0x59: {  	v7 =	vld [tilespmem:s17+$0x4020];
	_ =	sdelay $0x2  }
0x5a: {  	v56 =	vadd.s32 $0xFFFFFFFF, v6  }
0x5b: {  	v8 =	vmul.u32 v6, v56  }
0x5c: {  	v57 =	vsub.s32 v7, v0;
	v58 =	vshll.u32 v6, $0x9  }
0x5d: {  	v59 =	vsub.s32 v7, v6;
	v9 =	vshll.u32 v57, $0x9;
	v8 =	vshra.s32 v8, $0x1  }
0x5e: {  	vm10 =	vge.s32 v7, v6;
	v9 =	vadd.s32 v9, v6;
	v8 =	vsub.s32 v58, v8  }
0x5f: {  	vm2 =	vlt.u32 v57, $0x10;
	v9 =	vadd.s32 v4, v9;
	v8 =	vadd.s32 v59, v8  }
0x60: {  	vm3 =	vmand vm2, vm0;
	v9 =	vnsel vm2, $0x0, v9;
	vm11 =	vge.s32 v8, v1  }
0x61: {  	vm2 =	vmand vm2, vm1;
	vm12 =	vlt.s32 v8, v2;
	vm4 =	vmand vm10, vm11  }
0x62: {  	v6 =	vsub.s32 v8, v1;
	vm4 =	vmand vm12, vm4  }
0x63: {  	v6 =	vnsel vm4, $0x0, v6;
	_ =	sdelay $0x2  }
0x64: {  	[tilespmem:v9+s12+$0x0] =	vst.idx.add.f32.msk vm3, v5  }
0x65: {  	[tilespmem:v9+s12+$0x0] =	vst.idx.add.f32.msk vm2, v5  }
0x66: {  	[tilespmem:v6+s13+$0x0] =	vst.idx.msk vm4, v5  }
0x67: {  	v6 =	vld [tilespmem:s17+$0x30];
	_ =	sdelay $0x1  }
0x68: {  	v7 =	vld [tilespmem:s17+$0x4030];
	_ =	sdelay $0x2  }
0x69: {  	v60 =	vadd.s32 $0xFFFFFFFF, v6  }
0x6a: {  	v8 =	vmul.u32 v6, v60  }
0x6b: {  	v61 =	vsub.s32 v7, v0;
	v62 =	vshll.u32 v6, $0x9  }
0x6c: {  	v63 =	vsub.s32 v7, v6;
	v9 =	vshll.u32 v61, $0x9;
	v8 =	vshra.s32 v8, $0x1  }
0x6d: {  	vm13 =	vge.s32 v7, v6;
	v9 =	vadd.s32 v9, v6;
	v8 =	vsub.s32 v62, v8  }
0x6e: {  	vm2 =	vlt.u32 v61, $0x10;
	v9 =	vadd.s32 v4, v9;
	v8 =	vadd.s32 v63, v8  }
0x6f: {  	vm3 =	vmand vm2, vm0;
	v9 =	vnsel vm2, $0x0, v9;
	vm14 =	vge.s32 v8, v1  }
0x70: {  	vm2 =	vmand vm2, vm1;
	vm15 =	vlt.s32 v8, v2;
	vm4 =	vmand vm13, vm14  }
0x71: {  	v6 =	vsub.s32 v8, v1;
	vm4 =	vmand vm15, vm4  }
0x72: {  	p1 =	sne.s32 s16, $0xFF00;
	v6 =	vnsel vm4, $0x0, v6  }
.Ltmp3:
0x73: {  	_ = 	snop;
	(pc) =	sbr.rel @p1 .LBB2_8-.Ltmp3, $4  }
0x74: {  	_ = 	snop  }
0x75: {  	[tilespmem:v9+s12+$0x0] =	vst.idx.add.f32.msk vm3, v5  }
0x76: {  	[tilespmem:v9+s12+$0x0] =	vst.idx.add.f32.msk vm2, v5  }
0x77: {  	s16 =	sadd.s32 $0x100, s16;
	[tilespmem:v6+s13+$0x0] =	vst.idx.msk vm4, v5  }
0x78: {  	s16 =	simm.s32 $0x0  }
0x79: {  	v6 =	vld [tilespmem:s16+$0xC010]  }
0x7a: {  	v7 =	vld [tilespmem:s16+$0xA010]  }
0x7b: {  	v8 =	vld [tilespmem:s16+$0x8010]  }
0x7c: {  	s18 =	sand.u32 $0x1FE0, s15;
	v9 =	vld [tilespmem:s16+$0x8000]  }
0x7d: {  	v10 =	vld [tilespmem:s18+$0xA000]  }
0x7e: {  	v11 =	vld [tilespmem:s18+$0xC000]  }
0x7f: {  	v12 =	vld [tilespmem:s16+$0xE010]  }
0x80: {  	v13 =	vld [tilespmem:s18+$0xE000];
	v7 =	vadd.f32 v7, v8  }
0x81: {  	v8 =	vld [tilespmem:s16+$0x10010]  }
0x82: {  	v9 =	vadd.f32 v10, v9;
	v10 =	vld [tilespmem:s18+$0x10000];
	v6 =	vadd.f32 v6, v7  }
0x83: {  	v7 =	vld [tilespmem:s16+$0x12010]  }
0x84: {  	v62 =	vld [tilespmem:s16+$0x14010];
	v9 =	vadd.f32 v11, v9;
	v6 =	vadd.f32 v12, v6  }
0x85: {  	v11 =	vld [tilespmem:s18+$0x12000]  }
0x86: {  	v9 =	vadd.f32 v13, v9;
	v6 =	vadd.f32 v8, v6  }
0x87: {  	v8 =	vld [tilespmem:s18+$0x14000]  }
0x88: {  	v9 =	vadd.f32 v10, v9;
	v63 =	vadd.f32 v7, v6;
	v6 =	vld [tilespmem:s16+$0x16010]  }
0x89: {  	v7 =	vld [tilespmem:s18+$0x16000]  }
0x8a: {  	s17 =	simm.s32 $0x80;
	v10 =	vadd.f32 v11, v9;
	v9 =	vadd.f32 v62, v63  }
.LBB2_10:
0x8b: {  	p1 =	sne.s32 s17, $0x7F80  }
0x8c: {  	v8 =	vadd.f32 v8, v10;
	s15 =	sadd.s32 $0x20, s15;
	s18 =	smov.u32 s17;
	s17 =	sadd.s32 $0x80, s17  }
0x8d: {  	s18 =	sshra.s32 s18, $0x2;
	s19 =	sand.u32 $0x1FE0, s15;
	v6 =	vadd.f32 v6, v9  }
0x8e: {  	v9 =	vld [tilespmem:s18+$0xC010];
	v7 =	vadd.f32 v7, v8  }
0x8f: {  	v8 =	vld [tilespmem:s18+$0xA010];
	[tilespmem:s16+$0x8010] =	vst v6  }
0x90: {  	v6 =	vld [tilespmem:s18+$0x8010];
	[tilespmem:s16+$0x8000] =	vst v7;
	s16 =	smov.u32 s18  }
0x91: {  	v7 =	vld [tilespmem:s16+$0x8000]  }
0x92: {  	v10 =	vld [tilespmem:s19+$0xA000]  }
0x93: {  	v11 =	vld [tilespmem:s19+$0xC000]  }
0x94: {  	v12 =	vld [tilespmem:s16+$0xE010]  }
0x95: {  	v13 =	vld [tilespmem:s19+$0xE000]  }
0x96: {  	v6 =	vadd.f32 v8, v6;
	v14 =	vld [tilespmem:s16+$0x10010]  }
0x97: {  	v7 =	vadd.f32 v10, v7;
	v10 =	vld [tilespmem:s19+$0x10000]  }
0x98: {  	v6 =	vadd.f32 v9, v6;
	v9 =	vld [tilespmem:s16+$0x12010]  }
0x99: {  	v7 =	vadd.f32 v11, v7;
	v11 =	vld [tilespmem:s19+$0x12000]  }
0x9a: {  	v6 =	vadd.f32 v12, v6;
	v12 =	vld [tilespmem:s16+$0x14010]  }
0x9b: {  	v7 =	vadd.f32 v13, v7;
	v8 =	vld [tilespmem:s19+$0x14000]  }
.Ltmp4:
0x9c: {  	v13 =	vadd.f32 v14, v6;
	v6 =	vld [tilespmem:s16+$0x16010];
	(pc) =	sbr.rel @p1 .LBB2_10-.Ltmp4, $4  }
0x9d: {  	v10 =	vadd.f32 v10, v7;
	v7 =	vld [tilespmem:s19+$0x16000]  }
0x9e: {  	v9 =	vadd.f32 v9, v13  }
0x9f: {  	v10 =	vadd.f32 v11, v10  }
0xa0: {  	v9 =	vadd.f32 v12, v9  }
0xa1: {  	v8 =	vadd.f32 v8, v10  }
0xa2: {  	v6 =	vadd.f32 v6, v9  }
0xa3: {  	v7 =	vadd.f32 v7, v8  }
0xa4: {  	[tilespmem:s16+$0x8010] =	vst v6  }
0xa5: {  	[tilespmem:s16+$0x8000] =	vst v7  }
0xa6: {  	[hbm4b:s5+s3] =	stream.linear.scatter [tilespmem:s12], [sflag:$0x1], $0x2000, $0x38;
	[tilespmem:$0x1A080] =	vst v63  }
0xa7: {  	_ =	swait.ge [sflag:s10], $0x2000  }
0xa8: {  	s15 =	simm.s32 @!p0 $0x0;
	s14 =	sadd.s32 $0x1, s14;
	[sflag:s10] =	ssyncset.done $0x0  }
0xa9: {  	p1 =	sne.s32 s14, s7;
	s16 =	simm.s32 @!p0 $0x18000;
	[sflag:s10] =	ssyncadd.s32 $0xFFFFE000  }
0xaa: {  	[hbm4b:s6+s15] =	stream.linear.scatter @!p0 [tilespmem:s16], [sflag:$0x1], $0x2010, $0x38;
	[tilespmem:$0x1A080] =	vst v63  }
.Ltmp5:
0xab: {  	_ = 	snop;
	(pc) =	sbr.rel @p1 .LBB2_1-.Ltmp5, $4  }
0xac: {  	s15 =	simm.s32 @!p0 $0x1  }
0xad: {  	_ =	swait.ge @!p0 [sflag:s15], $0x2010  }
0xae: {  	[sflag:s15] =	ssyncset.done @!p0 $0x0  }
0xaf: {  	[sflag:s15] =	ssyncadd.s32 @!p0 $0xFFFFDFF0  }
0xb0: {  	_ =	sfence.sel $0x180000  }
0xb1: {  	[bflag:$0x0] =	sbarrier.arrive $0xFFFF  }
0xb2: {  	p0 =	sne.s32 s0, $0x0;
	_ =	strace $0x90000047  }
0xb3: {  	s0 =	sadd.s32 @!p0 $0x100000, s1;
	[bflag:$0x2] =	sbarrier.arrive $0xFFFF  }
0xb4: {  	[sflag:s0] =	ssyncadd.tile.s32 @!p0 $0x1;
	_ =	shalt  }
.Lfunc_end2:
_tile_overlayer_lowered:
.L_overlay_start_2:
0xb5: {  	(tag) =	ssettag $0x2  }
0xb6: {  	s0 =	rddreg [dreg:$0x0];
	s2 =	stileid.u32  }
0xb7: {  	s1 =	rddreg [dreg:$0x1];
	p0 =	sne.s32 s2, $0x0  }
0xb8: {  	s3 =	rddreg [dreg:$0x2];
	[bflag:$0x3] =	sbarrier.arrive $0xFFFF;
	s2 =	simm.s32 @!p0 $0x1C01  }
0xb9: {  	[timem:s3], [sflag:s2] =	dma.local @!p0 [hbm:s0], s1  }
0xba: {  	s0 =	simm.s32 @!p0 $0x1  }
0xbb: {  	_ =	swait.ge @!p0 [sflag:s0], s1  }
0xbc: {  	s1 =	ssub.s32 @!p0 $0x0, s1;
	[sflag:s0] =	ssyncset.done @!p0 $0x0  }
0xbd: {  	[sflag:s0] =	ssyncadd.s32 @!p0 s1  }
0xbe: {  	[bflag:$0x3] =	sbarrier.arrive $0xFFFF  }
0xbf: {  	_ =	shalt  }

</sc_bundles>
